<compile_context>
chip_gen: v7x
topology: tpu7x:2x2x1
jax: 0.10.2.dev20260603
libtpu: 0.0.44.dev20260713+nightly
codegen_flags: <defaults>
</compile_context>

<pallas_src>
import functools

import jax
import jax.numpy as jnp
from jax import lax
from jax.experimental import pallas as pl
from jax.experimental.pallas import tpu as pltpu
from jax.experimental.pallas import tpu_sc as plsc

N = 10000
E = 320000
D = 128
DE = 16
H = 128

NC = 2
NS = 16
NW = NC * NS
EPW = E // NW
CH = 80
NCHUNK = EPW // CH
NPAIR = NCHUNK // 2
BPAIR = 12
BCH = 25
NBLK = NCHUNK // BCH
RPT = 640
NP = NS * RPT
ZB = 32

TE = 2560

_f32 = jnp.float32

_mesh = plsc.VectorSubcoreMesh(
    core_axis_name="c", subcore_axis_name="s", num_cores=NC, num_subcores=NS)


def _make_agg(w):
  out_type = [jax.ShapeDtypeStruct((NC * NP, w), _f32)]
  scratch = [
      pltpu.VMEM_SHARED((NP, w), _f32),
      pltpu.VMEM((BCH, CH), jnp.int32),
      pltpu.VMEM((BCH, CH), jnp.int32),
      pltpu.VMEM((CH, w), _f32),
      pltpu.VMEM((CH, w), _f32),
      pltpu.SemaphoreType.DMA,
      pltpu.SemaphoreType.DMA,
  ]

  def body(h_hbm, src_hbm, dst_hbm, zr_hbm, out_hbm, acc, sidx, didx,
           rows0, rows1, sem0, sem1):
    c = lax.axis_index("c")
    s = lax.axis_index("s")
    wid = c * NS + s
    roff = s * RPT

    def zcp(r, _):
      pltpu.sync_copy(zr_hbm, acc.at[pl.ds(roff + r * ZB, ZB)])
      return 0
    lax.fori_loop(0, RPT // ZB, zcp, 0)

    plsc.subcore_barrier()

    def blk(b, _):
      pltpu.sync_copy(src_hbm.at[wid, b], sidx)
      pltpu.sync_copy(dst_hbm.at[wid, b], didx)

      pltpu.async_copy(h_hbm.at[sidx.at[0]], rows0, sem0)
      pltpu.async_copy(h_hbm.at[sidx.at[1]], rows1, sem1)

      def pair(i, _):
        j0 = 2 * i
        pltpu.make_async_copy(h_hbm.at[sidx.at[j0]], rows0, sem0).wait()
        pltpu.sync_copy(rows0, acc.at[didx.at[j0]], add=True)
        pltpu.async_copy(h_hbm.at[sidx.at[j0 + 2]], rows0, sem0)

        @pl.when(i < BPAIR - 1)
        def _():
          pltpu.make_async_copy(h_hbm.at[sidx.at[j0 + 1]], rows1,
                                sem1).wait()
          pltpu.sync_copy(rows1, acc.at[didx.at[j0 + 1]], add=True)
          pltpu.async_copy(h_hbm.at[sidx.at[j0 + 3]], rows1, sem1)
        return 0
      lax.fori_loop(0, BPAIR, pair, 0)

      pltpu.make_async_copy(h_hbm.at[sidx.at[BCH - 2]], rows1, sem1).wait()
      pltpu.sync_copy(rows1, acc.at[didx.at[BCH - 2]], add=True)
      pltpu.make_async_copy(h_hbm.at[sidx.at[BCH - 1]], rows0, sem0).wait()
      pltpu.sync_copy(rows0, acc.at[didx.at[BCH - 1]], add=True)
      return 0
    lax.fori_loop(0, NBLK, blk, 0)

    plsc.subcore_barrier()

    pltpu.sync_copy(acc.at[pl.ds(roff, RPT)],
                    out_hbm.at[pl.ds(c * NP + roff, RPT)])

  return functools.partial(
      pl.kernel, mesh=_mesh, out_type=out_type, scratch_types=scratch)(body)


_agg = _make_agg(H)


@functools.partial(
    pl.kernel, mesh=_mesh,
    out_type=[jax.ShapeDtypeStruct((NC * NP, H), _f32)],
    scratch_types=[
        pltpu.VMEM_SHARED((NP, H), _f32),
        pltpu.VMEM((BCH, CH), jnp.int32),
        pltpu.VMEM((CH, H), _f32),
    ])
def _deg(dst_hbm, zr_hbm, one_hbm, out_hbm, dacc, didx, ones):
  c = lax.axis_index("c")
  s = lax.axis_index("s")
  wid = c * NS + s
  roff = s * RPT

  def zcp(r, _):
    pltpu.sync_copy(zr_hbm, dacc.at[pl.ds(roff + r * ZB, ZB)])
    return 0
  lax.fori_loop(0, RPT // ZB, zcp, 0)
  pltpu.sync_copy(one_hbm, ones)

  plsc.subcore_barrier()

  def blk(b, _):
    pltpu.sync_copy(dst_hbm.at[wid, b], didx)

    def step(j, _):
      pltpu.sync_copy(ones, dacc.at[didx.at[j]], add=True)
      return 0
    return lax.fori_loop(0, BCH, step, 0)
  lax.fori_loop(0, NBLK, blk, 0)

  plsc.subcore_barrier()

  pltpu.sync_copy(dacc.at[pl.ds(roff, RPT)],
                  out_hbm.at[pl.ds(c * NP + roff, RPT)])


@functools.partial(
    pl.kernel, mesh=_mesh,
    out_type=[jax.ShapeDtypeStruct((E, H), _f32),
              jax.ShapeDtypeStruct((E, H), _f32)],
    scratch_types=[
        pltpu.VMEM((NCHUNK, CH), jnp.int32),
        pltpu.VMEM((NCHUNK, CH), jnp.int32),
        pltpu.VMEM((CH, H), _f32),
        pltpu.VMEM((CH, H), _f32),
        pltpu.VMEM((CH, H), _f32),
        pltpu.VMEM((CH, H), _f32),
        pltpu.SemaphoreType.DMA,
        pltpu.SemaphoreType.DMA,
        pltpu.SemaphoreType.DMA,
        pltpu.SemaphoreType.DMA,
    ])
def _pairgather(ha_hbm, hb_hbm, src_hbm, dst_hbm, ga_hbm, gb_hbm,
                sidx, didx, bufa0, bufb0, bufa1, bufb1,
                sema0, semb0, sema1, semb1):
  c = lax.axis_index("c")
  s = lax.axis_index("s")
  wid = c * NS + s
  wbase = wid * EPW

  pltpu.sync_copy(src_hbm.at[wid], sidx)
  pltpu.sync_copy(dst_hbm.at[wid], didx)

  def fire(j, ba, bb, sa, sb):
    pltpu.async_copy(ha_hbm.at[sidx.at[j]], ba, sa)
    pltpu.async_copy(hb_hbm.at[didx.at[j]], bb, sb)

  def drain_write(j, ba, bb, sa, sb):
    pltpu.make_async_copy(ha_hbm.at[sidx.at[j]], ba, sa).wait()
    pltpu.make_async_copy(hb_hbm.at[didx.at[j]], bb, sb).wait()
    pltpu.sync_copy(ba, ga_hbm.at[pl.ds(wbase + j * CH, CH)])
    pltpu.sync_copy(bb, gb_hbm.at[pl.ds(wbase + j * CH, CH)])

  fire(0, bufa0, bufb0, sema0, semb0)
  fire(1, bufa1, bufb1, sema1, semb1)

  def pair(i, _):
    j0 = 2 * i
    drain_write(j0, bufa0, bufb0, sema0, semb0)
    fire(j0 + 2, bufa0, bufb0, sema0, semb0)

    @pl.when(i < NPAIR - 1)
    def _():
      drain_write(j0 + 1, bufa1, bufb1, sema1, semb1)
      fire(j0 + 3, bufa1, bufb1, sema1, semb1)
    return 0
  lax.fori_loop(0, NPAIR, pair, 0)

  drain_write(NCHUNK - 2, bufa1, bufb1, sema1, semb1)
  drain_write(NCHUNK - 1, bufa0, bufb0, sema0, semb0)


def _prep_body(x_ref, ew_ref, eb_ref, eew2_ref, w1c_ref, eeb2_ref, epb1_ref,
               h_ref, m_ref, cv_ref):
  h_ref[:] = jnp.maximum(
      jnp.dot(x_ref[:], ew_ref[:], preferred_element_type=_f32) + eb_ref[:],
      0.0)
  m_ref[:] = jnp.dot(eew2_ref[:], w1c_ref[:], preferred_element_type=_f32)
  cv_ref[:] = (jnp.dot(eeb2_ref[:], w1c_ref[:], preferred_element_type=_f32)
               + epb1_ref[:])


_prep = pl.pallas_call(
    _prep_body,
    out_shape=[
        jax.ShapeDtypeStruct((N, H), _f32),
        jax.ShapeDtypeStruct((H, H), _f32),
        jax.ShapeDtypeStruct((1, H), _f32),
    ])


def _sage_update(aggp_ref, degp_ref, h_ref, wl_ref, bl_ref, wr_ref,
                 g_ref, b_ref):
  agg = aggp_ref[0] + aggp_ref[1]
  dg = degp_ref[0] + degp_ref[1]
  invd = 1.0 / jnp.maximum(dg[:, 0:1], 1.0)
  hn = (jnp.dot(agg * invd, wl_ref[:], preferred_element_type=_f32)
        + bl_ref[:]
        + jnp.dot(h_ref[:], wr_ref[:], preferred_element_type=_f32))
  mu = jnp.mean(hn, axis=0, keepdims=True)
  var = jnp.mean((hn - mu) ** 2, axis=0, keepdims=True)
  hn = (hn - mu) / jnp.sqrt(var + 1e-5) * g_ref[:] + b_ref[:]
  return h_ref[:] + jnp.maximum(hn, 0.0)


def _layer_body(aggp_ref, degp_ref, h_ref, wl_ref, bl_ref, wr_ref,
                g_ref, b_ref, out_ref):
  out_ref[:] = _sage_update(aggp_ref, degp_ref, h_ref, wl_ref, bl_ref,
                            wr_ref, g_ref, b_ref)


def _layer_final_body(aggp_ref, degp_ref, h_ref, wl_ref, bl_ref, wr_ref,
                      g_ref, b_ref, w1a_ref, w1b_ref,
                      out_ref, ha_ref, hb_ref):
  hnew = _sage_update(aggp_ref, degp_ref, h_ref, wl_ref, bl_ref, wr_ref,
                      g_ref, b_ref)
  out_ref[:] = hnew
  ha_ref[:] = jnp.dot(hnew, w1a_ref[:], preferred_element_type=_f32)
  hb_ref[:] = jnp.dot(hnew, w1b_ref[:], preferred_element_type=_f32)


_layer = pl.pallas_call(
    _layer_body, out_shape=jax.ShapeDtypeStruct((N, H), _f32))

_layer_final = pl.pallas_call(
    _layer_final_body,
    out_shape=[
        jax.ShapeDtypeStruct((N, H), _f32),
        jax.ShapeDtypeStruct((N, H), _f32),
        jax.ShapeDtypeStruct((N, H), _f32),
    ])


def _edge_body(ga_ref, gb_ref, ea_ref, eew1_ref, eeb1_ref, m_ref, cv_ref,
               w2_ref, b2_ref, w3_ref, b3_ref, out_ref):
  t = jnp.maximum(
      jnp.dot(ea_ref[:], eew1_ref[:], preferred_element_type=_f32)
      + eeb1_ref[:], 0.0)
  z = jnp.maximum(
      ga_ref[:] + gb_ref[:]
      + jnp.dot(t, m_ref[:], preferred_element_type=_f32)
      + cv_ref[:], 0.0)
  z2 = jnp.maximum(
      jnp.dot(z, w2_ref[:], preferred_element_type=_f32) + b2_ref[:], 0.0)
  o = jnp.sum(z2 * w3_ref[:], axis=1, keepdims=True) + b3_ref[0, 0]
  out_ref[:] = 1.0 / (1.0 + jnp.exp(-o))


_edge = pl.pallas_call(
    _edge_body,
    grid=(E // TE,),
    in_specs=[
        pl.BlockSpec((TE, H), lambda i: (i, 0)),
        pl.BlockSpec((TE, H), lambda i: (i, 0)),
        pl.BlockSpec((TE, DE), lambda i: (i, 0)),
        pl.BlockSpec((DE, H), lambda i: (0, 0)),
        pl.BlockSpec((1, H), lambda i: (0, 0)),
        pl.BlockSpec((H, H), lambda i: (0, 0)),
        pl.BlockSpec((1, H), lambda i: (0, 0)),
        pl.BlockSpec((H, H // 2), lambda i: (0, 0)),
        pl.BlockSpec((1, H // 2), lambda i: (0, 0)),
        pl.BlockSpec((1, H // 2), lambda i: (0, 0)),
        pl.BlockSpec((1, 1), lambda i: (0, 0)),
    ],
    out_specs=pl.BlockSpec((TE, 1), lambda i: (i, 0)),
    out_shape=jax.ShapeDtypeStruct((E, 1), _f32),
)


def kernel(x, edge_index, edge_attr, enc_W, enc_b, sage_Wl, sage_bl,
           sage_Wr, bn_g, bn_b, ee_W1, ee_b1, ee_W2, ee_b2, ep_W1, ep_b1,
           ep_W2, ep_b2, ep_W3, ep_b3):
  src = edge_index[0]
  dst = edge_index[1]
  src4 = src.reshape(NW, NCHUNK, CH)
  dst4 = dst.reshape(NW, NCHUNK, CH)
  src3 = src.reshape(NW, NBLK, BCH, CH)
  dst3 = dst.reshape(NW, NBLK, BCH, CH)
  w1a = ep_W1[:H]
  w1b = ep_W1[H:2 * H]
  w1c = ep_W1[2 * H:]

  h, m, cv = _prep(x, enc_W, enc_b.reshape(1, H), ee_W2, w1c,
                   ee_b2.reshape(1, H), ep_b1.reshape(1, H))

  zrow = jnp.zeros((ZB, H), _f32)
  onerow = jnp.ones((CH, H), _f32)

  (degp,) = _deg(dst3, zrow, onerow)
  degp = degp.reshape(NC, NP, H)[:, :N, :16]
  (aggp,) = _agg(h, src3, dst3, zrow)
  aggp = aggp.reshape(NC, NP, H)[:, :N]
  h = _layer(aggp, degp, h, sage_Wl[0], sage_bl[0].reshape(1, H),
             sage_Wr[0], bn_g[0].reshape(1, H), bn_b[0].reshape(1, H))

  (aggp,) = _agg(h, src3, dst3, zrow)
  aggp = aggp.reshape(NC, NP, H)[:, :N]
  h = _layer(aggp, degp, h, sage_Wl[1], sage_bl[1].reshape(1, H),
             sage_Wr[1], bn_g[1].reshape(1, H), bn_b[1].reshape(1, H))

  (aggp,) = _agg(h, src3, dst3, zrow)
  aggp = aggp.reshape(NC, NP, H)[:, :N]
  h, ha, hb = _layer_final(
      aggp, degp, h, sage_Wl[2], sage_bl[2].reshape(1, H), sage_Wr[2],
      bn_g[2].reshape(1, H), bn_b[2].reshape(1, H), w1a, w1b)

  ga, gb = _pairgather(ha, hb, src4, dst4)

  out = _edge(ga, gb, edge_attr, ee_W1, ee_b1.reshape(1, H), m, cv, ep_W2,
              ep_b2.reshape(1, H // 2), ep_W3.reshape(1, H // 2),
              ep_b3.reshape(1, 1))
  return out.reshape(E)

# --- scband reference (transcript-rebuilt; emitter-appended) ---
"""Pipeline reference for scband-edge-risk-gnn-87393994539538 (READ-ONLY COPY).

The authoritative reference and input builder live on the scoring server;
editing this copy changes nothing except your own understanding.
"""

import jax, jax.numpy as jnp
import numpy as np

N, E, D, DE, H, L = 10000, 320000, 128, 16, 128, 3

def setup_inputs(seed: int = 0):
    key = jax.random.key(seed)
    ks = jax.random.split(key, 16)
    s = 0.05
    inp = {}
    inp['x'] = jax.random.normal(ks[0], (N, D), jnp.float32)
    inp['edge_index'] = jax.random.randint(ks[1], (2, E), 0, N, dtype=jnp.int32)
    inp['edge_attr'] = jax.random.normal(ks[2], (E, DE), jnp.float32)
    inp['enc_W'] = jax.random.normal(ks[3], (D, H), jnp.float32) * s
    inp['enc_b'] = jnp.zeros((H,), jnp.float32)
    inp['sage_Wl'] = jax.random.normal(ks[4], (L, H, H), jnp.float32) * s
    inp['sage_bl'] = jnp.zeros((L, H), jnp.float32)
    inp['sage_Wr'] = jax.random.normal(ks[5], (L, H, H), jnp.float32) * s
    inp['bn_g'] = jnp.ones((L, H), jnp.float32)
    inp['bn_b'] = jnp.zeros((L, H), jnp.float32)
    inp['ee_W1'] = jax.random.normal(ks[6], (DE, H), jnp.float32) * s
    inp['ee_b1'] = jnp.zeros((H,), jnp.float32)
    inp['ee_W2'] = jax.random.normal(ks[7], (H, H), jnp.float32) * s
    inp['ee_b2'] = jnp.zeros((H,), jnp.float32)
    inp['ep_W1'] = jax.random.normal(ks[8], (3 * H, H), jnp.float32) * s
    inp['ep_b1'] = jnp.zeros((H,), jnp.float32)
    inp['ep_W2'] = jax.random.normal(ks[9], (H, H // 2), jnp.float32) * s
    inp['ep_b2'] = jnp.zeros((H // 2,), jnp.float32)
    inp['ep_W3'] = jax.random.normal(ks[10], (H // 2, 1), jnp.float32) * s
    inp['ep_b3'] = jnp.zeros((1,), jnp.float32)
    return inp

def reference(x, edge_index, edge_attr, enc_W, enc_b, sage_Wl, sage_bl, sage_Wr, bn_g, bn_b, ee_W1, ee_b1, ee_W2, ee_b2, ep_W1, ep_b1, ep_W2, ep_b2, ep_W3, ep_b3):
    src = edge_index[0]
    dst = edge_index[1]
    n = x.shape[0]
    h = jax.nn.relu(x @ enc_W + enc_b)
    for i in range(L):
        msg = h[src]  # gather source node features per edge (SparseCore gather)
        agg = jax.ops.segment_sum(msg, dst, num_segments=n)  # scatter-add
        deg = jax.ops.segment_sum(jnp.ones((msg.shape[0], 1), h.dtype), dst, num_segments=n)
        agg = agg / jnp.maximum(deg, 1.0)  # mean aggregation (SAGEConv)
        hn = agg @ sage_Wl[i] + sage_bl[i] + h @ sage_Wr[i]
        mu = jnp.mean(hn, axis=0)
        var = jnp.var(hn, axis=0)
        hn = (hn - mu) / jnp.sqrt(var + 1e-5) * bn_g[i] + bn_b[i]
        hn = jax.nn.relu(hn)
        # dropout is identity in eval mode
        h = h + hn
    src_emb = h[src]
    tgt_emb = h[dst]
    ee = jax.nn.relu(edge_attr @ ee_W1 + ee_b1) @ ee_W2 + ee_b2
    er = jnp.concatenate([src_emb, tgt_emb, ee], axis=1)
    z = jax.nn.relu(er @ ep_W1 + ep_b1)
    z = jax.nn.relu(z @ ep_W2 + ep_b2)
    out = jax.nn.sigmoid(z @ ep_W3 + ep_b3)
    return out.squeeze(-1)

if __name__ == "__main__":
    import jax
    _d = setup_inputs()
    print(jax.jit(kernel)(*tuple(_d.values())))

</pallas_src>

<mosaic_0001>
#map = affine_map<(d0, d1) -> (0, 0)>
#map1 = affine_map<(d0, d1) -> (0, 0, 0, 0)>
module attributes {stable_mosaic.version = 14 : i64} {
  func.func @body(%arg0: i32, %arg1: i32, %arg2: memref<10000x128xf32, #tpu.memory_space<hbm>>, %arg3: memref<32x5x25x80xi32, #tpu.memory_space<hbm>>, %arg4: memref<32x5x25x80xi32, #tpu.memory_space<hbm>>, %arg5: memref<32x128xf32, #tpu.memory_space<hbm>>, %arg6: memref<20480x128xf32, #tpu.memory_space<hbm>>, %arg7: memref<10240x128xf32, #tpu.memory_space<vmem_shared>>, %arg8: memref<25x80xi32, #tpu.memory_space<vmem>>, %arg9: memref<25x80xi32, #tpu.memory_space<vmem>>, %arg10: memref<80x128xf32, #tpu.memory_space<vmem>>, %arg11: memref<80x128xf32, #tpu.memory_space<vmem>>, %arg12: memref<!tpu.dma_semaphore, #tpu.memory_space<semaphore_mem>>, %arg13: memref<!tpu.dma_semaphore, #tpu.memory_space<semaphore_mem>>) attributes {dimension_semantics = [#tpu.dimension_semantics<core_parallel>, #tpu.dimension_semantics<subcore_parallel>], iteration_bounds = array<i64: 2, 16>, scalar_prefetch = 0 : i64, scratch_operands = 7 : i64, tpu.core_type = #tpu.core_type<sc_vector_subcore>, window_params = [{transform_indices = #map}, {transform_indices = #map1}, {transform_indices = #map1}, {transform_indices = #map}, {transform_indices = #map}]} {
    %mul3A = arith.constant 16 : i32
    %mul3A_0 = arith.muli %arg0, %mul3A : i32
    %add3A = arith.addi %mul3A_0, %arg1 : i32
    %mul3A_1 = arith.constant 640 : i32
    %mul3A_2 = arith.muli %arg1, %mul3A_1 : i32
    %scan3A = arith.constant 0 : i32
    %scan3A_3 = arith.constant 0 : i32
    %scan3A_4 = arith.constant 20 : i32
    %scan3A_5 = arith.addi %scan3A_3, %scan3A_4 : i32
    %scan3A_6 = arith.constant 1 : i32
    %scan3A_7 = scf.for %scan3A_20 = %scan3A_3 to %scan3A_5 step %scan3A_6 iter_args(%scan3A_21 = %scan3A) -> (i32)  : i32 {
      %mul3A_22 = arith.constant 32 : i32
      %mul3A_23 = arith.muli %scan3A_20, %mul3A_22 : i32
      %add3A_24 = arith.addi %mul3A_2, %mul3A_23 : i32
      "tpu.region"() ({
        %run_scoped3A = tpu.sem_alloc : memref<!tpu.dma_semaphore, #tpu.memory_space<semaphore_mem>>
        %dma_start3A = arith.constant 0 : i32
        %dma_start3A_26 = tpu.memref_slice %arg7[%add3A_24, %dma_start3A] : memref<10240x128xf32, #tpu.memory_space<vmem_shared>> -> memref<32x128xf32, #tpu.memory_space<vmem_shared>>
        tpu.enqueue_dma source(%arg5 : memref<32x128xf32, #tpu.memory_space<hbm>>) target(%dma_start3A_26 : memref<32x128xf32, #tpu.memory_space<vmem_shared>>) target_semaphore(%run_scoped3A : memref<!tpu.dma_semaphore, #tpu.memory_space<semaphore_mem>>)
        %dma_wait3A = arith.constant 0 : i32
        %dma_wait3A_27 = tpu.memref_slice %arg7[%add3A_24, %dma_wait3A] : memref<10240x128xf32, #tpu.memory_space<vmem_shared>> -> memref<32x128xf32, #tpu.memory_space<vmem_shared>>
        tpu.wait_dma2 semaphore(%run_scoped3A : memref<!tpu.dma_semaphore, #tpu.memory_space<semaphore_mem>>) src(%arg5 : memref<32x128xf32, #tpu.memory_space<hbm>>) dst(%dma_wait3A_27 : memref<32x128xf32, #tpu.memory_space<vmem_shared>>)
        tpu.yield
      }) : () -> ()
      %scan3A_25 = arith.constant 0 : i32
      scf.yield %scan3A_25 : i32
    }
    %scan3A_8 = arith.constant 20 : i32
    %barrier3A = arith.constant 0 : index
    tpu.barrier barrier_id(%barrier3A)
    %scan3A_9 = arith.constant 0 : i32
    %scan3A_10 = arith.constant 0 : i32
    %scan3A_11 = arith.constant 5 : i32
    %scan3A_12 = arith.addi %scan3A_10, %scan3A_11 : i32
    %scan3A_13 = arith.constant 1 : i32
    %scan3A_14 = scf.for %scan3A_20 = %scan3A_10 to %scan3A_12 step %scan3A_13 iter_args(%scan3A_21 = %scan3A_9) -> (i32)  : i32 {
      "tpu.region"() ({
        %run_scoped3A_57 = tpu.sem_alloc : memref<!tpu.dma_semaphore, #tpu.memory_space<semaphore_mem>>
        %dma_start3A_58 = arith.constant 0 : i32
        %dma_start3A_59 = arith.constant 0 : i32
        %dma_start3A_60 = tpu.memref_slice %arg3[%add3A, %scan3A_20, %dma_start3A_58, %dma_start3A_59] : memref<32x5x25x80xi32, #tpu.memory_space<hbm>> -> memref<1x1x25x80xi32, #tpu.memory_space<hbm>>
        %dma_start3A_61 = tpu.memref_squeeze %dma_start3A_60 : memref<1x1x25x80xi32, #tpu.memory_space<hbm>> -> memref<25x80xi32, #tpu.memory_space<hbm>>
        %dma_start3A_62 = arith.constant 0 : i32
        %dma_start3A_63 = arith.constant 0 : i32
        %dma_start3A_64 = tpu.memref_slice %arg3[%add3A, %scan3A_20, %dma_start3A_62, %dma_start3A_63] : memref<32x5x25x80xi32, #tpu.memory_space<hbm>> -> memref<1x1x25x80xi32, #tpu.memory_space<hbm>>
        %dma_start3A_65 = tpu.memref_squeeze %dma_start3A_64 : memref<1x1x25x80xi32, #tpu.memory_space<hbm>> -> memref<25x80xi32, #tpu.memory_space<hbm>>
        tpu.enqueue_dma source(%dma_start3A_65 : memref<25x80xi32, #tpu.memory_space<hbm>>) target(%arg8 : memref<25x80xi32, #tpu.memory_space<vmem>>) target_semaphore(%run_scoped3A_57 : memref<!tpu.dma_semaphore, #tpu.memory_space<semaphore_mem>>)
        %dma_wait3A_66 = arith.constant 0 : i32
        %dma_wait3A_67 = arith.constant 0 : i32
        %dma_wait3A_68 = tpu.memref_slice %arg3[%add3A, %scan3A_20, %dma_wait3A_66, %dma_wait3A_67] : memref<32x5x25x80xi32, #tpu.memory_space<hbm>> -> memref<1x1x25x80xi32, #tpu.memory_space<hbm>>
        %dma_wait3A_69 = tpu.memref_squeeze %dma_wait3A_68 : memref<1x1x25x80xi32, #tpu.memory_space<hbm>> -> memref<25x80xi32, #tpu.memory_space<hbm>>
        %dma_wait3A_70 = arith.constant 0 : i32
        %dma_wait3A_71 = arith.constant 0 : i32
        %dma_wait3A_72 = tpu.memref_slice %arg3[%add3A, %scan3A_20, %dma_wait3A_70, %dma_wait3A_71] : memref<32x5x25x80xi32, #tpu.memory_space<hbm>> -> memref<1x1x25x80xi32, #tpu.memory_space<hbm>>
        %dma_wait3A_73 = tpu.memref_squeeze %dma_wait3A_72 : memref<1x1x25x80xi32, #tpu.memory_space<hbm>> -> memref<25x80xi32, #tpu.memory_space<hbm>>
        tpu.wait_dma2 semaphore(%run_scoped3A_57 : memref<!tpu.dma_semaphore, #tpu.memory_space<semaphore_mem>>) src(%dma_wait3A_73 : memref<25x80xi32, #tpu.memory_space<hbm>>) dst(%arg8 : memref<25x80xi32, #tpu.memory_space<vmem>>)
        tpu.yield
      }) : () -> ()
      "tpu.region"() ({
        %run_scoped3A_57 = tpu.sem_alloc : memref<!tpu.dma_semaphore, #tpu.memory_space<semaphore_mem>>
        %dma_start3A_58 = arith.constant 0 : i32
        %dma_start3A_59 = arith.constant 0 : i32
        %dma_start3A_60 = tpu.memref_slice %arg4[%add3A, %scan3A_20, %dma_start3A_58, %dma_start3A_59] : memref<32x5x25x80xi32, #tpu.memory_space<hbm>> -> memref<1x1x25x80xi32, #tpu.memory_space<hbm>>
        %dma_start3A_61 = tpu.memref_squeeze %dma_start3A_60 : memref<1x1x25x80xi32, #tpu.memory_space<hbm>> -> memref<25x80xi32, #tpu.memory_space<hbm>>
        %dma_start3A_62 = arith.constant 0 : i32
        %dma_start3A_63 = arith.constant 0 : i32
        %dma_start3A_64 = tpu.memref_slice %arg4[%add3A, %scan3A_20, %dma_start3A_62, %dma_start3A_63] : memref<32x5x25x80xi32, #tpu.memory_space<hbm>> -> memref<1x1x25x80xi32, #tpu.memory_space<hbm>>
        %dma_start3A_65 = tpu.memref_squeeze %dma_start3A_64 : memref<1x1x25x80xi32, #tpu.memory_space<hbm>> -> memref<25x80xi32, #tpu.memory_space<hbm>>
        tpu.enqueue_dma source(%dma_start3A_65 : memref<25x80xi32, #tpu.memory_space<hbm>>) target(%arg9 : memref<25x80xi32, #tpu.memory_space<vmem>>) target_semaphore(%run_scoped3A_57 : memref<!tpu.dma_semaphore, #tpu.memory_space<semaphore_mem>>)
        %dma_wait3A_66 = arith.constant 0 : i32
        %dma_wait3A_67 = arith.constant 0 : i32
        %dma_wait3A_68 = tpu.memref_slice %arg4[%add3A, %scan3A_20, %dma_wait3A_66, %dma_wait3A_67] : memref<32x5x25x80xi32, #tpu.memory_space<hbm>> -> memref<1x1x25x80xi32, #tpu.memory_space<hbm>>
        %dma_wait3A_69 = tpu.memref_squeeze %dma_wait3A_68 : memref<1x1x25x80xi32, #tpu.memory_space<hbm>> -> memref<25x80xi32, #tpu.memory_space<hbm>>
        %dma_wait3A_70 = arith.constant 0 : i32
        %dma_wait3A_71 = arith.constant 0 : i32
        %dma_wait3A_72 = tpu.memref_slice %arg4[%add3A, %scan3A_20, %dma_wait3A_70, %dma_wait3A_71] : memref<32x5x25x80xi32, #tpu.memory_space<hbm>> -> memref<1x1x25x80xi32, #tpu.memory_space<hbm>>
        %dma_wait3A_73 = tpu.memref_squeeze %dma_wait3A_72 : memref<1x1x25x80xi32, #tpu.memory_space<hbm>> -> memref<25x80xi32, #tpu.memory_space<hbm>>
        tpu.wait_dma2 semaphore(%run_scoped3A_57 : memref<!tpu.dma_semaphore, #tpu.memory_space<semaphore_mem>>) src(%dma_wait3A_73 : memref<25x80xi32, #tpu.memory_space<hbm>>) dst(%arg9 : memref<25x80xi32, #tpu.memory_space<vmem>>)
        tpu.yield
      }) : () -> ()
      %dma_start3A = arith.constant 0 : i32
      %dma_start3A_22 = arith.constant 0 : i32
      %dma_start3A_23 = tpu.memref_slice %arg8[%dma_start3A, %dma_start3A_22] : memref<25x80xi32, #tpu.memory_space<vmem>> -> memref<1x80xi32, #tpu.memory_space<vmem>>
      %dma_start3A_24 = tpu.memref_squeeze %dma_start3A_23 : memref<1x80xi32, #tpu.memory_space<vmem>> -> memref<80xi32, #tpu.memory_space<vmem>>
      %dma_start3A_25 = arith.constant 0 : i32
      %dma_start3A_26 = arith.constant 0 : i32
      %dma_start3A_27 = tpu.memref_slice %arg2[%dma_start3A_25, %dma_start3A_26] : memref<10000x128xf32, #tpu.memory_space<hbm>> -> memref<10000x128xf32, #tpu.memory_space<hbm>>
      tpu.enqueue_indirect_dma source(%dma_start3A_27 : memref<10000x128xf32, #tpu.memory_space<hbm>>) target(%arg10 : memref<80x128xf32, #tpu.memory_space<vmem>>) offsets(%dma_start3A_24 : memref<80xi32, #tpu.memory_space<vmem>>) semaphore(%arg12 : memref<!tpu.dma_semaphore, #tpu.memory_space<semaphore_mem>>)
      %dma_start3A_28 = arith.constant 1 : i32
      %dma_start3A_29 = arith.constant 0 : i32
      %dma_start3A_30 = tpu.memref_slice %arg8[%dma_start3A_28, %dma_start3A_29] : memref<25x80xi32, #tpu.memory_space<vmem>> -> memref<1x80xi32, #tpu.memory_space<vmem>>
      %dma_start3A_31 = tpu.memref_squeeze %dma_start3A_30 : memref<1x80xi32, #tpu.memory_space<vmem>> -> memref<80xi32, #tpu.memory_space<vmem>>
      %dma_start3A_32 = arith.constant 0 : i32
      %dma_start3A_33 = arith.constant 0 : i32
      %dma_start3A_34 = tpu.memref_slice %arg2[%dma_start3A_32, %dma_start3A_33] : memref<10000x128xf32, #tpu.memory_space<hbm>> -> memref<10000x128xf32, #tpu.memory_space<hbm>>
      tpu.enqueue_indirect_dma source(%dma_start3A_34 : memref<10000x128xf32, #tpu.memory_space<hbm>>) target(%arg11 : memref<80x128xf32, #tpu.memory_space<vmem>>) offsets(%dma_start3A_31 : memref<80xi32, #tpu.memory_space<vmem>>) semaphore(%arg13 : memref<!tpu.dma_semaphore, #tpu.memory_space<semaphore_mem>>)
      %scan3A_35 = arith.constant 0 : i32
      %scan3A_36 = arith.constant 0 : i32
      %scan3A_37 = arith.constant 12 : i32
      %scan3A_38 = arith.addi %scan3A_36, %scan3A_37 : i32
      %scan3A_39 = arith.constant 1 : i32
      %scan3A_40 = scf.for %scan3A_57 = %scan3A_36 to %scan3A_38 step %scan3A_39 iter_args(%scan3A_58 = %scan3A_35) -> (i32)  : i32 {
        %mul3A_59 = arith.constant 2 : i32
        %mul3A_60 = arith.muli %mul3A_59, %scan3A_57 : i32
        %dma_wait3A_61 = arith.constant 0 : i32
        %dma_wait3A_62 = tpu.memref_slice %arg8[%mul3A_60, %dma_wait3A_61] : memref<25x80xi32, #tpu.memory_space<vmem>> -> memref<1x80xi32, #tpu.memory_space<vmem>>
        %dma_wait3A_63 = tpu.memref_squeeze %dma_wait3A_62 : memref<1x80xi32, #tpu.memory_space<vmem>> -> memref<80xi32, #tpu.memory_space<vmem>>
        %dma_wait3A_64 = arith.constant 0 : i32
        %dma_wait3A_65 = arith.constant 0 : i32
        %dma_wait3A_66 = tpu.memref_slice %arg2[%dma_wait3A_64, %dma_wait3A_65] : memref<10000x128xf32, #tpu.memory_space<hbm>> -> memref<10000x128xf32, #tpu.memory_space<hbm>>
        tpu.wait_indirect_dma semaphore(%arg12 : memref<!tpu.dma_semaphore, #tpu.memory_space<semaphore_mem>>) src(%dma_wait3A_66 : memref<10000x128xf32, #tpu.memory_space<hbm>>) dst(%arg10 : memref<80x128xf32, #tpu.memory_space<vmem>>)
        "tpu.region"() ({
          %run_scoped3A_78 = tpu.sem_alloc : memref<!tpu.dma_semaphore, #tpu.memory_space<semaphore_mem>>
          %dma_start3A_79 = arith.constant 0 : i32
          %dma_start3A_80 = tpu.memref_slice %arg9[%mul3A_60, %dma_start3A_79] : memref<25x80xi32, #tpu.memory_space<vmem>> -> memref<1x80xi32, #tpu.memory_space<vmem>>
          %dma_start3A_81 = tpu.memref_squeeze %dma_start3A_80 : memref<1x80xi32, #tpu.memory_space<vmem>> -> memref<80xi32, #tpu.memory_space<vmem>>
          %dma_start3A_82 = arith.constant 0 : i32
          %dma_start3A_83 = arith.constant 0 : i32
          %dma_start3A_84 = tpu.memref_slice %arg7[%dma_start3A_82, %dma_start3A_83] : memref<10240x128xf32, #tpu.memory_space<vmem_shared>> -> memref<10240x128xf32, #tpu.memory_space<vmem_shared>>
          tpu.enqueue_indirect_dma source(%arg10 : memref<80x128xf32, #tpu.memory_space<vmem>>) target(%dma_start3A_84 : memref<10240x128xf32, #tpu.memory_space<vmem_shared>>) offsets(%dma_start3A_81 : memref<80xi32, #tpu.memory_space<vmem>>) semaphore(%run_scoped3A_78 : memref<!tpu.dma_semaphore, #tpu.memory_space<semaphore_mem>>) {add = true}
          %dma_wait3A_85 = arith.constant 0 : i32
          %dma_wait3A_86 = tpu.memref_slice %arg9[%mul3A_60, %dma_wait3A_85] : memref<25x80xi32, #tpu.memory_space<vmem>> -> memref<1x80xi32, #tpu.memory_space<vmem>>
          %dma_wait3A_87 = tpu.memref_squeeze %dma_wait3A_86 : memref<1x80xi32, #tpu.memory_space<vmem>> -> memref<80xi32, #tpu.memory_space<vmem>>
          %dma_wait3A_88 = arith.constant 0 : i32
          %dma_wait3A_89 = arith.constant 0 : i32
          %dma_wait3A_90 = tpu.memref_slice %arg7[%dma_wait3A_88, %dma_wait3A_89] : memref<10240x128xf32, #tpu.memory_space<vmem_shared>> -> memref<10240x128xf32, #tpu.memory_space<vmem_shared>>
          tpu.wait_indirect_dma semaphore(%run_scoped3A_78 : memref<!tpu.dma_semaphore, #tpu.memory_space<semaphore_mem>>) src(%arg10 : memref<80x128xf32, #tpu.memory_space<vmem>>) dst(%dma_wait3A_90 : memref<10240x128xf32, #tpu.memory_space<vmem_shared>>)
          tpu.yield
        }) : () -> ()
        %add3A_67 = arith.constant 2 : i32
        %add3A_68 = arith.addi %mul3A_60, %add3A_67 : i32
        %dma_start3A_69 = arith.constant 0 : i32
        %dma_start3A_70 = tpu.memref_slice %arg8[%add3A_68, %dma_start3A_69] : memref<25x80xi32, #tpu.memory_space<vmem>> -> memref<1x80xi32, #tpu.memory_space<vmem>>
        %dma_start3A_71 = tpu.memref_squeeze %dma_start3A_70 : memref<1x80xi32, #tpu.memory_space<vmem>> -> memref<80xi32, #tpu.memory_space<vmem>>
        %dma_start3A_72 = arith.constant 0 : i32
        %dma_start3A_73 = arith.constant 0 : i32
        %dma_start3A_74 = tpu.memref_slice %arg2[%dma_start3A_72, %dma_start3A_73] : memref<10000x128xf32, #tpu.memory_space<hbm>> -> memref<10000x128xf32, #tpu.memory_space<hbm>>
        tpu.enqueue_indirect_dma source(%dma_start3A_74 : memref<10000x128xf32, #tpu.memory_space<hbm>>) target(%arg10 : memref<80x128xf32, #tpu.memory_space<vmem>>) offsets(%dma_start3A_71 : memref<80xi32, #tpu.memory_space<vmem>>) semaphore(%arg12 : memref<!tpu.dma_semaphore, #tpu.memory_space<semaphore_mem>>)
        %lt3A = arith.constant 11 : i32
        %lt3A_75 = arith.cmpi slt, %scan3A_57, %lt3A : i32
        %convert_element_type3A = arith.extui %lt3A_75 : i1 to i32
        %cond3A = arith.constant 0 : i32
        %cond3A_76 = arith.cmpi ne, %convert_element_type3A, %cond3A : i32
        scf.if %cond3A_76 {
          %add3A_78 = arith.constant 1 : i32
          %add3A_79 = arith.addi %mul3A_60, %add3A_78 : i32
          %dma_wait3A_80 = arith.constant 0 : i32
          %dma_wait3A_81 = tpu.memref_slice %arg8[%add3A_79, %dma_wait3A_80] : memref<25x80xi32, #tpu.memory_space<vmem>> -> memref<1x80xi32, #tpu.memory_space<vmem>>
          %dma_wait3A_82 = tpu.memref_squeeze %dma_wait3A_81 : memref<1x80xi32, #tpu.memory_space<vmem>> -> memref<80xi32, #tpu.memory_space<vmem>>
          %dma_wait3A_83 = arith.constant 0 : i32
          %dma_wait3A_84 = arith.constant 0 : i32
          %dma_wait3A_85 = tpu.memref_slice %arg2[%dma_wait3A_83, %dma_wait3A_84] : memref<10000x128xf32, #tpu.memory_space<hbm>> -> memref<10000x128xf32, #tpu.memory_space<hbm>>
          tpu.wait_indirect_dma semaphore(%arg13 : memref<!tpu.dma_semaphore, #tpu.memory_space<semaphore_mem>>) src(%dma_wait3A_85 : memref<10000x128xf32, #tpu.memory_space<hbm>>) dst(%arg11 : memref<80x128xf32, #tpu.memory_space<vmem>>)
          %add3A_86 = arith.constant 1 : i32
          %add3A_87 = arith.addi %mul3A_60, %add3A_86 : i32
          "tpu.region"() ({
            %run_scoped3A_96 = tpu.sem_alloc : memref<!tpu.dma_semaphore, #tpu.memory_space<semaphore_mem>>
            %dma_start3A_97 = arith.constant 0 : i32
            %dma_start3A_98 = tpu.memref_slice %arg9[%add3A_87, %dma_start3A_97] : memref<25x80xi32, #tpu.memory_space<vmem>> -> memref<1x80xi32, #tpu.memory_space<vmem>>
            %dma_start3A_99 = tpu.memref_squeeze %dma_start3A_98 : memref<1x80xi32, #tpu.memory_space<vmem>> -> memref<80xi32, #tpu.memory_space<vmem>>
            %dma_start3A_100 = arith.constant 0 : i32
            %dma_start3A_101 = arith.constant 0 : i32
            %dma_start3A_102 = tpu.memref_slice %arg7[%dma_start3A_100, %dma_start3A_101] : memref<10240x128xf32, #tpu.memory_space<vmem_shared>> -> memref<10240x128xf32, #tpu.memory_space<vmem_shared>>
            tpu.enqueue_indirect_dma source(%arg11 : memref<80x128xf32, #tpu.memory_space<vmem>>) target(%dma_start3A_102 : memref<10240x128xf32, #tpu.memory_space<vmem_shared>>) offsets(%dma_start3A_99 : memref<80xi32, #tpu.memory_space<vmem>>) semaphore(%run_scoped3A_96 : memref<!tpu.dma_semaphore, #tpu.memory_space<semaphore_mem>>) {add = true}
            %dma_wait3A_103 = arith.constant 0 : i32
            %dma_wait3A_104 = tpu.memref_slice %arg9[%add3A_87, %dma_wait3A_103] : memref<25x80xi32, #tpu.memory_space<vmem>> -> memref<1x80xi32, #tpu.memory_space<vmem>>
            %dma_wait3A_105 = tpu.memref_squeeze %dma_wait3A_104 : memref<1x80xi32, #tpu.memory_space<vmem>> -> memref<80xi32, #tpu.memory_space<vmem>>
            %dma_wait3A_106 = arith.constant 0 : i32
            %dma_wait3A_107 = arith.constant 0 : i32
            %dma_wait3A_108 = tpu.memref_slice %arg7[%dma_wait3A_106, %dma_wait3A_107] : memref<10240x128xf32, #tpu.memory_space<vmem_shared>> -> memref<10240x128xf32, #tpu.memory_space<vmem_shared>>
            tpu.wait_indirect_dma semaphore(%run_scoped3A_96 : memref<!tpu.dma_semaphore, #tpu.memory_space<semaphore_mem>>) src(%arg11 : memref<80x128xf32, #tpu.memory_space<vmem>>) dst(%dma_wait3A_108 : memref<10240x128xf32, #tpu.memory_space<vmem_shared>>)
            tpu.yield
          }) : () -> ()
          %add3A_88 = arith.constant 3 : i32
          %add3A_89 = arith.addi %mul3A_60, %add3A_88 : i32
          %dma_start3A_90 = arith.constant 0 : i32
          %dma_start3A_91 = tpu.memref_slice %arg8[%add3A_89, %dma_start3A_90] : memref<25x80xi32, #tpu.memory_space<vmem>> -> memref<1x80xi32, #tpu.memory_space<vmem>>
          %dma_start3A_92 = tpu.memref_squeeze %dma_start3A_91 : memref<1x80xi32, #tpu.memory_space<vmem>> -> memref<80xi32, #tpu.memory_space<vmem>>
          %dma_start3A_93 = arith.constant 0 : i32
          %dma_start3A_94 = arith.constant 0 : i32
          %dma_start3A_95 = tpu.memref_slice %arg2[%dma_start3A_93, %dma_start3A_94] : memref<10000x128xf32, #tpu.memory_space<hbm>> -> memref<10000x128xf32, #tpu.memory_space<hbm>>
          tpu.enqueue_indirect_dma source(%dma_start3A_95 : memref<10000x128xf32, #tpu.memory_space<hbm>>) target(%arg11 : memref<80x128xf32, #tpu.memory_space<vmem>>) offsets(%dma_start3A_92 : memref<80xi32, #tpu.memory_space<vmem>>) semaphore(%arg13 : memref<!tpu.dma_semaphore, #tpu.memory_space<semaphore_mem>>)
        } else {
        }
        %scan3A_77 = arith.constant 0 : i32
        scf.yield %scan3A_77 : i32
      }
      %scan3A_41 = arith.constant 12 : i32
      %dma_wait3A = arith.constant 23 : i32
      %dma_wait3A_42 = arith.constant 0 : i32
      %dma_wait3A_43 = tpu.memref_slice %arg8[%dma_wait3A, %dma_wait3A_42] : memref<25x80xi32, #tpu.memory_space<vmem>> -> memref<1x80xi32, #tpu.memory_space<vmem>>
      %dma_wait3A_44 = tpu.memref_squeeze %dma_wait3A_43 : memref<1x80xi32, #tpu.memory_space<vmem>> -> memref<80xi32, #tpu.memory_space<vmem>>
      %dma_wait3A_45 = arith.constant 0 : i32
      %dma_wait3A_46 = arith.constant 0 : i32
      %dma_wait3A_47 = tpu.memref_slice %arg2[%dma_wait3A_45, %dma_wait3A_46] : memref<10000x128xf32, #tpu.memory_space<hbm>> -> memref<10000x128xf32, #tpu.memory_space<hbm>>
      tpu.wait_indirect_dma semaphore(%arg13 : memref<!tpu.dma_semaphore, #tpu.memory_space<semaphore_mem>>) src(%dma_wait3A_47 : memref<10000x128xf32, #tpu.memory_space<hbm>>) dst(%arg11 : memref<80x128xf32, #tpu.memory_space<vmem>>)
      %run_scoped3A = arith.constant 23 : i32
      "tpu.region"() ({
        %run_scoped3A_57 = tpu.sem_alloc : memref<!tpu.dma_semaphore, #tpu.memory_space<semaphore_mem>>
        %dma_start3A_58 = arith.constant 0 : i32
        %dma_start3A_59 = tpu.memref_slice %arg9[%run_scoped3A, %dma_start3A_58] : memref<25x80xi32, #tpu.memory_space<vmem>> -> memref<1x80xi32, #tpu.memory_space<vmem>>
        %dma_start3A_60 = tpu.memref_squeeze %dma_start3A_59 : memref<1x80xi32, #tpu.memory_space<vmem>> -> memref<80xi32, #tpu.memory_space<vmem>>
        %dma_start3A_61 = arith.constant 0 : i32
        %dma_start3A_62 = arith.constant 0 : i32
        %dma_start3A_63 = tpu.memref_slice %arg7[%dma_start3A_61, %dma_start3A_62] : memref<10240x128xf32, #tpu.memory_space<vmem_shared>> -> memref<10240x128xf32, #tpu.memory_space<vmem_shared>>
        tpu.enqueue_indirect_dma source(%arg11 : memref<80x128xf32, #tpu.memory_space<vmem>>) target(%dma_start3A_63 : memref<10240x128xf32, #tpu.memory_space<vmem_shared>>) offsets(%dma_start3A_60 : memref<80xi32, #tpu.memory_space<vmem>>) semaphore(%run_scoped3A_57 : memref<!tpu.dma_semaphore, #tpu.memory_space<semaphore_mem>>) {add = true}
        %dma_wait3A_64 = arith.constant 0 : i32
        %dma_wait3A_65 = tpu.memref_slice %arg9[%run_scoped3A, %dma_wait3A_64] : memref<25x80xi32, #tpu.memory_space<vmem>> -> memref<1x80xi32, #tpu.memory_space<vmem>>
        %dma_wait3A_66 = tpu.memref_squeeze %dma_wait3A_65 : memref<1x80xi32, #tpu.memory_space<vmem>> -> memref<80xi32, #tpu.memory_space<vmem>>
        %dma_wait3A_67 = arith.constant 0 : i32
        %dma_wait3A_68 = arith.constant 0 : i32
        %dma_wait3A_69 = tpu.memref_slice %arg7[%dma_wait3A_67, %dma_wait3A_68] : memref<10240x128xf32, #tpu.memory_space<vmem_shared>> -> memref<10240x128xf32, #tpu.memory_space<vmem_shared>>
        tpu.wait_indirect_dma semaphore(%run_scoped3A_57 : memref<!tpu.dma_semaphore, #tpu.memory_space<semaphore_mem>>) src(%arg11 : memref<80x128xf32, #tpu.memory_space<vmem>>) dst(%dma_wait3A_69 : memref<10240x128xf32, #tpu.memory_space<vmem_shared>>)
        tpu.yield
      }) : () -> ()
      %dma_wait3A_48 = arith.constant 24 : i32
      %dma_wait3A_49 = arith.constant 0 : i32
      %dma_wait3A_50 = tpu.memref_slice %arg8[%dma_wait3A_48, %dma_wait3A_49] : memref<25x80xi32, #tpu.memory_space<vmem>> -> memref<1x80xi32, #tpu.memory_space<vmem>>
      %dma_wait3A_51 = tpu.memref_squeeze %dma_wait3A_50 : memref<1x80xi32, #tpu.memory_space<vmem>> -> memref<80xi32, #tpu.memory_space<vmem>>
      %dma_wait3A_52 = arith.constant 0 : i32
      %dma_wait3A_53 = arith.constant 0 : i32
      %dma_wait3A_54 = tpu.memref_slice %arg2[%dma_wait3A_52, %dma_wait3A_53] : memref<10000x128xf32, #tpu.memory_space<hbm>> -> memref<10000x128xf32, #tpu.memory_space<hbm>>
      tpu.wait_indirect_dma semaphore(%arg12 : memref<!tpu.dma_semaphore, #tpu.memory_space<semaphore_mem>>) src(%dma_wait3A_54 : memref<10000x128xf32, #tpu.memory_space<hbm>>) dst(%arg10 : memref<80x128xf32, #tpu.memory_space<vmem>>)
      %run_scoped3A_55 = arith.constant 24 : i32
      "tpu.region"() ({
        %run_scoped3A_57 = tpu.sem_alloc : memref<!tpu.dma_semaphore, #tpu.memory_space<semaphore_mem>>
        %dma_start3A_58 = arith.constant 0 : i32
        %dma_start3A_59 = tpu.memref_slice %arg9[%run_scoped3A_55, %dma_start3A_58] : memref<25x80xi32, #tpu.memory_space<vmem>> -> memref<1x80xi32, #tpu.memory_space<vmem>>
        %dma_start3A_60 = tpu.memref_squeeze %dma_start3A_59 : memref<1x80xi32, #tpu.memory_space<vmem>> -> memref<80xi32, #tpu.memory_space<vmem>>
        %dma_start3A_61 = arith.constant 0 : i32
        %dma_start3A_62 = arith.constant 0 : i32
        %dma_start3A_63 = tpu.memref_slice %arg7[%dma_start3A_61, %dma_start3A_62] : memref<10240x128xf32, #tpu.memory_space<vmem_shared>> -> memref<10240x128xf32, #tpu.memory_space<vmem_shared>>
        tpu.enqueue_indirect_dma source(%arg10 : memref<80x128xf32, #tpu.memory_space<vmem>>) target(%dma_start3A_63 : memref<10240x128xf32, #tpu.memory_space<vmem_shared>>) offsets(%dma_start3A_60 : memref<80xi32, #tpu.memory_space<vmem>>) semaphore(%run_scoped3A_57 : memref<!tpu.dma_semaphore, #tpu.memory_space<semaphore_mem>>) {add = true}
        %dma_wait3A_64 = arith.constant 0 : i32
        %dma_wait3A_65 = tpu.memref_slice %arg9[%run_scoped3A_55, %dma_wait3A_64] : memref<25x80xi32, #tpu.memory_space<vmem>> -> memref<1x80xi32, #tpu.memory_space<vmem>>
        %dma_wait3A_66 = tpu.memref_squeeze %dma_wait3A_65 : memref<1x80xi32, #tpu.memory_space<vmem>> -> memref<80xi32, #tpu.memory_space<vmem>>
        %dma_wait3A_67 = arith.constant 0 : i32
        %dma_wait3A_68 = arith.constant 0 : i32
        %dma_wait3A_69 = tpu.memref_slice %arg7[%dma_wait3A_67, %dma_wait3A_68] : memref<10240x128xf32, #tpu.memory_space<vmem_shared>> -> memref<10240x128xf32, #tpu.memory_space<vmem_shared>>
        tpu.wait_indirect_dma semaphore(%run_scoped3A_57 : memref<!tpu.dma_semaphore, #tpu.memory_space<semaphore_mem>>) src(%arg10 : memref<80x128xf32, #tpu.memory_space<vmem>>) dst(%dma_wait3A_69 : memref<10240x128xf32, #tpu.memory_space<vmem_shared>>)
        tpu.yield
      }) : () -> ()
      %scan3A_56 = arith.constant 0 : i32
      scf.yield %scan3A_56 : i32
    }
    %scan3A_15 = arith.constant 5 : i32
    %barrier3A_16 = arith.constant 0 : index
    tpu.barrier barrier_id(%barrier3A_16)
    %mul3A_17 = arith.constant 10240 : i32
    %mul3A_18 = arith.muli %arg0, %mul3A_17 : i32
    %add3A_19 = arith.addi %mul3A_18, %mul3A_2 : i32
    "tpu.region"() ({
      %run_scoped3A = tpu.sem_alloc : memref<!tpu.dma_semaphore, #tpu.memory_space<semaphore_mem>>
      %dma_start3A = arith.constant 0 : i32
      %dma_start3A_20 = tpu.memref_slice %arg6[%add3A_19, %dma_start3A] : memref<20480x128xf32, #tpu.memory_space<hbm>> -> memref<640x128xf32, #tpu.memory_space<hbm>>
      %dma_start3A_21 = arith.constant 0 : i32
      %dma_start3A_22 = tpu.memref_slice %arg7[%mul3A_2, %dma_start3A_21] : memref<10240x128xf32, #tpu.memory_space<vmem_shared>> -> memref<640x128xf32, #tpu.memory_space<vmem_shared>>
      tpu.enqueue_dma source(%dma_start3A_22 : memref<640x128xf32, #tpu.memory_space<vmem_shared>>) target(%dma_start3A_20 : memref<640x128xf32, #tpu.memory_space<hbm>>) target_semaphore(%run_scoped3A : memref<!tpu.dma_semaphore, #tpu.memory_space<semaphore_mem>>)
      %dma_wait3A = arith.constant 0 : i32
      %dma_wait3A_23 = tpu.memref_slice %arg6[%add3A_19, %dma_wait3A] : memref<20480x128xf32, #tpu.memory_space<hbm>> -> memref<640x128xf32, #tpu.memory_space<hbm>>
      %dma_wait3A_24 = arith.constant 0 : i32
      %dma_wait3A_25 = tpu.memref_slice %arg7[%mul3A_2, %dma_wait3A_24] : memref<10240x128xf32, #tpu.memory_space<vmem_shared>> -> memref<640x128xf32, #tpu.memory_space<vmem_shared>>
      tpu.wait_dma2 semaphore(%run_scoped3A : memref<!tpu.dma_semaphore, #tpu.memory_space<semaphore_mem>>) src(%dma_wait3A_25 : memref<640x128xf32, #tpu.memory_space<vmem_shared>>) dst(%dma_wait3A_23 : memref<640x128xf32, #tpu.memory_space<hbm>>)
      tpu.yield
    }) : () -> ()
    return
  }
}

#map = affine_map<(d0, d1) -> (0, 0)>
#map1 = affine_map<(d0, d1) -> (0, 0, 0, 0)>
module attributes {stable_mosaic.version = 14 : i64} {
  func.func @body(%arg0: i32, %arg1: i32, %arg2: memref<10000x128xf32, #tpu.memory_space<hbm>>, %arg3: memref<32x5x25x80xi32, #tpu.memory_space<hbm>>, %arg4: memref<32x5x25x80xi32, #tpu.memory_space<hbm>>, %arg5: memref<32x128xf32, #tpu.memory_space<hbm>>, %arg6: memref<20480x128xf32, #tpu.memory_space<hbm>>, %arg7: memref<10240x128xf32, #tpu.memory_space<vmem_shared>>, %arg8: memref<25x80xi32, #tpu.memory_space<vmem>>, %arg9: memref<25x80xi32, #tpu.memory_space<vmem>>, %arg10: memref<80x128xf32, #tpu.memory_space<vmem>>, %arg11: memref<80x128xf32, #tpu.memory_space<vmem>>, %arg12: memref<!tpu.dma_semaphore, #tpu.memory_space<semaphore_mem>>, %arg13: memref<!tpu.dma_semaphore, #tpu.memory_space<semaphore_mem>>) attributes {dimension_semantics = [#tpu.dimension_semantics<core_parallel>, #tpu.dimension_semantics<subcore_parallel>], iteration_bounds = array<i64: 2, 16>, scalar_prefetch = 0 : i64, scratch_operands = 7 : i64, tpu.core_type = #tpu.core_type<sc_vector_subcore>, window_params = [{transform_indices = #map}, {transform_indices = #map1}, {transform_indices = #map1}, {transform_indices = #map}, {transform_indices = #map}]} {
    %mul3A = arith.constant 16 : i32
    %mul3A_0 = arith.muli %arg0, %mul3A : i32
    %add3A = arith.addi %mul3A_0, %arg1 : i32
    %mul3A_1 = arith.constant 640 : i32
    %mul3A_2 = arith.muli %arg1, %mul3A_1 : i32
    %scan3A = arith.constant 0 : i32
    %scan3A_3 = arith.constant 0 : i32
    %scan3A_4 = arith.constant 20 : i32
    %scan3A_5 = arith.addi %scan3A_3, %scan3A_4 : i32
    %scan3A_6 = arith.constant 1 : i32
    %scan3A_7 = scf.for %scan3A_20 = %scan3A_3 to %scan3A_5 step %scan3A_6 iter_args(%scan3A_21 = %scan3A) -> (i32)  : i32 {
      %mul3A_22 = arith.constant 32 : i32
      %mul3A_23 = arith.muli %scan3A_20, %mul3A_22 : i32
      %add3A_24 = arith.addi %mul3A_2, %mul3A_23 : i32
      "tpu.region"() ({
        %run_scoped3A = tpu.sem_alloc : memref<!tpu.dma_semaphore, #tpu.memory_space<semaphore_mem>>
        %dma_start3A = arith.constant 0 : i32
        %dma_start3A_26 = tpu.memref_slice %arg7[%add3A_24, %dma_start3A] : memref<10240x128xf32, #tpu.memory_space<vmem_shared>> -> memref<32x128xf32, #tpu.memory_space<vmem_shared>>
        tpu.enqueue_dma source(%arg5 : memref<32x128xf32, #tpu.memory_space<hbm>>) target(%dma_start3A_26 : memref<32x128xf32, #tpu.memory_space<vmem_shared>>) target_semaphore(%run_scoped3A : memref<!tpu.dma_semaphore, #tpu.memory_space<semaphore_mem>>)
        %dma_wait3A = arith.constant 0 : i32
        %dma_wait3A_27 = tpu.memref_slice %arg7[%add3A_24, %dma_wait3A] : memref<10240x128xf32, #tpu.memory_space<vmem_shared>> -> memref<32x128xf32, #tpu.memory_space<vmem_shared>>
        tpu.wait_dma2 semaphore(%run_scoped3A : memref<!tpu.dma_semaphore, #tpu.memory_space<semaphore_mem>>) src(%arg5 : memref<32x128xf32, #tpu.memory_space<hbm>>) dst(%dma_wait3A_27 : memref<32x128xf32, #tpu.memory_space<vmem_shared>>)
        tpu.yield
      }) : () -> ()
      %scan3A_25 = arith.constant 0 : i32
      scf.yield %scan3A_25 : i32
    }
    %scan3A_8 = arith.constant 20 : i32
    %barrier3A = arith.constant 0 : index
    tpu.barrier barrier_id(%barrier3A)
    %scan3A_9 = arith.constant 0 : i32
    %scan3A_10 = arith.constant 0 : i32
    %scan3A_11 = arith.constant 5 : i32
    %scan3A_12 = arith.addi %scan3A_10, %scan3A_11 : i32
    %scan3A_13 = arith.constant 1 : i32
    %scan3A_14 = scf.for %scan3A_20 = %scan3A_10 to %scan3A_12 step %scan3A_13 iter_args(%scan3A_21 = %scan3A_9) -> (i32)  : i32 {
      "tpu.region"() ({
        %run_scoped3A_57 = tpu.sem_alloc : memref<!tpu.dma_semaphore, #tpu.memory_space<semaphore_mem>>
        %dma_start3A_58 = arith.constant 0 : i32
        %dma_start3A_59 = arith.constant 0 : i32
        %dma_start3A_60 = tpu.memref_slice %arg3[%add3A, %scan3A_20, %dma_start3A_58, %dma_start3A_59] : memref<32x5x25x80xi32, #tpu.memory_space<hbm>> -> memref<1x1x25x80xi32, #tpu.memory_space<hbm>>
        %dma_start3A_61 = tpu.memref_squeeze %dma_start3A_60 : memref<1x1x25x80xi32, #tpu.memory_space<hbm>> -> memref<25x80xi32, #tpu.memory_space<hbm>>
        %dma_start3A_62 = arith.constant 0 : i32
        %dma_start3A_63 = arith.constant 0 : i32
        %dma_start3A_64 = tpu.memref_slice %arg3[%add3A, %scan3A_20, %dma_start3A_62, %dma_start3A_63] : memref<32x5x25x80xi32, #tpu.memory_space<hbm>> -> memref<1x1x25x80xi32, #tpu.memory_space<hbm>>
        %dma_start3A_65 = tpu.memref_squeeze %dma_start3A_64 : memref<1x1x25x80xi32, #tpu.memory_space<hbm>> -> memref<25x80xi32, #tpu.memory_space<hbm>>
        tpu.enqueue_dma source(%dma_start3A_65 : memref<25x80xi32, #tpu.memory_space<hbm>>) target(%arg8 : memref<25x80xi32, #tpu.memory_space<vmem>>) target_semaphore(%run_scoped3A_57 : memref<!tpu.dma_semaphore, #tpu.memory_space<semaphore_mem>>)
        %dma_wait3A_66 = arith.constant 0 : i32
        %dma_wait3A_67 = arith.constant 0 : i32
        %dma_wait3A_68 = tpu.memref_slice %arg3[%add3A, %scan3A_20, %dma_wait3A_66, %dma_wait3A_67] : memref<32x5x25x80xi32, #tpu.memory_space<hbm>> -> memref<1x1x25x80xi32, #tpu.memory_space<hbm>>
        %dma_wait3A_69 = tpu.memref_squeeze %dma_wait3A_68 : memref<1x1x25x80xi32, #tpu.memory_space<hbm>> -> memref<25x80xi32, #tpu.memory_space<hbm>>
        %dma_wait3A_70 = arith.constant 0 : i32
        %dma_wait3A_71 = arith.constant 0 : i32
        %dma_wait3A_72 = tpu.memref_slice %arg3[%add3A, %scan3A_20, %dma_wait3A_70, %dma_wait3A_71] : memref<32x5x25x80xi32, #tpu.memory_space<hbm>> -> memref<1x1x25x80xi32, #tpu.memory_space<hbm>>
        %dma_wait3A_73 = tpu.memref_squeeze %dma_wait3A_72 : memref<1x1x25x80xi32, #tpu.memory_space<hbm>> -> memref<25x80xi32, #tpu.memory_space<hbm>>
        tpu.wait_dma2 semaphore(%run_scoped3A_57 : memref<!tpu.dma_semaphore, #tpu.memory_space<semaphore_mem>>) src(%dma_wait3A_73 : memref<25x80xi32, #tpu.memory_space<hbm>>) dst(%arg8 : memref<25x80xi32, #tpu.memory_space<vmem>>)
        tpu.yield
      }) : () -> ()
      "tpu.region"() ({
        %run_scoped3A_57 = tpu.sem_alloc : memref<!tpu.dma_semaphore, #tpu.memory_space<semaphore_mem>>
        %dma_start3A_58 = arith.constant 0 : i32
        %dma_start3A_59 = arith.constant 0 : i32
        %dma_start3A_60 = tpu.memref_slice %arg4[%add3A, %scan3A_20, %dma_start3A_58, %dma_start3A_59] : memref<32x5x25x80xi32, #tpu.memory_space<hbm>> -> memref<1x1x25x80xi32, #tpu.memory_space<hbm>>
        %dma_start3A_61 = tpu.memref_squeeze %dma_start3A_60 : memref<1x1x25x80xi32, #tpu.memory_space<hbm>> -> memref<25x80xi32, #tpu.memory_space<hbm>>
        %dma_start3A_62 = arith.constant 0 : i32
        %dma_start3A_63 = arith.constant 0 : i32
        %dma_start3A_64 = tpu.memref_slice %arg4[%add3A, %scan3A_20, %dma_start3A_62, %dma_start3A_63] : memref<32x5x25x80xi32, #tpu.memory_space<hbm>> -> memref<1x1x25x80xi32, #tpu.memory_space<hbm>>
        %dma_start3A_65 = tpu.memref_squeeze %dma_start3A_64 : memref<1x1x25x80xi32, #tpu.memory_space<hbm>> -> memref<25x80xi32, #tpu.memory_space<hbm>>
        tpu.enqueue_dma source(%dma_start3A_65 : memref<25x80xi32, #tpu.memory_space<hbm>>) target(%arg9 : memref<25x80xi32, #tpu.memory_space<vmem>>) target_semaphore(%run_scoped3A_57 : memref<!tpu.dma_semaphore, #tpu.memory_space<semaphore_mem>>)
        %dma_wait3A_66 = arith.constant 0 : i32
        %dma_wait3A_67 = arith.constant 0 : i32
        %dma_wait3A_68 = tpu.memref_slice %arg4[%add3A, %scan3A_20, %dma_wait3A_66, %dma_wait3A_67] : memref<32x5x25x80xi32, #tpu.memory_space<hbm>> -> memref<1x1x25x80xi32, #tpu.memory_space<hbm>>
        %dma_wait3A_69 = tpu.memref_squeeze %dma_wait3A_68 : memref<1x1x25x80xi32, #tpu.memory_space<hbm>> -> memref<25x80xi32, #tpu.memory_space<hbm>>
        %dma_wait3A_70 = arith.constant 0 : i32
        %dma_wait3A_71 = arith.constant 0 : i32
        %dma_wait3A_72 = tpu.memref_slice %arg4[%add3A, %scan3A_20, %dma_wait3A_70, %dma_wait3A_71] : memref<32x5x25x80xi32, #tpu.memory_space<hbm>> -> memref<1x1x25x80xi32, #tpu.memory_space<hbm>>
        %dma_wait3A_73 = tpu.memref_squeeze %dma_wait3A_72 : memref<1x1x25x80xi32, #tpu.memory_space<hbm>> -> memref<25x80xi32, #tpu.memory_space<hbm>>
        tpu.wait_dma2 semaphore(%run_scoped3A_57 : memref<!tpu.dma_semaphore, #tpu.memory_space<semaphore_mem>>) src(%dma_wait3A_73 : memref<25x80xi32, #tpu.memory_space<hbm>>) dst(%arg9 : memref<25x80xi32, #tpu.memory_space<vmem>>)
        tpu.yield
      }) : () -> ()
      %dma_start3A = arith.constant 0 : i32
      %dma_start3A_22 = arith.constant 0 : i32
      %dma_start3A_23 = tpu.memref_slice %arg8[%dma_start3A, %dma_start3A_22] : memref<25x80xi32, #tpu.memory_space<vmem>> -> memref<1x80xi32, #tpu.memory_space<vmem>>
      %dma_start3A_24 = tpu.memref_squeeze %dma_start3A_23 : memref<1x80xi32, #tpu.memory_space<vmem>> -> memref<80xi32, #tpu.memory_space<vmem>>
      %dma_start3A_25 = arith.constant 0 : i32
      %dma_start3A_26 = arith.constant 0 : i32
      %dma_start3A_27 = tpu.memref_slice %arg2[%dma_start3A_25, %dma_start3A_26] : memref<10000x128xf32, #tpu.memory_space<hbm>> -> memref<10000x128xf32, #tpu.memory_space<hbm>>
      tpu.enqueue_indirect_dma source(%dma_start3A_27 : memref<10000x128xf32, #tpu.memory_space<hbm>>) target(%arg10 : memref<80x128xf32, #tpu.memory_space<vmem>>) offsets(%dma_start3A_24 : memref<80xi32, #tpu.memory_space<vmem>>) semaphore(%arg12 : memref<!tpu.dma_semaphore, #tpu.memory_space<semaphore_mem>>)
      %dma_start3A_28 = arith.constant 1 : i32
      %dma_start3A_29 = arith.constant 0 : i32
      %dma_start3A_30 = tpu.memref_slice %arg8[%dma_start3A_28, %dma_start3A_29] : memref<25x80xi32, #tpu.memory_space<vmem>> -> memref<1x80xi32, #tpu.memory_space<vmem>>
      %dma_start3A_31 = tpu.memref_squeeze %dma_start3A_30 : memref<1x80xi32, #tpu.memory_space<vmem>> -> memref<80xi32, #tpu.memory_space<vmem>>
      %dma_start3A_32 = arith.constant 0 : i32
      %dma_start3A_33 = arith.constant 0 : i32
      %dma_start3A_34 = tpu.memref_slice %arg2[%dma_start3A_32, %dma_start3A_33] : memref<10000x128xf32, #tpu.memory_space<hbm>> -> memref<10000x128xf32, #tpu.memory_space<hbm>>
      tpu.enqueue_indirect_dma source(%dma_start3A_34 : memref<10000x128xf32, #tpu.memory_space<hbm>>) target(%arg11 : memref<80x128xf32, #tpu.memory_space<vmem>>) offsets(%dma_start3A_31 : memref<80xi32, #tpu.memory_space<vmem>>) semaphore(%arg13 : memref<!tpu.dma_semaphore, #tpu.memory_space<semaphore_mem>>)
      %scan3A_35 = arith.constant 0 : i32
      %scan3A_36 = arith.constant 0 : i32
      %scan3A_37 = arith.constant 12 : i32
      %scan3A_38 = arith.addi %scan3A_36, %scan3A_37 : i32
      %scan3A_39 = arith.constant 1 : i32
      %scan3A_40 = scf.for %scan3A_57 = %scan3A_36 to %scan3A_38 step %scan3A_39 iter_args(%scan3A_58 = %scan3A_35) -> (i32)  : i32 {
        %mul3A_59 = arith.constant 2 : i32
        %mul3A_60 = arith.muli %mul3A_59, %scan3A_57 : i32
        %dma_wait3A_61 = arith.constant 0 : i32
        %dma_wait3A_62 = tpu.memref_slice %arg8[%mul3A_60, %dma_wait3A_61] : memref<25x80xi32, #tpu.memory_space<vmem>> -> memref<1x80xi32, #tpu.memory_space<vmem>>
        %dma_wait3A_63 = tpu.memref_squeeze %dma_wait3A_62 : memref<1x80xi32, #tpu.memory_space<vmem>> -> memref<80xi32, #tpu.memory_space<vmem>>
        %dma_wait3A_64 = arith.constant 0 : i32
        %dma_wait3A_65 = arith.constant 0 : i32
        %dma_wait3A_66 = tpu.memref_slice %arg2[%dma_wait3A_64, %dma_wait3A_65] : memref<10000x128xf32, #tpu.memory_space<hbm>> -> memref<10000x128xf32, #tpu.memory_space<hbm>>
        tpu.wait_indirect_dma semaphore(%arg12 : memref<!tpu.dma_semaphore, #tpu.memory_space<semaphore_mem>>) src(%dma_wait3A_66 : memref<10000x128xf32, #tpu.memory_space<hbm>>) dst(%arg10 : memref<80x128xf32, #tpu.memory_space<vmem>>)
        "tpu.region"() ({
          %run_scoped3A_78 = tpu.sem_alloc : memref<!tpu.dma_semaphore, #tpu.memory_space<semaphore_mem>>
          %dma_start3A_79 = arith.constant 0 : i32
          %dma_start3A_80 = tpu.memref_slice %arg9[%mul3A_60, %dma_start3A_79] : memref<25x80xi32, #tpu.memory_space<vmem>> -> memref<1x80xi32, #tpu.memory_space<vmem>>
          %dma_start3A_81 = tpu.memref_squeeze %dma_start3A_80 : memref<1x80xi32, #tpu.memory_space<vmem>> -> memref<80xi32, #tpu.memory_space<vmem>>
          %dma_start3A_82 = arith.constant 0 : i32
          %dma_start3A_83 = arith.constant 0 : i32
          %dma_start3A_84 = tpu.memref_slice %arg7[%dma_start3A_82, %dma_start3A_83] : memref<10240x128xf32, #tpu.memory_space<vmem_shared>> -> memref<10240x128xf32, #tpu.memory_space<vmem_shared>>
          tpu.enqueue_indirect_dma source(%arg10 : memref<80x128xf32, #tpu.memory_space<vmem>>) target(%dma_start3A_84 : memref<10240x128xf32, #tpu.memory_space<vmem_shared>>) offsets(%dma_start3A_81 : memref<80xi32, #tpu.memory_space<vmem>>) semaphore(%run_scoped3A_78 : memref<!tpu.dma_semaphore, #tpu.memory_space<semaphore_mem>>) {add = true}
          %dma_wait3A_85 = arith.constant 0 : i32
          %dma_wait3A_86 = tpu.memref_slice %arg9[%mul3A_60, %dma_wait3A_85] : memref<25x80xi32, #tpu.memory_space<vmem>> -> memref<1x80xi32, #tpu.memory_space<vmem>>
          %dma_wait3A_87 = tpu.memref_squeeze %dma_wait3A_86 : memref<1x80xi32, #tpu.memory_space<vmem>> -> memref<80xi32, #tpu.memory_space<vmem>>
          %dma_wait3A_88 = arith.constant 0 : i32
          %dma_wait3A_89 = arith.constant 0 : i32
          %dma_wait3A_90 = tpu.memref_slice %arg7[%dma_wait3A_88, %dma_wait3A_89] : memref<10240x128xf32, #tpu.memory_space<vmem_shared>> -> memref<10240x128xf32, #tpu.memory_space<vmem_shared>>
          tpu.wait_indirect_dma semaphore(%run_scoped3A_78 : memref<!tpu.dma_semaphore, #tpu.memory_space<semaphore_mem>>) src(%arg10 : memref<80x128xf32, #tpu.memory_space<vmem>>) dst(%dma_wait3A_90 : memref<10240x128xf32, #tpu.memory_space<vmem_shared>>)
          tpu.yield
        }) : () -> ()
        %add3A_67 = arith.constant 2 : i32
        %add3A_68 = arith.addi %mul3A_60, %add3A_67 : i32
        %dma_start3A_69 = arith.constant 0 : i32
        %dma_start3A_70 = tpu.memref_slice %arg8[%add3A_68, %dma_start3A_69] : memref<25x80xi32, #tpu.memory_space<vmem>> -> memref<1x80xi32, #tpu.memory_space<vmem>>
        %dma_start3A_71 = tpu.memref_squeeze %dma_start3A_70 : memref<1x80xi32, #tpu.memory_space<vmem>> -> memref<80xi32, #tpu.memory_space<vmem>>
        %dma_start3A_72 = arith.constant 0 : i32
        %dma_start3A_73 = arith.constant 0 : i32
        %dma_start3A_74 = tpu.memref_slice %arg2[%dma_start3A_72, %dma_start3A_73] : memref<10000x128xf32, #tpu.memory_space<hbm>> -> memref<10000x128xf32, #tpu.memory_space<hbm>>
        tpu.enqueue_indirect_dma source(%dma_start3A_74 : memref<10000x128xf32, #tpu.memory_space<hbm>>) target(%arg10 : memref<80x128xf32, #tpu.memory_space<vmem>>) offsets(%dma_start3A_71 : memref<80xi32, #tpu.memory_space<vmem>>) semaphore(%arg12 : memref<!tpu.dma_semaphore, #tpu.memory_space<semaphore_mem>>)
        %lt3A = arith.constant 11 : i32
        %lt3A_75 = arith.cmpi slt, %scan3A_57, %lt3A : i32
        %convert_element_type3A = arith.extui %lt3A_75 : i1 to i32
        %cond3A = arith.constant 0 : i32
        %cond3A_76 = arith.cmpi ne, %convert_element_type3A, %cond3A : i32
        scf.if %cond3A_76 {
          %add3A_78 = arith.constant 1 : i32
          %add3A_79 = arith.addi %mul3A_60, %add3A_78 : i32
          %dma_wait3A_80 = arith.constant 0 : i32
          %dma_wait3A_81 = tpu.memref_slice %arg8[%add3A_79, %dma_wait3A_80] : memref<25x80xi32, #tpu.memory_space<vmem>> -> memref<1x80xi32, #tpu.memory_space<vmem>>
          %dma_wait3A_82 = tpu.memref_squeeze %dma_wait3A_81 : memref<1x80xi32, #tpu.memory_space<vmem>> -> memref<80xi32, #tpu.memory_space<vmem>>
          %dma_wait3A_83 = arith.constant 0 : i32
          %dma_wait3A_84 = arith.constant 0 : i32
          %dma_wait3A_85 = tpu.memref_slice %arg2[%dma_wait3A_83, %dma_wait3A_84] : memref<10000x128xf32, #tpu.memory_space<hbm>> -> memref<10000x128xf32, #tpu.memory_space<hbm>>
          tpu.wait_indirect_dma semaphore(%arg13 : memref<!tpu.dma_semaphore, #tpu.memory_space<semaphore_mem>>) src(%dma_wait3A_85 : memref<10000x128xf32, #tpu.memory_space<hbm>>) dst(%arg11 : memref<80x128xf32, #tpu.memory_space<vmem>>)
          %add3A_86 = arith.constant 1 : i32
          %add3A_87 = arith.addi %mul3A_60, %add3A_86 : i32
          "tpu.region"() ({
            %run_scoped3A_96 = tpu.sem_alloc : memref<!tpu.dma_semaphore, #tpu.memory_space<semaphore_mem>>
            %dma_start3A_97 = arith.constant 0 : i32
            %dma_start3A_98 = tpu.memref_slice %arg9[%add3A_87, %dma_start3A_97] : memref<25x80xi32, #tpu.memory_space<vmem>> -> memref<1x80xi32, #tpu.memory_space<vmem>>
            %dma_start3A_99 = tpu.memref_squeeze %dma_start3A_98 : memref<1x80xi32, #tpu.memory_space<vmem>> -> memref<80xi32, #tpu.memory_space<vmem>>
            %dma_start3A_100 = arith.constant 0 : i32
            %dma_start3A_101 = arith.constant 0 : i32
            %dma_start3A_102 = tpu.memref_slice %arg7[%dma_start3A_100, %dma_start3A_101] : memref<10240x128xf32, #tpu.memory_space<vmem_shared>> -> memref<10240x128xf32, #tpu.memory_space<vmem_shared>>
            tpu.enqueue_indirect_dma source(%arg11 : memref<80x128xf32, #tpu.memory_space<vmem>>) target(%dma_start3A_102 : memref<10240x128xf32, #tpu.memory_space<vmem_shared>>) offsets(%dma_start3A_99 : memref<80xi32, #tpu.memory_space<vmem>>) semaphore(%run_scoped3A_96 : memref<!tpu.dma_semaphore, #tpu.memory_space<semaphore_mem>>) {add = true}
            %dma_wait3A_103 = arith.constant 0 : i32
            %dma_wait3A_104 = tpu.memref_slice %arg9[%add3A_87, %dma_wait3A_103] : memref<25x80xi32, #tpu.memory_space<vmem>> -> memref<1x80xi32, #tpu.memory_space<vmem>>
            %dma_wait3A_105 = tpu.memref_squeeze %dma_wait3A_104 : memref<1x80xi32, #tpu.memory_space<vmem>> -> memref<80xi32, #tpu.memory_space<vmem>>
            %dma_wait3A_106 = arith.constant 0 : i32
            %dma_wait3A_107 = arith.constant 0 : i32
            %dma_wait3A_108 = tpu.memref_slice %arg7[%dma_wait3A_106, %dma_wait3A_107] : memref<10240x128xf32, #tpu.memory_space<vmem_shared>> -> memref<10240x128xf32, #tpu.memory_space<vmem_shared>>
            tpu.wait_indirect_dma semaphore(%run_scoped3A_96 : memref<!tpu.dma_semaphore, #tpu.memory_space<semaphore_mem>>) src(%arg11 : memref<80x128xf32, #tpu.memory_space<vmem>>) dst(%dma_wait3A_108 : memref<10240x128xf32, #tpu.memory_space<vmem_shared>>)
            tpu.yield
          }) : () -> ()
          %add3A_88 = arith.constant 3 : i32
          %add3A_89 = arith.addi %mul3A_60, %add3A_88 : i32
          %dma_start3A_90 = arith.constant 0 : i32
          %dma_start3A_91 = tpu.memref_slice %arg8[%add3A_89, %dma_start3A_90] : memref<25x80xi32, #tpu.memory_space<vmem>> -> memref<1x80xi32, #tpu.memory_space<vmem>>
          %dma_start3A_92 = tpu.memref_squeeze %dma_start3A_91 : memref<1x80xi32, #tpu.memory_space<vmem>> -> memref<80xi32, #tpu.memory_space<vmem>>
          %dma_start3A_93 = arith.constant 0 : i32
          %dma_start3A_94 = arith.constant 0 : i32
          %dma_start3A_95 = tpu.memref_slice %arg2[%dma_start3A_93, %dma_start3A_94] : memref<10000x128xf32, #tpu.memory_space<hbm>> -> memref<10000x128xf32, #tpu.memory_space<hbm>>
          tpu.enqueue_indirect_dma source(%dma_start3A_95 : memref<10000x128xf32, #tpu.memory_space<hbm>>) target(%arg11 : memref<80x128xf32, #tpu.memory_space<vmem>>) offsets(%dma_start3A_92 : memref<80xi32, #tpu.memory_space<vmem>>) semaphore(%arg13 : memref<!tpu.dma_semaphore, #tpu.memory_space<semaphore_mem>>)
        } else {
        }
        %scan3A_77 = arith.constant 0 : i32
        scf.yield %scan3A_77 : i32
      }
      %scan3A_41 = arith.constant 12 : i32
      %dma_wait3A = arith.constant 23 : i32
      %dma_wait3A_42 = arith.constant 0 : i32
      %dma_wait3A_43 = tpu.memref_slice %arg8[%dma_wait3A, %dma_wait3A_42] : memref<25x80xi32, #tpu.memory_space<vmem>> -> memref<1x80xi32, #tpu.memory_space<vmem>>
      %dma_wait3A_44 = tpu.memref_squeeze %dma_wait3A_43 : memref<1x80xi32, #tpu.memory_space<vmem>> -> memref<80xi32, #tpu.memory_space<vmem>>
      %dma_wait3A_45 = arith.constant 0 : i32
      %dma_wait3A_46 = arith.constant 0 : i32
      %dma_wait3A_47 = tpu.memref_slice %arg2[%dma_wait3A_45, %dma_wait3A_46] : memref<10000x128xf32, #tpu.memory_space<hbm>> -> memref<10000x128xf32, #tpu.memory_space<hbm>>
      tpu.wait_indirect_dma semaphore(%arg13 : memref<!tpu.dma_semaphore, #tpu.memory_space<semaphore_mem>>) src(%dma_wait3A_47 : memref<10000x128xf32, #tpu.memory_space<hbm>>) dst(%arg11 : memref<80x128xf32, #tpu.memory_space<vmem>>)
      %run_scoped3A = arith.constant 23 : i32
      "tpu.region"() ({
        %run_scoped3A_57 = tpu.sem_alloc : memref<!tpu.dma_semaphore, #tpu.memory_space<semaphore_mem>>
        %dma_start3A_58 = arith.constant 0 : i32
        %dma_start3A_59 = tpu.memref_slice %arg9[%run_scoped3A, %dma_start3A_58] : memref<25x80xi32, #tpu.memory_space<vmem>> -> memref<1x80xi32, #tpu.memory_space<vmem>>
        %dma_start3A_60 = tpu.memref_squeeze %dma_start3A_59 : memref<1x80xi32, #tpu.memory_space<vmem>> -> memref<80xi32, #tpu.memory_space<vmem>>
        %dma_start3A_61 = arith.constant 0 : i32
        %dma_start3A_62 = arith.constant 0 : i32
        %dma_start3A_63 = tpu.memref_slice %arg7[%dma_start3A_61, %dma_start3A_62] : memref<10240x128xf32, #tpu.memory_space<vmem_shared>> -> memref<10240x128xf32, #tpu.memory_space<vmem_shared>>
        tpu.enqueue_indirect_dma source(%arg11 : memref<80x128xf32, #tpu.memory_space<vmem>>) target(%dma_start3A_63 : memref<10240x128xf32, #tpu.memory_space<vmem_shared>>) offsets(%dma_start3A_60 : memref<80xi32, #tpu.memory_space<vmem>>) semaphore(%run_scoped3A_57 : memref<!tpu.dma_semaphore, #tpu.memory_space<semaphore_mem>>) {add = true}
        %dma_wait3A_64 = arith.constant 0 : i32
        %dma_wait3A_65 = tpu.memref_slice %arg9[%run_scoped3A, %dma_wait3A_64] : memref<25x80xi32, #tpu.memory_space<vmem>> -> memref<1x80xi32, #tpu.memory_space<vmem>>
        %dma_wait3A_66 = tpu.memref_squeeze %dma_wait3A_65 : memref<1x80xi32, #tpu.memory_space<vmem>> -> memref<80xi32, #tpu.memory_space<vmem>>
        %dma_wait3A_67 = arith.constant 0 : i32
        %dma_wait3A_68 = arith.constant 0 : i32
        %dma_wait3A_69 = tpu.memref_slice %arg7[%dma_wait3A_67, %dma_wait3A_68] : memref<10240x128xf32, #tpu.memory_space<vmem_shared>> -> memref<10240x128xf32, #tpu.memory_space<vmem_shared>>
        tpu.wait_indirect_dma semaphore(%run_scoped3A_57 : memref<!tpu.dma_semaphore, #tpu.memory_space<semaphore_mem>>) src(%arg11 : memref<80x128xf32, #tpu.memory_space<vmem>>) dst(%dma_wait3A_69 : memref<10240x128xf32, #tpu.memory_space<vmem_shared>>)
        tpu.yield
      }) : () -> ()
      %dma_wait3A_48 = arith.constant 24 : i32
      %dma_wait3A_49 = arith.constant 0 : i32
      %dma_wait3A_50 = tpu.memref_slice %arg8[%dma_wait3A_48, %dma_wait3A_49] : memref<25x80xi32, #tpu.memory_space<vmem>> -> memref<1x80xi32, #tpu.memory_space<vmem>>
      %dma_wait3A_51 = tpu.memref_squeeze %dma_wait3A_50 : memref<1x80xi32, #tpu.memory_space<vmem>> -> memref<80xi32, #tpu.memory_space<vmem>>
      %dma_wait3A_52 = arith.constant 0 : i32
      %dma_wait3A_53 = arith.constant 0 : i32
      %dma_wait3A_54 = tpu.memref_slice %arg2[%dma_wait3A_52, %dma_wait3A_53] : memref<10000x128xf32, #tpu.memory_space<hbm>> -> memref<10000x128xf32, #tpu.memory_space<hbm>>
      tpu.wait_indirect_dma semaphore(%arg12 : memref<!tpu.dma_semaphore, #tpu.memory_space<semaphore_mem>>) src(%dma_wait3A_54 : memref<10000x128xf32, #tpu.memory_space<hbm>>) dst(%arg10 : memref<80x128xf32, #tpu.memory_space<vmem>>)
      %run_scoped3A_55 = arith.constant 24 : i32
      "tpu.region"() ({
        %run_scoped3A_57 = tpu.sem_alloc : memref<!tpu.dma_semaphore, #tpu.memory_space<semaphore_mem>>
        %dma_start3A_58 = arith.constant 0 : i32
        %dma_start3A_59 = tpu.memref_slice %arg9[%run_scoped3A_55, %dma_start3A_58] : memref<25x80xi32, #tpu.memory_space<vmem>> -> memref<1x80xi32, #tpu.memory_space<vmem>>
        %dma_start3A_60 = tpu.memref_squeeze %dma_start3A_59 : memref<1x80xi32, #tpu.memory_space<vmem>> -> memref<80xi32, #tpu.memory_space<vmem>>
        %dma_start3A_61 = arith.constant 0 : i32
        %dma_start3A_62 = arith.constant 0 : i32
        %dma_start3A_63 = tpu.memref_slice %arg7[%dma_start3A_61, %dma_start3A_62] : memref<10240x128xf32, #tpu.memory_space<vmem_shared>> -> memref<10240x128xf32, #tpu.memory_space<vmem_shared>>
        tpu.enqueue_indirect_dma source(%arg10 : memref<80x128xf32, #tpu.memory_space<vmem>>) target(%dma_start3A_63 : memref<10240x128xf32, #tpu.memory_space<vmem_shared>>) offsets(%dma_start3A_60 : memref<80xi32, #tpu.memory_space<vmem>>) semaphore(%run_scoped3A_57 : memref<!tpu.dma_semaphore, #tpu.memory_space<semaphore_mem>>) {add = true}
        %dma_wait3A_64 = arith.constant 0 : i32
        %dma_wait3A_65 = tpu.memref_slice %arg9[%run_scoped3A_55, %dma_wait3A_64] : memref<25x80xi32, #tpu.memory_space<vmem>> -> memref<1x80xi32, #tpu.memory_space<vmem>>
        %dma_wait3A_66 = tpu.memref_squeeze %dma_wait3A_65 : memref<1x80xi32, #tpu.memory_space<vmem>> -> memref<80xi32, #tpu.memory_space<vmem>>
        %dma_wait3A_67 = arith.constant 0 : i32
        %dma_wait3A_68 = arith.constant 0 : i32
        %dma_wait3A_69 = tpu.memref_slice %arg7[%dma_wait3A_67, %dma_wait3A_68] : memref<10240x128xf32, #tpu.memory_space<vmem_shared>> -> memref<10240x128xf32, #tpu.memory_space<vmem_shared>>
        tpu.wait_indirect_dma semaphore(%run_scoped3A_57 : memref<!tpu.dma_semaphore, #tpu.memory_space<semaphore_mem>>) src(%arg10 : memref<80x128xf32, #tpu.memory_space<vmem>>) dst(%dma_wait3A_69 : memref<10240x128xf32, #tpu.memory_space<vmem_shared>>)
        tpu.yield
      }) : () -> ()
      %scan3A_56 = arith.constant 0 : i32
      scf.yield %scan3A_56 : i32
    }
    %scan3A_15 = arith.constant 5 : i32
    %barrier3A_16 = arith.constant 0 : index
    tpu.barrier barrier_id(%barrier3A_16)
    %mul3A_17 = arith.constant 10240 : i32
    %mul3A_18 = arith.muli %arg0, %mul3A_17 : i32
    %add3A_19 = arith.addi %mul3A_18, %mul3A_2 : i32
    "tpu.region"() ({
      %run_scoped3A = tpu.sem_alloc : memref<!tpu.dma_semaphore, #tpu.memory_space<semaphore_mem>>
      %dma_start3A = arith.constant 0 : i32
      %dma_start3A_20 = tpu.memref_slice %arg6[%add3A_19, %dma_start3A] : memref<20480x128xf32, #tpu.memory_space<hbm>> -> memref<640x128xf32, #tpu.memory_space<hbm>>
      %dma_start3A_21 = arith.constant 0 : i32
      %dma_start3A_22 = tpu.memref_slice %arg7[%mul3A_2, %dma_start3A_21] : memref<10240x128xf32, #tpu.memory_space<vmem_shared>> -> memref<640x128xf32, #tpu.memory_space<vmem_shared>>
      tpu.enqueue_dma source(%dma_start3A_22 : memref<640x128xf32, #tpu.memory_space<vmem_shared>>) target(%dma_start3A_20 : memref<640x128xf32, #tpu.memory_space<hbm>>) target_semaphore(%run_scoped3A : memref<!tpu.dma_semaphore, #tpu.memory_space<semaphore_mem>>)
      %dma_wait3A = arith.constant 0 : i32
      %dma_wait3A_23 = tpu.memref_slice %arg6[%add3A_19, %dma_wait3A] : memref<20480x128xf32, #tpu.memory_space<hbm>> -> memref<640x128xf32, #tpu.memory_space<hbm>>
      %dma_wait3A_24 = arith.constant 0 : i32
      %dma_wait3A_25 = tpu.memref_slice %arg7[%mul3A_2, %dma_wait3A_24] : memref<10240x128xf32, #tpu.memory_space<vmem_shared>> -> memref<640x128xf32, #tpu.memory_space<vmem_shared>>
      tpu.wait_dma2 semaphore(%run_scoped3A : memref<!tpu.dma_semaphore, #tpu.memory_space<semaphore_mem>>) src(%dma_wait3A_25 : memref<640x128xf32, #tpu.memory_space<vmem_shared>>) dst(%dma_wait3A_23 : memref<640x128xf32, #tpu.memory_space<hbm>>)
      tpu.yield
    }) : () -> ()
    return
  }
}

#map = affine_map<(d0, d1) -> (0, 0, 0, 0)>
#map1 = affine_map<(d0, d1) -> (0, 0)>
module attributes {stable_mosaic.version = 14 : i64} {
  func.func @_deg(%arg0: i32, %arg1: i32, %arg2: memref<32x5x25x80xi32, #tpu.memory_space<hbm>>, %arg3: memref<32x128xf32, #tpu.memory_space<hbm>>, %arg4: memref<80x128xf32, #tpu.memory_space<hbm>>, %arg5: memref<20480x128xf32, #tpu.memory_space<hbm>>, %arg6: memref<10240x128xf32, #tpu.memory_space<vmem_shared>>, %arg7: memref<25x80xi32, #tpu.memory_space<vmem>>, %arg8: memref<80x128xf32, #tpu.memory_space<vmem>>) attributes {dimension_semantics = [#tpu.dimension_semantics<core_parallel>, #tpu.dimension_semantics<subcore_parallel>], iteration_bounds = array<i64: 2, 16>, scalar_prefetch = 0 : i64, scratch_operands = 3 : i64, tpu.core_type = #tpu.core_type<sc_vector_subcore>, window_params = [{transform_indices = #map}, {transform_indices = #map1}, {transform_indices = #map1}, {transform_indices = #map1}]} {
    %mul3A = arith.constant 16 : i32
    %mul3A_0 = arith.muli %arg0, %mul3A : i32
    %add3A = arith.addi %mul3A_0, %arg1 : i32
    %mul3A_1 = arith.constant 640 : i32
    %mul3A_2 = arith.muli %arg1, %mul3A_1 : i32
    %scan3A = arith.constant 0 : i32
    %scan3A_3 = arith.constant 0 : i32
    %scan3A_4 = arith.constant 20 : i32
    %scan3A_5 = arith.addi %scan3A_3, %scan3A_4 : i32
    %scan3A_6 = arith.constant 1 : i32
    %scan3A_7 = scf.for %scan3A_20 = %scan3A_3 to %scan3A_5 step %scan3A_6 iter_args(%scan3A_21 = %scan3A) -> (i32)  : i32 {
      %mul3A_22 = arith.constant 32 : i32
      %mul3A_23 = arith.muli %scan3A_20, %mul3A_22 : i32
      %add3A_24 = arith.addi %mul3A_2, %mul3A_23 : i32
      "tpu.region"() ({
        %run_scoped3A = tpu.sem_alloc : memref<!tpu.dma_semaphore, #tpu.memory_space<semaphore_mem>>
        %dma_start3A = arith.constant 0 : i32
        %dma_start3A_26 = tpu.memref_slice %arg6[%add3A_24, %dma_start3A] : memref<10240x128xf32, #tpu.memory_space<vmem_shared>> -> memref<32x128xf32, #tpu.memory_space<vmem_shared>>
        tpu.enqueue_dma source(%arg3 : memref<32x128xf32, #tpu.memory_space<hbm>>) target(%dma_start3A_26 : memref<32x128xf32, #tpu.memory_space<vmem_shared>>) target_semaphore(%run_scoped3A : memref<!tpu.dma_semaphore, #tpu.memory_space<semaphore_mem>>)
        %dma_wait3A = arith.constant 0 : i32
        %dma_wait3A_27 = tpu.memref_slice %arg6[%add3A_24, %dma_wait3A] : memref<10240x128xf32, #tpu.memory_space<vmem_shared>> -> memref<32x128xf32, #tpu.memory_space<vmem_shared>>
        tpu.wait_dma2 semaphore(%run_scoped3A : memref<!tpu.dma_semaphore, #tpu.memory_space<semaphore_mem>>) src(%arg3 : memref<32x128xf32, #tpu.memory_space<hbm>>) dst(%dma_wait3A_27 : memref<32x128xf32, #tpu.memory_space<vmem_shared>>)
        tpu.yield
      }) : () -> ()
      %scan3A_25 = arith.constant 0 : i32
      scf.yield %scan3A_25 : i32
    }
    %scan3A_8 = arith.constant 20 : i32
    "tpu.region"() ({
      %run_scoped3A = tpu.sem_alloc : memref<!tpu.dma_semaphore, #tpu.memory_space<semaphore_mem>>
      tpu.enqueue_dma source(%arg4 : memref<80x128xf32, #tpu.memory_space<hbm>>) target(%arg8 : memref<80x128xf32, #tpu.memory_space<vmem>>) target_semaphore(%run_scoped3A : memref<!tpu.dma_semaphore, #tpu.memory_space<semaphore_mem>>)
      tpu.wait_dma2 semaphore(%run_scoped3A : memref<!tpu.dma_semaphore, #tpu.memory_space<semaphore_mem>>) src(%arg4 : memref<80x128xf32, #tpu.memory_space<hbm>>) dst(%arg8 : memref<80x128xf32, #tpu.memory_space<vmem>>)
      tpu.yield
    }) : () -> ()
    %barrier3A = arith.constant 0 : index
    tpu.barrier barrier_id(%barrier3A)
    %scan3A_9 = arith.constant 0 : i32
    %scan3A_10 = arith.constant 0 : i32
    %scan3A_11 = arith.constant 5 : i32
    %scan3A_12 = arith.addi %scan3A_10, %scan3A_11 : i32
    %scan3A_13 = arith.constant 1 : i32
    %scan3A_14 = scf.for %scan3A_20 = %scan3A_10 to %scan3A_12 step %scan3A_13 iter_args(%scan3A_21 = %scan3A_9) -> (i32)  : i32 {
      "tpu.region"() ({
        %run_scoped3A = tpu.sem_alloc : memref<!tpu.dma_semaphore, #tpu.memory_space<semaphore_mem>>
        %dma_start3A = arith.constant 0 : i32
        %dma_start3A_29 = arith.constant 0 : i32
        %dma_start3A_30 = tpu.memref_slice %arg2[%add3A, %scan3A_20, %dma_start3A, %dma_start3A_29] : memref<32x5x25x80xi32, #tpu.memory_space<hbm>> -> memref<1x1x25x80xi32, #tpu.memory_space<hbm>>
        %dma_start3A_31 = tpu.memref_squeeze %dma_start3A_30 : memref<1x1x25x80xi32, #tpu.memory_space<hbm>> -> memref<25x80xi32, #tpu.memory_space<hbm>>
        %dma_start3A_32 = arith.constant 0 : i32
        %dma_start3A_33 = arith.constant 0 : i32
        %dma_start3A_34 = tpu.memref_slice %arg2[%add3A, %scan3A_20, %dma_start3A_32, %dma_start3A_33] : memref<32x5x25x80xi32, #tpu.memory_space<hbm>> -> memref<1x1x25x80xi32, #tpu.memory_space<hbm>>
        %dma_start3A_35 = tpu.memref_squeeze %dma_start3A_34 : memref<1x1x25x80xi32, #tpu.memory_space<hbm>> -> memref<25x80xi32, #tpu.memory_space<hbm>>
        tpu.enqueue_dma source(%dma_start3A_35 : memref<25x80xi32, #tpu.memory_space<hbm>>) target(%arg7 : memref<25x80xi32, #tpu.memory_space<vmem>>) target_semaphore(%run_scoped3A : memref<!tpu.dma_semaphore, #tpu.memory_space<semaphore_mem>>)
        %dma_wait3A = arith.constant 0 : i32
        %dma_wait3A_36 = arith.constant 0 : i32
        %dma_wait3A_37 = tpu.memref_slice %arg2[%add3A, %scan3A_20, %dma_wait3A, %dma_wait3A_36] : memref<32x5x25x80xi32, #tpu.memory_space<hbm>> -> memref<1x1x25x80xi32, #tpu.memory_space<hbm>>
        %dma_wait3A_38 = tpu.memref_squeeze %dma_wait3A_37 : memref<1x1x25x80xi32, #tpu.memory_space<hbm>> -> memref<25x80xi32, #tpu.memory_space<hbm>>
        %dma_wait3A_39 = arith.constant 0 : i32
        %dma_wait3A_40 = arith.constant 0 : i32
        %dma_wait3A_41 = tpu.memref_slice %arg2[%add3A, %scan3A_20, %dma_wait3A_39, %dma_wait3A_40] : memref<32x5x25x80xi32, #tpu.memory_space<hbm>> -> memref<1x1x25x80xi32, #tpu.memory_space<hbm>>
        %dma_wait3A_42 = tpu.memref_squeeze %dma_wait3A_41 : memref<1x1x25x80xi32, #tpu.memory_space<hbm>> -> memref<25x80xi32, #tpu.memory_space<hbm>>
        tpu.wait_dma2 semaphore(%run_scoped3A : memref<!tpu.dma_semaphore, #tpu.memory_space<semaphore_mem>>) src(%dma_wait3A_42 : memref<25x80xi32, #tpu.memory_space<hbm>>) dst(%arg7 : memref<25x80xi32, #tpu.memory_space<vmem>>)
        tpu.yield
      }) : () -> ()
      %scan3A_22 = arith.constant 0 : i32
      %scan3A_23 = arith.constant 0 : i32
      %scan3A_24 = arith.constant 25 : i32
      %scan3A_25 = arith.addi %scan3A_23, %scan3A_24 : i32
      %scan3A_26 = arith.constant 1 : i32
      %scan3A_27 = scf.for %scan3A_29 = %scan3A_23 to %scan3A_25 step %scan3A_26 iter_args(%scan3A_30 = %scan3A_22) -> (i32)  : i32 {
        "tpu.region"() ({
          %run_scoped3A = tpu.sem_alloc : memref<!tpu.dma_semaphore, #tpu.memory_space<semaphore_mem>>
          %dma_start3A = arith.constant 0 : i32
          %dma_start3A_32 = tpu.memref_slice %arg7[%scan3A_29, %dma_start3A] : memref<25x80xi32, #tpu.memory_space<vmem>> -> memref<1x80xi32, #tpu.memory_space<vmem>>
          %dma_start3A_33 = tpu.memref_squeeze %dma_start3A_32 : memref<1x80xi32, #tpu.memory_space<vmem>> -> memref<80xi32, #tpu.memory_space<vmem>>
          %dma_start3A_34 = arith.constant 0 : i32
          %dma_start3A_35 = arith.constant 0 : i32
          %dma_start3A_36 = tpu.memref_slice %arg6[%dma_start3A_34, %dma_start3A_35] : memref<10240x128xf32, #tpu.memory_space<vmem_shared>> -> memref<10240x128xf32, #tpu.memory_space<vmem_shared>>
          tpu.enqueue_indirect_dma source(%arg8 : memref<80x128xf32, #tpu.memory_space<vmem>>) target(%dma_start3A_36 : memref<10240x128xf32, #tpu.memory_space<vmem_shared>>) offsets(%dma_start3A_33 : memref<80xi32, #tpu.memory_space<vmem>>) semaphore(%run_scoped3A : memref<!tpu.dma_semaphore, #tpu.memory_space<semaphore_mem>>) {add = true}
          %dma_wait3A = arith.constant 0 : i32
          %dma_wait3A_37 = tpu.memref_slice %arg7[%scan3A_29, %dma_wait3A] : memref<25x80xi32, #tpu.memory_space<vmem>> -> memref<1x80xi32, #tpu.memory_space<vmem>>
          %dma_wait3A_38 = tpu.memref_squeeze %dma_wait3A_37 : memref<1x80xi32, #tpu.memory_space<vmem>> -> memref<80xi32, #tpu.memory_space<vmem>>
          %dma_wait3A_39 = arith.constant 0 : i32
          %dma_wait3A_40 = arith.constant 0 : i32
          %dma_wait3A_41 = tpu.memref_slice %arg6[%dma_wait3A_39, %dma_wait3A_40] : memref<10240x128xf32, #tpu.memory_space<vmem_shared>> -> memref<10240x128xf32, #tpu.memory_space<vmem_shared>>
          tpu.wait_indirect_dma semaphore(%run_scoped3A : memref<!tpu.dma_semaphore, #tpu.memory_space<semaphore_mem>>) src(%arg8 : memref<80x128xf32, #tpu.memory_space<vmem>>) dst(%dma_wait3A_41 : memref<10240x128xf32, #tpu.memory_space<vmem_shared>>)
          tpu.yield
        }) : () -> ()
        %scan3A_31 = arith.constant 0 : i32
        scf.yield %scan3A_31 : i32
      }
      %scan3A_28 = arith.constant 25 : i32
      scf.yield %scan3A_27 : i32
    }
    %scan3A_15 = arith.constant 5 : i32
    %barrier3A_16 = arith.constant 0 : index
    tpu.barrier barrier_id(%barrier3A_16)
    %mul3A_17 = arith.constant 10240 : i32
    %mul3A_18 = arith.muli %arg0, %mul3A_17 : i32
    %add3A_19 = arith.addi %mul3A_18, %mul3A_2 : i32
    "tpu.region"() ({
      %run_scoped3A = tpu.sem_alloc : memref<!tpu.dma_semaphore, #tpu.memory_space<semaphore_mem>>
      %dma_start3A = arith.constant 0 : i32
      %dma_start3A_20 = tpu.memref_slice %arg5[%add3A_19, %dma_start3A] : memref<20480x128xf32, #tpu.memory_space<hbm>> -> memref<640x128xf32, #tpu.memory_space<hbm>>
      %dma_start3A_21 = arith.constant 0 : i32
      %dma_start3A_22 = tpu.memref_slice %arg6[%mul3A_2, %dma_start3A_21] : memref<10240x128xf32, #tpu.memory_space<vmem_shared>> -> memref<640x128xf32, #tpu.memory_space<vmem_shared>>
      tpu.enqueue_dma source(%dma_start3A_22 : memref<640x128xf32, #tpu.memory_space<vmem_shared>>) target(%dma_start3A_20 : memref<640x128xf32, #tpu.memory_space<hbm>>) target_semaphore(%run_scoped3A : memref<!tpu.dma_semaphore, #tpu.memory_space<semaphore_mem>>)
      %dma_wait3A = arith.constant 0 : i32
      %dma_wait3A_23 = tpu.memref_slice %arg5[%add3A_19, %dma_wait3A] : memref<20480x128xf32, #tpu.memory_space<hbm>> -> memref<640x128xf32, #tpu.memory_space<hbm>>
      %dma_wait3A_24 = arith.constant 0 : i32
      %dma_wait3A_25 = tpu.memref_slice %arg6[%mul3A_2, %dma_wait3A_24] : memref<10240x128xf32, #tpu.memory_space<vmem_shared>> -> memref<640x128xf32, #tpu.memory_space<vmem_shared>>
      tpu.wait_dma2 semaphore(%run_scoped3A : memref<!tpu.dma_semaphore, #tpu.memory_space<semaphore_mem>>) src(%dma_wait3A_25 : memref<640x128xf32, #tpu.memory_space<vmem_shared>>) dst(%dma_wait3A_23 : memref<640x128xf32, #tpu.memory_space<hbm>>)
      tpu.yield
    }) : () -> ()
    return
  }
}

#map = affine_map<(d0, d1) -> (0, 0)>
#map1 = affine_map<(d0, d1) -> (0, 0, 0, 0)>
module attributes {stable_mosaic.version = 14 : i64} {
  func.func @body(%arg0: i32, %arg1: i32, %arg2: memref<10000x128xf32, #tpu.memory_space<hbm>>, %arg3: memref<32x5x25x80xi32, #tpu.memory_space<hbm>>, %arg4: memref<32x5x25x80xi32, #tpu.memory_space<hbm>>, %arg5: memref<32x128xf32, #tpu.memory_space<hbm>>, %arg6: memref<20480x128xf32, #tpu.memory_space<hbm>>, %arg7: memref<10240x128xf32, #tpu.memory_space<vmem_shared>>, %arg8: memref<25x80xi32, #tpu.memory_space<vmem>>, %arg9: memref<25x80xi32, #tpu.memory_space<vmem>>, %arg10: memref<80x128xf32, #tpu.memory_space<vmem>>, %arg11: memref<80x128xf32, #tpu.memory_space<vmem>>, %arg12: memref<!tpu.dma_semaphore, #tpu.memory_space<semaphore_mem>>, %arg13: memref<!tpu.dma_semaphore, #tpu.memory_space<semaphore_mem>>) attributes {dimension_semantics = [#tpu.dimension_semantics<core_parallel>, #tpu.dimension_semantics<subcore_parallel>], iteration_bounds = array<i64: 2, 16>, scalar_prefetch = 0 : i64, scratch_operands = 7 : i64, tpu.core_type = #tpu.core_type<sc_vector_subcore>, window_params = [{transform_indices = #map}, {transform_indices = #map1}, {transform_indices = #map1}, {transform_indices = #map}, {transform_indices = #map}]} {
    %mul3A = arith.constant 16 : i32
    %mul3A_0 = arith.muli %arg0, %mul3A : i32
    %add3A = arith.addi %mul3A_0, %arg1 : i32
    %mul3A_1 = arith.constant 640 : i32
    %mul3A_2 = arith.muli %arg1, %mul3A_1 : i32
    %scan3A = arith.constant 0 : i32
    %scan3A_3 = arith.constant 0 : i32
    %scan3A_4 = arith.constant 20 : i32
    %scan3A_5 = arith.addi %scan3A_3, %scan3A_4 : i32
    %scan3A_6 = arith.constant 1 : i32
    %scan3A_7 = scf.for %scan3A_20 = %scan3A_3 to %scan3A_5 step %scan3A_6 iter_args(%scan3A_21 = %scan3A) -> (i32)  : i32 {
      %mul3A_22 = arith.constant 32 : i32
      %mul3A_23 = arith.muli %scan3A_20, %mul3A_22 : i32
      %add3A_24 = arith.addi %mul3A_2, %mul3A_23 : i32
      "tpu.region"() ({
        %run_scoped3A = tpu.sem_alloc : memref<!tpu.dma_semaphore, #tpu.memory_space<semaphore_mem>>
        %dma_start3A = arith.constant 0 : i32
        %dma_start3A_26 = tpu.memref_slice %arg7[%add3A_24, %dma_start3A] : memref<10240x128xf32, #tpu.memory_space<vmem_shared>> -> memref<32x128xf32, #tpu.memory_space<vmem_shared>>
        tpu.enqueue_dma source(%arg5 : memref<32x128xf32, #tpu.memory_space<hbm>>) target(%dma_start3A_26 : memref<32x128xf32, #tpu.memory_space<vmem_shared>>) target_semaphore(%run_scoped3A : memref<!tpu.dma_semaphore, #tpu.memory_space<semaphore_mem>>)
        %dma_wait3A = arith.constant 0 : i32
        %dma_wait3A_27 = tpu.memref_slice %arg7[%add3A_24, %dma_wait3A] : memref<10240x128xf32, #tpu.memory_space<vmem_shared>> -> memref<32x128xf32, #tpu.memory_space<vmem_shared>>
        tpu.wait_dma2 semaphore(%run_scoped3A : memref<!tpu.dma_semaphore, #tpu.memory_space<semaphore_mem>>) src(%arg5 : memref<32x128xf32, #tpu.memory_space<hbm>>) dst(%dma_wait3A_27 : memref<32x128xf32, #tpu.memory_space<vmem_shared>>)
        tpu.yield
      }) : () -> ()
      %scan3A_25 = arith.constant 0 : i32
      scf.yield %scan3A_25 : i32
    }
    %scan3A_8 = arith.constant 20 : i32
    %barrier3A = arith.constant 0 : index
    tpu.barrier barrier_id(%barrier3A)
    %scan3A_9 = arith.constant 0 : i32
    %scan3A_10 = arith.constant 0 : i32
    %scan3A_11 = arith.constant 5 : i32
    %scan3A_12 = arith.addi %scan3A_10, %scan3A_11 : i32
    %scan3A_13 = arith.constant 1 : i32
    %scan3A_14 = scf.for %scan3A_20 = %scan3A_10 to %scan3A_12 step %scan3A_13 iter_args(%scan3A_21 = %scan3A_9) -> (i32)  : i32 {
      "tpu.region"() ({
        %run_scoped3A_57 = tpu.sem_alloc : memref<!tpu.dma_semaphore, #tpu.memory_space<semaphore_mem>>
        %dma_start3A_58 = arith.constant 0 : i32
        %dma_start3A_59 = arith.constant 0 : i32
        %dma_start3A_60 = tpu.memref_slice %arg3[%add3A, %scan3A_20, %dma_start3A_58, %dma_start3A_59] : memref<32x5x25x80xi32, #tpu.memory_space<hbm>> -> memref<1x1x25x80xi32, #tpu.memory_space<hbm>>
        %dma_start3A_61 = tpu.memref_squeeze %dma_start3A_60 : memref<1x1x25x80xi32, #tpu.memory_space<hbm>> -> memref<25x80xi32, #tpu.memory_space<hbm>>
        %dma_start3A_62 = arith.constant 0 : i32
        %dma_start3A_63 = arith.constant 0 : i32
        %dma_start3A_64 = tpu.memref_slice %arg3[%add3A, %scan3A_20, %dma_start3A_62, %dma_start3A_63] : memref<32x5x25x80xi32, #tpu.memory_space<hbm>> -> memref<1x1x25x80xi32, #tpu.memory_space<hbm>>
        %dma_start3A_65 = tpu.memref_squeeze %dma_start3A_64 : memref<1x1x25x80xi32, #tpu.memory_space<hbm>> -> memref<25x80xi32, #tpu.memory_space<hbm>>
        tpu.enqueue_dma source(%dma_start3A_65 : memref<25x80xi32, #tpu.memory_space<hbm>>) target(%arg8 : memref<25x80xi32, #tpu.memory_space<vmem>>) target_semaphore(%run_scoped3A_57 : memref<!tpu.dma_semaphore, #tpu.memory_space<semaphore_mem>>)
        %dma_wait3A_66 = arith.constant 0 : i32
        %dma_wait3A_67 = arith.constant 0 : i32
        %dma_wait3A_68 = tpu.memref_slice %arg3[%add3A, %scan3A_20, %dma_wait3A_66, %dma_wait3A_67] : memref<32x5x25x80xi32, #tpu.memory_space<hbm>> -> memref<1x1x25x80xi32, #tpu.memory_space<hbm>>
        %dma_wait3A_69 = tpu.memref_squeeze %dma_wait3A_68 : memref<1x1x25x80xi32, #tpu.memory_space<hbm>> -> memref<25x80xi32, #tpu.memory_space<hbm>>
        %dma_wait3A_70 = arith.constant 0 : i32
        %dma_wait3A_71 = arith.constant 0 : i32
        %dma_wait3A_72 = tpu.memref_slice %arg3[%add3A, %scan3A_20, %dma_wait3A_70, %dma_wait3A_71] : memref<32x5x25x80xi32, #tpu.memory_space<hbm>> -> memref<1x1x25x80xi32, #tpu.memory_space<hbm>>
        %dma_wait3A_73 = tpu.memref_squeeze %dma_wait3A_72 : memref<1x1x25x80xi32, #tpu.memory_space<hbm>> -> memref<25x80xi32, #tpu.memory_space<hbm>>
        tpu.wait_dma2 semaphore(%run_scoped3A_57 : memref<!tpu.dma_semaphore, #tpu.memory_space<semaphore_mem>>) src(%dma_wait3A_73 : memref<25x80xi32, #tpu.memory_space<hbm>>) dst(%arg8 : memref<25x80xi32, #tpu.memory_space<vmem>>)
        tpu.yield
      }) : () -> ()
      "tpu.region"() ({
        %run_scoped3A_57 = tpu.sem_alloc : memref<!tpu.dma_semaphore, #tpu.memory_space<semaphore_mem>>
        %dma_start3A_58 = arith.constant 0 : i32
        %dma_start3A_59 = arith.constant 0 : i32
        %dma_start3A_60 = tpu.memref_slice %arg4[%add3A, %scan3A_20, %dma_start3A_58, %dma_start3A_59] : memref<32x5x25x80xi32, #tpu.memory_space<hbm>> -> memref<1x1x25x80xi32, #tpu.memory_space<hbm>>
        %dma_start3A_61 = tpu.memref_squeeze %dma_start3A_60 : memref<1x1x25x80xi32, #tpu.memory_space<hbm>> -> memref<25x80xi32, #tpu.memory_space<hbm>>
        %dma_start3A_62 = arith.constant 0 : i32
        %dma_start3A_63 = arith.constant 0 : i32
        %dma_start3A_64 = tpu.memref_slice %arg4[%add3A, %scan3A_20, %dma_start3A_62, %dma_start3A_63] : memref<32x5x25x80xi32, #tpu.memory_space<hbm>> -> memref<1x1x25x80xi32, #tpu.memory_space<hbm>>
        %dma_start3A_65 = tpu.memref_squeeze %dma_start3A_64 : memref<1x1x25x80xi32, #tpu.memory_space<hbm>> -> memref<25x80xi32, #tpu.memory_space<hbm>>
        tpu.enqueue_dma source(%dma_start3A_65 : memref<25x80xi32, #tpu.memory_space<hbm>>) target(%arg9 : memref<25x80xi32, #tpu.memory_space<vmem>>) target_semaphore(%run_scoped3A_57 : memref<!tpu.dma_semaphore, #tpu.memory_space<semaphore_mem>>)
        %dma_wait3A_66 = arith.constant 0 : i32
        %dma_wait3A_67 = arith.constant 0 : i32
        %dma_wait3A_68 = tpu.memref_slice %arg4[%add3A, %scan3A_20, %dma_wait3A_66, %dma_wait3A_67] : memref<32x5x25x80xi32, #tpu.memory_space<hbm>> -> memref<1x1x25x80xi32, #tpu.memory_space<hbm>>
        %dma_wait3A_69 = tpu.memref_squeeze %dma_wait3A_68 : memref<1x1x25x80xi32, #tpu.memory_space<hbm>> -> memref<25x80xi32, #tpu.memory_space<hbm>>
        %dma_wait3A_70 = arith.constant 0 : i32
        %dma_wait3A_71 = arith.constant 0 : i32
        %dma_wait3A_72 = tpu.memref_slice %arg4[%add3A, %scan3A_20, %dma_wait3A_70, %dma_wait3A_71] : memref<32x5x25x80xi32, #tpu.memory_space<hbm>> -> memref<1x1x25x80xi32, #tpu.memory_space<hbm>>
        %dma_wait3A_73 = tpu.memref_squeeze %dma_wait3A_72 : memref<1x1x25x80xi32, #tpu.memory_space<hbm>> -> memref<25x80xi32, #tpu.memory_space<hbm>>
        tpu.wait_dma2 semaphore(%run_scoped3A_57 : memref<!tpu.dma_semaphore, #tpu.memory_space<semaphore_mem>>) src(%dma_wait3A_73 : memref<25x80xi32, #tpu.memory_space<hbm>>) dst(%arg9 : memref<25x80xi32, #tpu.memory_space<vmem>>)
        tpu.yield
      }) : () -> ()
      %dma_start3A = arith.constant 0 : i32
      %dma_start3A_22 = arith.constant 0 : i32
      %dma_start3A_23 = tpu.memref_slice %arg8[%dma_start3A, %dma_start3A_22] : memref<25x80xi32, #tpu.memory_space<vmem>> -> memref<1x80xi32, #tpu.memory_space<vmem>>
      %dma_start3A_24 = tpu.memref_squeeze %dma_start3A_23 : memref<1x80xi32, #tpu.memory_space<vmem>> -> memref<80xi32, #tpu.memory_space<vmem>>
      %dma_start3A_25 = arith.constant 0 : i32
      %dma_start3A_26 = arith.constant 0 : i32
      %dma_start3A_27 = tpu.memref_slice %arg2[%dma_start3A_25, %dma_start3A_26] : memref<10000x128xf32, #tpu.memory_space<hbm>> -> memref<10000x128xf32, #tpu.memory_space<hbm>>
      tpu.enqueue_indirect_dma source(%dma_start3A_27 : memref<10000x128xf32, #tpu.memory_space<hbm>>) target(%arg10 : memref<80x128xf32, #tpu.memory_space<vmem>>) offsets(%dma_start3A_24 : memref<80xi32, #tpu.memory_space<vmem>>) semaphore(%arg12 : memref<!tpu.dma_semaphore, #tpu.memory_space<semaphore_mem>>)
      %dma_start3A_28 = arith.constant 1 : i32
      %dma_start3A_29 = arith.constant 0 : i32
      %dma_start3A_30 = tpu.memref_slice %arg8[%dma_start3A_28, %dma_start3A_29] : memref<25x80xi32, #tpu.memory_space<vmem>> -> memref<1x80xi32, #tpu.memory_space<vmem>>
      %dma_start3A_31 = tpu.memref_squeeze %dma_start3A_30 : memref<1x80xi32, #tpu.memory_space<vmem>> -> memref<80xi32, #tpu.memory_space<vmem>>
      %dma_start3A_32 = arith.constant 0 : i32
      %dma_start3A_33 = arith.constant 0 : i32
      %dma_start3A_34 = tpu.memref_slice %arg2[%dma_start3A_32, %dma_start3A_33] : memref<10000x128xf32, #tpu.memory_space<hbm>> -> memref<10000x128xf32, #tpu.memory_space<hbm>>
      tpu.enqueue_indirect_dma source(%dma_start3A_34 : memref<10000x128xf32, #tpu.memory_space<hbm>>) target(%arg11 : memref<80x128xf32, #tpu.memory_space<vmem>>) offsets(%dma_start3A_31 : memref<80xi32, #tpu.memory_space<vmem>>) semaphore(%arg13 : memref<!tpu.dma_semaphore, #tpu.memory_space<semaphore_mem>>)
      %scan3A_35 = arith.constant 0 : i32
      %scan3A_36 = arith.constant 0 : i32
      %scan3A_37 = arith.constant 12 : i32
      %scan3A_38 = arith.addi %scan3A_36, %scan3A_37 : i32
      %scan3A_39 = arith.constant 1 : i32
      %scan3A_40 = scf.for %scan3A_57 = %scan3A_36 to %scan3A_38 step %scan3A_39 iter_args(%scan3A_58 = %scan3A_35) -> (i32)  : i32 {
        %mul3A_59 = arith.constant 2 : i32
        %mul3A_60 = arith.muli %mul3A_59, %scan3A_57 : i32
        %dma_wait3A_61 = arith.constant 0 : i32
        %dma_wait3A_62 = tpu.memref_slice %arg8[%mul3A_60, %dma_wait3A_61] : memref<25x80xi32, #tpu.memory_space<vmem>> -> memref<1x80xi32, #tpu.memory_space<vmem>>
        %dma_wait3A_63 = tpu.memref_squeeze %dma_wait3A_62 : memref<1x80xi32, #tpu.memory_space<vmem>> -> memref<80xi32, #tpu.memory_space<vmem>>
        %dma_wait3A_64 = arith.constant 0 : i32
        %dma_wait3A_65 = arith.constant 0 : i32
        %dma_wait3A_66 = tpu.memref_slice %arg2[%dma_wait3A_64, %dma_wait3A_65] : memref<10000x128xf32, #tpu.memory_space<hbm>> -> memref<10000x128xf32, #tpu.memory_space<hbm>>
        tpu.wait_indirect_dma semaphore(%arg12 : memref<!tpu.dma_semaphore, #tpu.memory_space<semaphore_mem>>) src(%dma_wait3A_66 : memref<10000x128xf32, #tpu.memory_space<hbm>>) dst(%arg10 : memref<80x128xf32, #tpu.memory_space<vmem>>)
        "tpu.region"() ({
          %run_scoped3A_78 = tpu.sem_alloc : memref<!tpu.dma_semaphore, #tpu.memory_space<semaphore_mem>>
          %dma_start3A_79 = arith.constant 0 : i32
          %dma_start3A_80 = tpu.memref_slice %arg9[%mul3A_60, %dma_start3A_79] : memref<25x80xi32, #tpu.memory_space<vmem>> -> memref<1x80xi32, #tpu.memory_space<vmem>>
          %dma_start3A_81 = tpu.memref_squeeze %dma_start3A_80 : memref<1x80xi32, #tpu.memory_space<vmem>> -> memref<80xi32, #tpu.memory_space<vmem>>
          %dma_start3A_82 = arith.constant 0 : i32
          %dma_start3A_83 = arith.constant 0 : i32
          %dma_start3A_84 = tpu.memref_slice %arg7[%dma_start3A_82, %dma_start3A_83] : memref<10240x128xf32, #tpu.memory_space<vmem_shared>> -> memref<10240x128xf32, #tpu.memory_space<vmem_shared>>
          tpu.enqueue_indirect_dma source(%arg10 : memref<80x128xf32, #tpu.memory_space<vmem>>) target(%dma_start3A_84 : memref<10240x128xf32, #tpu.memory_space<vmem_shared>>) offsets(%dma_start3A_81 : memref<80xi32, #tpu.memory_space<vmem>>) semaphore(%run_scoped3A_78 : memref<!tpu.dma_semaphore, #tpu.memory_space<semaphore_mem>>) {add = true}
          %dma_wait3A_85 = arith.constant 0 : i32
          %dma_wait3A_86 = tpu.memref_slice %arg9[%mul3A_60, %dma_wait3A_85] : memref<25x80xi32, #tpu.memory_space<vmem>> -> memref<1x80xi32, #tpu.memory_space<vmem>>
          %dma_wait3A_87 = tpu.memref_squeeze %dma_wait3A_86 : memref<1x80xi32, #tpu.memory_space<vmem>> -> memref<80xi32, #tpu.memory_space<vmem>>
          %dma_wait3A_88 = arith.constant 0 : i32
          %dma_wait3A_89 = arith.constant 0 : i32
          %dma_wait3A_90 = tpu.memref_slice %arg7[%dma_wait3A_88, %dma_wait3A_89] : memref<10240x128xf32, #tpu.memory_space<vmem_shared>> -> memref<10240x128xf32, #tpu.memory_space<vmem_shared>>
          tpu.wait_indirect_dma semaphore(%run_scoped3A_78 : memref<!tpu.dma_semaphore, #tpu.memory_space<semaphore_mem>>) src(%arg10 : memref<80x128xf32, #tpu.memory_space<vmem>>) dst(%dma_wait3A_90 : memref<10240x128xf32, #tpu.memory_space<vmem_shared>>)
          tpu.yield
        }) : () -> ()
        %add3A_67 = arith.constant 2 : i32
        %add3A_68 = arith.addi %mul3A_60, %add3A_67 : i32
        %dma_start3A_69 = arith.constant 0 : i32
        %dma_start3A_70 = tpu.memref_slice %arg8[%add3A_68, %dma_start3A_69] : memref<25x80xi32, #tpu.memory_space<vmem>> -> memref<1x80xi32, #tpu.memory_space<vmem>>
        %dma_start3A_71 = tpu.memref_squeeze %dma_start3A_70 : memref<1x80xi32, #tpu.memory_space<vmem>> -> memref<80xi32, #tpu.memory_space<vmem>>
        %dma_start3A_72 = arith.constant 0 : i32
        %dma_start3A_73 = arith.constant 0 : i32
        %dma_start3A_74 = tpu.memref_slice %arg2[%dma_start3A_72, %dma_start3A_73] : memref<10000x128xf32, #tpu.memory_space<hbm>> -> memref<10000x128xf32, #tpu.memory_space<hbm>>
        tpu.enqueue_indirect_dma source(%dma_start3A_74 : memref<10000x128xf32, #tpu.memory_space<hbm>>) target(%arg10 : memref<80x128xf32, #tpu.memory_space<vmem>>) offsets(%dma_start3A_71 : memref<80xi32, #tpu.memory_space<vmem>>) semaphore(%arg12 : memref<!tpu.dma_semaphore, #tpu.memory_space<semaphore_mem>>)
        %lt3A = arith.constant 11 : i32
        %lt3A_75 = arith.cmpi slt, %scan3A_57, %lt3A : i32
        %convert_element_type3A = arith.extui %lt3A_75 : i1 to i32
        %cond3A = arith.constant 0 : i32
        %cond3A_76 = arith.cmpi ne, %convert_element_type3A, %cond3A : i32
        scf.if %cond3A_76 {
          %add3A_78 = arith.constant 1 : i32
          %add3A_79 = arith.addi %mul3A_60, %add3A_78 : i32
          %dma_wait3A_80 = arith.constant 0 : i32
          %dma_wait3A_81 = tpu.memref_slice %arg8[%add3A_79, %dma_wait3A_80] : memref<25x80xi32, #tpu.memory_space<vmem>> -> memref<1x80xi32, #tpu.memory_space<vmem>>
          %dma_wait3A_82 = tpu.memref_squeeze %dma_wait3A_81 : memref<1x80xi32, #tpu.memory_space<vmem>> -> memref<80xi32, #tpu.memory_space<vmem>>
          %dma_wait3A_83 = arith.constant 0 : i32
          %dma_wait3A_84 = arith.constant 0 : i32
          %dma_wait3A_85 = tpu.memref_slice %arg2[%dma_wait3A_83, %dma_wait3A_84] : memref<10000x128xf32, #tpu.memory_space<hbm>> -> memref<10000x128xf32, #tpu.memory_space<hbm>>
          tpu.wait_indirect_dma semaphore(%arg13 : memref<!tpu.dma_semaphore, #tpu.memory_space<semaphore_mem>>) src(%dma_wait3A_85 : memref<10000x128xf32, #tpu.memory_space<hbm>>) dst(%arg11 : memref<80x128xf32, #tpu.memory_space<vmem>>)
          %add3A_86 = arith.constant 1 : i32
          %add3A_87 = arith.addi %mul3A_60, %add3A_86 : i32
          "tpu.region"() ({
            %run_scoped3A_96 = tpu.sem_alloc : memref<!tpu.dma_semaphore, #tpu.memory_space<semaphore_mem>>
            %dma_start3A_97 = arith.constant 0 : i32
            %dma_start3A_98 = tpu.memref_slice %arg9[%add3A_87, %dma_start3A_97] : memref<25x80xi32, #tpu.memory_space<vmem>> -> memref<1x80xi32, #tpu.memory_space<vmem>>
            %dma_start3A_99 = tpu.memref_squeeze %dma_start3A_98 : memref<1x80xi32, #tpu.memory_space<vmem>> -> memref<80xi32, #tpu.memory_space<vmem>>
            %dma_start3A_100 = arith.constant 0 : i32
            %dma_start3A_101 = arith.constant 0 : i32
            %dma_start3A_102 = tpu.memref_slice %arg7[%dma_start3A_100, %dma_start3A_101] : memref<10240x128xf32, #tpu.memory_space<vmem_shared>> -> memref<10240x128xf32, #tpu.memory_space<vmem_shared>>
            tpu.enqueue_indirect_dma source(%arg11 : memref<80x128xf32, #tpu.memory_space<vmem>>) target(%dma_start3A_102 : memref<10240x128xf32, #tpu.memory_space<vmem_shared>>) offsets(%dma_start3A_99 : memref<80xi32, #tpu.memory_space<vmem>>) semaphore(%run_scoped3A_96 : memref<!tpu.dma_semaphore, #tpu.memory_space<semaphore_mem>>) {add = true}
            %dma_wait3A_103 = arith.constant 0 : i32
            %dma_wait3A_104 = tpu.memref_slice %arg9[%add3A_87, %dma_wait3A_103] : memref<25x80xi32, #tpu.memory_space<vmem>> -> memref<1x80xi32, #tpu.memory_space<vmem>>
            %dma_wait3A_105 = tpu.memref_squeeze %dma_wait3A_104 : memref<1x80xi32, #tpu.memory_space<vmem>> -> memref<80xi32, #tpu.memory_space<vmem>>
            %dma_wait3A_106 = arith.constant 0 : i32
            %dma_wait3A_107 = arith.constant 0 : i32
            %dma_wait3A_108 = tpu.memref_slice %arg7[%dma_wait3A_106, %dma_wait3A_107] : memref<10240x128xf32, #tpu.memory_space<vmem_shared>> -> memref<10240x128xf32, #tpu.memory_space<vmem_shared>>
            tpu.wait_indirect_dma semaphore(%run_scoped3A_96 : memref<!tpu.dma_semaphore, #tpu.memory_space<semaphore_mem>>) src(%arg11 : memref<80x128xf32, #tpu.memory_space<vmem>>) dst(%dma_wait3A_108 : memref<10240x128xf32, #tpu.memory_space<vmem_shared>>)
            tpu.yield
          }) : () -> ()
          %add3A_88 = arith.constant 3 : i32
          %add3A_89 = arith.addi %mul3A_60, %add3A_88 : i32
          %dma_start3A_90 = arith.constant 0 : i32
          %dma_start3A_91 = tpu.memref_slice %arg8[%add3A_89, %dma_start3A_90] : memref<25x80xi32, #tpu.memory_space<vmem>> -> memref<1x80xi32, #tpu.memory_space<vmem>>
          %dma_start3A_92 = tpu.memref_squeeze %dma_start3A_91 : memref<1x80xi32, #tpu.memory_space<vmem>> -> memref<80xi32, #tpu.memory_space<vmem>>
          %dma_start3A_93 = arith.constant 0 : i32
          %dma_start3A_94 = arith.constant 0 : i32
          %dma_start3A_95 = tpu.memref_slice %arg2[%dma_start3A_93, %dma_start3A_94] : memref<10000x128xf32, #tpu.memory_space<hbm>> -> memref<10000x128xf32, #tpu.memory_space<hbm>>
          tpu.enqueue_indirect_dma source(%dma_start3A_95 : memref<10000x128xf32, #tpu.memory_space<hbm>>) target(%arg11 : memref<80x128xf32, #tpu.memory_space<vmem>>) offsets(%dma_start3A_92 : memref<80xi32, #tpu.memory_space<vmem>>) semaphore(%arg13 : memref<!tpu.dma_semaphore, #tpu.memory_space<semaphore_mem>>)
        } else {
        }
        %scan3A_77 = arith.constant 0 : i32
        scf.yield %scan3A_77 : i32
      }
      %scan3A_41 = arith.constant 12 : i32
      %dma_wait3A = arith.constant 23 : i32
      %dma_wait3A_42 = arith.constant 0 : i32
      %dma_wait3A_43 = tpu.memref_slice %arg8[%dma_wait3A, %dma_wait3A_42] : memref<25x80xi32, #tpu.memory_space<vmem>> -> memref<1x80xi32, #tpu.memory_space<vmem>>
      %dma_wait3A_44 = tpu.memref_squeeze %dma_wait3A_43 : memref<1x80xi32, #tpu.memory_space<vmem>> -> memref<80xi32, #tpu.memory_space<vmem>>
      %dma_wait3A_45 = arith.constant 0 : i32
      %dma_wait3A_46 = arith.constant 0 : i32
      %dma_wait3A_47 = tpu.memref_slice %arg2[%dma_wait3A_45, %dma_wait3A_46] : memref<10000x128xf32, #tpu.memory_space<hbm>> -> memref<10000x128xf32, #tpu.memory_space<hbm>>
      tpu.wait_indirect_dma semaphore(%arg13 : memref<!tpu.dma_semaphore, #tpu.memory_space<semaphore_mem>>) src(%dma_wait3A_47 : memref<10000x128xf32, #tpu.memory_space<hbm>>) dst(%arg11 : memref<80x128xf32, #tpu.memory_space<vmem>>)
      %run_scoped3A = arith.constant 23 : i32
      "tpu.region"() ({
        %run_scoped3A_57 = tpu.sem_alloc : memref<!tpu.dma_semaphore, #tpu.memory_space<semaphore_mem>>
        %dma_start3A_58 = arith.constant 0 : i32
        %dma_start3A_59 = tpu.memref_slice %arg9[%run_scoped3A, %dma_start3A_58] : memref<25x80xi32, #tpu.memory_space<vmem>> -> memref<1x80xi32, #tpu.memory_space<vmem>>
        %dma_start3A_60 = tpu.memref_squeeze %dma_start3A_59 : memref<1x80xi32, #tpu.memory_space<vmem>> -> memref<80xi32, #tpu.memory_space<vmem>>
        %dma_start3A_61 = arith.constant 0 : i32
        %dma_start3A_62 = arith.constant 0 : i32
        %dma_start3A_63 = tpu.memref_slice %arg7[%dma_start3A_61, %dma_start3A_62] : memref<10240x128xf32, #tpu.memory_space<vmem_shared>> -> memref<10240x128xf32, #tpu.memory_space<vmem_shared>>
        tpu.enqueue_indirect_dma source(%arg11 : memref<80x128xf32, #tpu.memory_space<vmem>>) target(%dma_start3A_63 : memref<10240x128xf32, #tpu.memory_space<vmem_shared>>) offsets(%dma_start3A_60 : memref<80xi32, #tpu.memory_space<vmem>>) semaphore(%run_scoped3A_57 : memref<!tpu.dma_semaphore, #tpu.memory_space<semaphore_mem>>) {add = true}
        %dma_wait3A_64 = arith.constant 0 : i32
        %dma_wait3A_65 = tpu.memref_slice %arg9[%run_scoped3A, %dma_wait3A_64] : memref<25x80xi32, #tpu.memory_space<vmem>> -> memref<1x80xi32, #tpu.memory_space<vmem>>
        %dma_wait3A_66 = tpu.memref_squeeze %dma_wait3A_65 : memref<1x80xi32, #tpu.memory_space<vmem>> -> memref<80xi32, #tpu.memory_space<vmem>>
        %dma_wait3A_67 = arith.constant 0 : i32
        %dma_wait3A_68 = arith.constant 0 : i32
        %dma_wait3A_69 = tpu.memref_slice %arg7[%dma_wait3A_67, %dma_wait3A_68] : memref<10240x128xf32, #tpu.memory_space<vmem_shared>> -> memref<10240x128xf32, #tpu.memory_space<vmem_shared>>
        tpu.wait_indirect_dma semaphore(%run_scoped3A_57 : memref<!tpu.dma_semaphore, #tpu.memory_space<semaphore_mem>>) src(%arg11 : memref<80x128xf32, #tpu.memory_space<vmem>>) dst(%dma_wait3A_69 : memref<10240x128xf32, #tpu.memory_space<vmem_shared>>)
        tpu.yield
      }) : () -> ()
      %dma_wait3A_48 = arith.constant 24 : i32
      %dma_wait3A_49 = arith.constant 0 : i32
      %dma_wait3A_50 = tpu.memref_slice %arg8[%dma_wait3A_48, %dma_wait3A_49] : memref<25x80xi32, #tpu.memory_space<vmem>> -> memref<1x80xi32, #tpu.memory_space<vmem>>
      %dma_wait3A_51 = tpu.memref_squeeze %dma_wait3A_50 : memref<1x80xi32, #tpu.memory_space<vmem>> -> memref<80xi32, #tpu.memory_space<vmem>>
      %dma_wait3A_52 = arith.constant 0 : i32
      %dma_wait3A_53 = arith.constant 0 : i32
      %dma_wait3A_54 = tpu.memref_slice %arg2[%dma_wait3A_52, %dma_wait3A_53] : memref<10000x128xf32, #tpu.memory_space<hbm>> -> memref<10000x128xf32, #tpu.memory_space<hbm>>
      tpu.wait_indirect_dma semaphore(%arg12 : memref<!tpu.dma_semaphore, #tpu.memory_space<semaphore_mem>>) src(%dma_wait3A_54 : memref<10000x128xf32, #tpu.memory_space<hbm>>) dst(%arg10 : memref<80x128xf32, #tpu.memory_space<vmem>>)
      %run_scoped3A_55 = arith.constant 24 : i32
      "tpu.region"() ({
        %run_scoped3A_57 = tpu.sem_alloc : memref<!tpu.dma_semaphore, #tpu.memory_space<semaphore_mem>>
        %dma_start3A_58 = arith.constant 0 : i32
        %dma_start3A_59 = tpu.memref_slice %arg9[%run_scoped3A_55, %dma_start3A_58] : memref<25x80xi32, #tpu.memory_space<vmem>> -> memref<1x80xi32, #tpu.memory_space<vmem>>
        %dma_start3A_60 = tpu.memref_squeeze %dma_start3A_59 : memref<1x80xi32, #tpu.memory_space<vmem>> -> memref<80xi32, #tpu.memory_space<vmem>>
        %dma_start3A_61 = arith.constant 0 : i32
        %dma_start3A_62 = arith.constant 0 : i32
        %dma_start3A_63 = tpu.memref_slice %arg7[%dma_start3A_61, %dma_start3A_62] : memref<10240x128xf32, #tpu.memory_space<vmem_shared>> -> memref<10240x128xf32, #tpu.memory_space<vmem_shared>>
        tpu.enqueue_indirect_dma source(%arg10 : memref<80x128xf32, #tpu.memory_space<vmem>>) target(%dma_start3A_63 : memref<10240x128xf32, #tpu.memory_space<vmem_shared>>) offsets(%dma_start3A_60 : memref<80xi32, #tpu.memory_space<vmem>>) semaphore(%run_scoped3A_57 : memref<!tpu.dma_semaphore, #tpu.memory_space<semaphore_mem>>) {add = true}
        %dma_wait3A_64 = arith.constant 0 : i32
        %dma_wait3A_65 = tpu.memref_slice %arg9[%run_scoped3A_55, %dma_wait3A_64] : memref<25x80xi32, #tpu.memory_space<vmem>> -> memref<1x80xi32, #tpu.memory_space<vmem>>
        %dma_wait3A_66 = tpu.memref_squeeze %dma_wait3A_65 : memref<1x80xi32, #tpu.memory_space<vmem>> -> memref<80xi32, #tpu.memory_space<vmem>>
        %dma_wait3A_67 = arith.constant 0 : i32
        %dma_wait3A_68 = arith.constant 0 : i32
        %dma_wait3A_69 = tpu.memref_slice %arg7[%dma_wait3A_67, %dma_wait3A_68] : memref<10240x128xf32, #tpu.memory_space<vmem_shared>> -> memref<10240x128xf32, #tpu.memory_space<vmem_shared>>
        tpu.wait_indirect_dma semaphore(%run_scoped3A_57 : memref<!tpu.dma_semaphore, #tpu.memory_space<semaphore_mem>>) src(%arg10 : memref<80x128xf32, #tpu.memory_space<vmem>>) dst(%dma_wait3A_69 : memref<10240x128xf32, #tpu.memory_space<vmem_shared>>)
        tpu.yield
      }) : () -> ()
      %scan3A_56 = arith.constant 0 : i32
      scf.yield %scan3A_56 : i32
    }
    %scan3A_15 = arith.constant 5 : i32
    %barrier3A_16 = arith.constant 0 : index
    tpu.barrier barrier_id(%barrier3A_16)
    %mul3A_17 = arith.constant 10240 : i32
    %mul3A_18 = arith.muli %arg0, %mul3A_17 : i32
    %add3A_19 = arith.addi %mul3A_18, %mul3A_2 : i32
    "tpu.region"() ({
      %run_scoped3A = tpu.sem_alloc : memref<!tpu.dma_semaphore, #tpu.memory_space<semaphore_mem>>
      %dma_start3A = arith.constant 0 : i32
      %dma_start3A_20 = tpu.memref_slice %arg6[%add3A_19, %dma_start3A] : memref<20480x128xf32, #tpu.memory_space<hbm>> -> memref<640x128xf32, #tpu.memory_space<hbm>>
      %dma_start3A_21 = arith.constant 0 : i32
      %dma_start3A_22 = tpu.memref_slice %arg7[%mul3A_2, %dma_start3A_21] : memref<10240x128xf32, #tpu.memory_space<vmem_shared>> -> memref<640x128xf32, #tpu.memory_space<vmem_shared>>
      tpu.enqueue_dma source(%dma_start3A_22 : memref<640x128xf32, #tpu.memory_space<vmem_shared>>) target(%dma_start3A_20 : memref<640x128xf32, #tpu.memory_space<hbm>>) target_semaphore(%run_scoped3A : memref<!tpu.dma_semaphore, #tpu.memory_space<semaphore_mem>>)
      %dma_wait3A = arith.constant 0 : i32
      %dma_wait3A_23 = tpu.memref_slice %arg6[%add3A_19, %dma_wait3A] : memref<20480x128xf32, #tpu.memory_space<hbm>> -> memref<640x128xf32, #tpu.memory_space<hbm>>
      %dma_wait3A_24 = arith.constant 0 : i32
      %dma_wait3A_25 = tpu.memref_slice %arg7[%mul3A_2, %dma_wait3A_24] : memref<10240x128xf32, #tpu.memory_space<vmem_shared>> -> memref<640x128xf32, #tpu.memory_space<vmem_shared>>
      tpu.wait_dma2 semaphore(%run_scoped3A : memref<!tpu.dma_semaphore, #tpu.memory_space<semaphore_mem>>) src(%dma_wait3A_25 : memref<640x128xf32, #tpu.memory_space<vmem_shared>>) dst(%dma_wait3A_23 : memref<640x128xf32, #tpu.memory_space<hbm>>)
      tpu.yield
    }) : () -> ()
    return
  }
}

#map = affine_map<(d0, d1) -> (0, 0)>
#map1 = affine_map<(d0, d1) -> (0, 0, 0)>
module attributes {stable_mosaic.version = 14 : i64} {
  func.func @_pairgather(%arg0: i32, %arg1: i32, %arg2: memref<10000x128xf32, #tpu.memory_space<hbm>>, %arg3: memref<10000x128xf32, #tpu.memory_space<hbm>>, %arg4: memref<32x125x80xi32, #tpu.memory_space<hbm>>, %arg5: memref<32x125x80xi32, #tpu.memory_space<hbm>>, %arg6: memref<320000x128xf32, #tpu.memory_space<hbm>>, %arg7: memref<320000x128xf32, #tpu.memory_space<hbm>>, %arg8: memref<125x80xi32, #tpu.memory_space<vmem>>, %arg9: memref<125x80xi32, #tpu.memory_space<vmem>>, %arg10: memref<80x128xf32, #tpu.memory_space<vmem>>, %arg11: memref<80x128xf32, #tpu.memory_space<vmem>>, %arg12: memref<80x128xf32, #tpu.memory_space<vmem>>, %arg13: memref<80x128xf32, #tpu.memory_space<vmem>>, %arg14: memref<!tpu.dma_semaphore, #tpu.memory_space<semaphore_mem>>, %arg15: memref<!tpu.dma_semaphore, #tpu.memory_space<semaphore_mem>>, %arg16: memref<!tpu.dma_semaphore, #tpu.memory_space<semaphore_mem>>, %arg17: memref<!tpu.dma_semaphore, #tpu.memory_space<semaphore_mem>>) attributes {dimension_semantics = [#tpu.dimension_semantics<core_parallel>, #tpu.dimension_semantics<subcore_parallel>], iteration_bounds = array<i64: 2, 16>, scalar_prefetch = 0 : i64, scratch_operands = 10 : i64, tpu.core_type = #tpu.core_type<sc_vector_subcore>, window_params = [{transform_indices = #map}, {transform_indices = #map}, {transform_indices = #map1}, {transform_indices = #map1}, {transform_indices = #map}, {transform_indices = #map}]} {
    %mul3A = arith.constant 16 : i32
    %mul3A_0 = arith.muli %arg0, %mul3A : i32
    %add3A = arith.addi %mul3A_0, %arg1 : i32
    %mul3A_1 = arith.constant 10000 : i32
    %mul3A_2 = arith.muli %add3A, %mul3A_1 : i32
    "tpu.region"() ({
      %run_scoped3A = tpu.sem_alloc : memref<!tpu.dma_semaphore, #tpu.memory_space<semaphore_mem>>
      %dma_start3A_71 = arith.constant 0 : i32
      %dma_start3A_72 = arith.constant 0 : i32
      %dma_start3A_73 = tpu.memref_slice %arg4[%add3A, %dma_start3A_71, %dma_start3A_72] : memref<32x125x80xi32, #tpu.memory_space<hbm>> -> memref<1x125x80xi32, #tpu.memory_space<hbm>>
      %dma_start3A_74 = tpu.memref_squeeze %dma_start3A_73 : memref<1x125x80xi32, #tpu.memory_space<hbm>> -> memref<125x80xi32, #tpu.memory_space<hbm>>
      %dma_start3A_75 = arith.constant 0 : i32
      %dma_start3A_76 = arith.constant 0 : i32
      %dma_start3A_77 = tpu.memref_slice %arg4[%add3A, %dma_start3A_75, %dma_start3A_76] : memref<32x125x80xi32, #tpu.memory_space<hbm>> -> memref<1x125x80xi32, #tpu.memory_space<hbm>>
      %dma_start3A_78 = tpu.memref_squeeze %dma_start3A_77 : memref<1x125x80xi32, #tpu.memory_space<hbm>> -> memref<125x80xi32, #tpu.memory_space<hbm>>
      tpu.enqueue_dma source(%dma_start3A_78 : memref<125x80xi32, #tpu.memory_space<hbm>>) target(%arg8 : memref<125x80xi32, #tpu.memory_space<vmem>>) target_semaphore(%run_scoped3A : memref<!tpu.dma_semaphore, #tpu.memory_space<semaphore_mem>>)
      %dma_wait3A_79 = arith.constant 0 : i32
      %dma_wait3A_80 = arith.constant 0 : i32
      %dma_wait3A_81 = tpu.memref_slice %arg4[%add3A, %dma_wait3A_79, %dma_wait3A_80] : memref<32x125x80xi32, #tpu.memory_space<hbm>> -> memref<1x125x80xi32, #tpu.memory_space<hbm>>
      %dma_wait3A_82 = tpu.memref_squeeze %dma_wait3A_81 : memref<1x125x80xi32, #tpu.memory_space<hbm>> -> memref<125x80xi32, #tpu.memory_space<hbm>>
      %dma_wait3A_83 = arith.constant 0 : i32
      %dma_wait3A_84 = arith.constant 0 : i32
      %dma_wait3A_85 = tpu.memref_slice %arg4[%add3A, %dma_wait3A_83, %dma_wait3A_84] : memref<32x125x80xi32, #tpu.memory_space<hbm>> -> memref<1x125x80xi32, #tpu.memory_space<hbm>>
      %dma_wait3A_86 = tpu.memref_squeeze %dma_wait3A_85 : memref<1x125x80xi32, #tpu.memory_space<hbm>> -> memref<125x80xi32, #tpu.memory_space<hbm>>
      tpu.wait_dma2 semaphore(%run_scoped3A : memref<!tpu.dma_semaphore, #tpu.memory_space<semaphore_mem>>) src(%dma_wait3A_86 : memref<125x80xi32, #tpu.memory_space<hbm>>) dst(%arg8 : memref<125x80xi32, #tpu.memory_space<vmem>>)
      tpu.yield
    }) : () -> ()
    "tpu.region"() ({
      %run_scoped3A = tpu.sem_alloc : memref<!tpu.dma_semaphore, #tpu.memory_space<semaphore_mem>>
      %dma_start3A_71 = arith.constant 0 : i32
      %dma_start3A_72 = arith.constant 0 : i32
      %dma_start3A_73 = tpu.memref_slice %arg5[%add3A, %dma_start3A_71, %dma_start3A_72] : memref<32x125x80xi32, #tpu.memory_space<hbm>> -> memref<1x125x80xi32, #tpu.memory_space<hbm>>
      %dma_start3A_74 = tpu.memref_squeeze %dma_start3A_73 : memref<1x125x80xi32, #tpu.memory_space<hbm>> -> memref<125x80xi32, #tpu.memory_space<hbm>>
      %dma_start3A_75 = arith.constant 0 : i32
      %dma_start3A_76 = arith.constant 0 : i32
      %dma_start3A_77 = tpu.memref_slice %arg5[%add3A, %dma_start3A_75, %dma_start3A_76] : memref<32x125x80xi32, #tpu.memory_space<hbm>> -> memref<1x125x80xi32, #tpu.memory_space<hbm>>
      %dma_start3A_78 = tpu.memref_squeeze %dma_start3A_77 : memref<1x125x80xi32, #tpu.memory_space<hbm>> -> memref<125x80xi32, #tpu.memory_space<hbm>>
      tpu.enqueue_dma source(%dma_start3A_78 : memref<125x80xi32, #tpu.memory_space<hbm>>) target(%arg9 : memref<125x80xi32, #tpu.memory_space<vmem>>) target_semaphore(%run_scoped3A : memref<!tpu.dma_semaphore, #tpu.memory_space<semaphore_mem>>)
      %dma_wait3A_79 = arith.constant 0 : i32
      %dma_wait3A_80 = arith.constant 0 : i32
      %dma_wait3A_81 = tpu.memref_slice %arg5[%add3A, %dma_wait3A_79, %dma_wait3A_80] : memref<32x125x80xi32, #tpu.memory_space<hbm>> -> memref<1x125x80xi32, #tpu.memory_space<hbm>>
      %dma_wait3A_82 = tpu.memref_squeeze %dma_wait3A_81 : memref<1x125x80xi32, #tpu.memory_space<hbm>> -> memref<125x80xi32, #tpu.memory_space<hbm>>
      %dma_wait3A_83 = arith.constant 0 : i32
      %dma_wait3A_84 = arith.constant 0 : i32
      %dma_wait3A_85 = tpu.memref_slice %arg5[%add3A, %dma_wait3A_83, %dma_wait3A_84] : memref<32x125x80xi32, #tpu.memory_space<hbm>> -> memref<1x125x80xi32, #tpu.memory_space<hbm>>
      %dma_wait3A_86 = tpu.memref_squeeze %dma_wait3A_85 : memref<1x125x80xi32, #tpu.memory_space<hbm>> -> memref<125x80xi32, #tpu.memory_space<hbm>>
      tpu.wait_dma2 semaphore(%run_scoped3A : memref<!tpu.dma_semaphore, #tpu.memory_space<semaphore_mem>>) src(%dma_wait3A_86 : memref<125x80xi32, #tpu.memory_space<hbm>>) dst(%arg9 : memref<125x80xi32, #tpu.memory_space<vmem>>)
      tpu.yield
    }) : () -> ()
    %dma_start3A = arith.constant 0 : i32
    %dma_start3A_3 = arith.constant 0 : i32
    %dma_start3A_4 = tpu.memref_slice %arg8[%dma_start3A, %dma_start3A_3] : memref<125x80xi32, #tpu.memory_space<vmem>> -> memref<1x80xi32, #tpu.memory_space<vmem>>
    %dma_start3A_5 = tpu.memref_squeeze %dma_start3A_4 : memref<1x80xi32, #tpu.memory_space<vmem>> -> memref<80xi32, #tpu.memory_space<vmem>>
    %dma_start3A_6 = arith.constant 0 : i32
    %dma_start3A_7 = arith.constant 0 : i32
    %dma_start3A_8 = tpu.memref_slice %arg2[%dma_start3A_6, %dma_start3A_7] : memref<10000x128xf32, #tpu.memory_space<hbm>> -> memref<10000x128xf32, #tpu.memory_space<hbm>>
    tpu.enqueue_indirect_dma source(%dma_start3A_8 : memref<10000x128xf32, #tpu.memory_space<hbm>>) target(%arg10 : memref<80x128xf32, #tpu.memory_space<vmem>>) offsets(%dma_start3A_5 : memref<80xi32, #tpu.memory_space<vmem>>) semaphore(%arg14 : memref<!tpu.dma_semaphore, #tpu.memory_space<semaphore_mem>>)
    %dma_start3A_9 = arith.constant 0 : i32
    %dma_start3A_10 = arith.constant 0 : i32
    %dma_start3A_11 = tpu.memref_slice %arg9[%dma_start3A_9, %dma_start3A_10] : memref<125x80xi32, #tpu.memory_space<vmem>> -> memref<1x80xi32, #tpu.memory_space<vmem>>
    %dma_start3A_12 = tpu.memref_squeeze %dma_start3A_11 : memref<1x80xi32, #tpu.memory_space<vmem>> -> memref<80xi32, #tpu.memory_space<vmem>>
    %dma_start3A_13 = arith.constant 0 : i32
    %dma_start3A_14 = arith.constant 0 : i32
    %dma_start3A_15 = tpu.memref_slice %arg3[%dma_start3A_13, %dma_start3A_14] : memref<10000x128xf32, #tpu.memory_space<hbm>> -> memref<10000x128xf32, #tpu.memory_space<hbm>>
    tpu.enqueue_indirect_dma source(%dma_start3A_15 : memref<10000x128xf32, #tpu.memory_space<hbm>>) target(%arg11 : memref<80x128xf32, #tpu.memory_space<vmem>>) offsets(%dma_start3A_12 : memref<80xi32, #tpu.memory_space<vmem>>) semaphore(%arg15 : memref<!tpu.dma_semaphore, #tpu.memory_space<semaphore_mem>>)
    %dma_start3A_16 = arith.constant 1 : i32
    %dma_start3A_17 = arith.constant 0 : i32
    %dma_start3A_18 = tpu.memref_slice %arg8[%dma_start3A_16, %dma_start3A_17] : memref<125x80xi32, #tpu.memory_space<vmem>> -> memref<1x80xi32, #tpu.memory_space<vmem>>
    %dma_start3A_19 = tpu.memref_squeeze %dma_start3A_18 : memref<1x80xi32, #tpu.memory_space<vmem>> -> memref<80xi32, #tpu.memory_space<vmem>>
    %dma_start3A_20 = arith.constant 0 : i32
    %dma_start3A_21 = arith.constant 0 : i32
    %dma_start3A_22 = tpu.memref_slice %arg2[%dma_start3A_20, %dma_start3A_21] : memref<10000x128xf32, #tpu.memory_space<hbm>> -> memref<10000x128xf32, #tpu.memory_space<hbm>>
    tpu.enqueue_indirect_dma source(%dma_start3A_22 : memref<10000x128xf32, #tpu.memory_space<hbm>>) target(%arg12 : memref<80x128xf32, #tpu.memory_space<vmem>>) offsets(%dma_start3A_19 : memref<80xi32, #tpu.memory_space<vmem>>) semaphore(%arg16 : memref<!tpu.dma_semaphore, #tpu.memory_space<semaphore_mem>>)
    %dma_start3A_23 = arith.constant 1 : i32
    %dma_start3A_24 = arith.constant 0 : i32
    %dma_start3A_25 = tpu.memref_slice %arg9[%dma_start3A_23, %dma_start3A_24] : memref<125x80xi32, #tpu.memory_space<vmem>> -> memref<1x80xi32, #tpu.memory_space<vmem>>
    %dma_start3A_26 = tpu.memref_squeeze %dma_start3A_25 : memref<1x80xi32, #tpu.memory_space<vmem>> -> memref<80xi32, #tpu.memory_space<vmem>>
    %dma_start3A_27 = arith.constant 0 : i32
    %dma_start3A_28 = arith.constant 0 : i32
    %dma_start3A_29 = tpu.memref_slice %arg3[%dma_start3A_27, %dma_start3A_28] : memref<10000x128xf32, #tpu.memory_space<hbm>> -> memref<10000x128xf32, #tpu.memory_space<hbm>>
    tpu.enqueue_indirect_dma source(%dma_start3A_29 : memref<10000x128xf32, #tpu.memory_space<hbm>>) target(%arg13 : memref<80x128xf32, #tpu.memory_space<vmem>>) offsets(%dma_start3A_26 : memref<80xi32, #tpu.memory_space<vmem>>) semaphore(%arg17 : memref<!tpu.dma_semaphore, #tpu.memory_space<semaphore_mem>>)
    %scan3A = arith.constant 0 : i32
    %scan3A_30 = arith.constant 0 : i32
    %scan3A_31 = arith.constant 62 : i32
    %scan3A_32 = arith.addi %scan3A_30, %scan3A_31 : i32
    %scan3A_33 = arith.constant 1 : i32
    %scan3A_34 = scf.for %scan3A_71 = %scan3A_30 to %scan3A_32 step %scan3A_33 iter_args(%scan3A_72 = %scan3A) -> (i32)  : i32 {
      %mul3A_73 = arith.constant 2 : i32
      %mul3A_74 = arith.muli %mul3A_73, %scan3A_71 : i32
      %dma_wait3A_75 = arith.constant 0 : i32
      %dma_wait3A_76 = tpu.memref_slice %arg8[%mul3A_74, %dma_wait3A_75] : memref<125x80xi32, #tpu.memory_space<vmem>> -> memref<1x80xi32, #tpu.memory_space<vmem>>
      %dma_wait3A_77 = tpu.memref_squeeze %dma_wait3A_76 : memref<1x80xi32, #tpu.memory_space<vmem>> -> memref<80xi32, #tpu.memory_space<vmem>>
      %dma_wait3A_78 = arith.constant 0 : i32
      %dma_wait3A_79 = arith.constant 0 : i32
      %dma_wait3A_80 = tpu.memref_slice %arg2[%dma_wait3A_78, %dma_wait3A_79] : memref<10000x128xf32, #tpu.memory_space<hbm>> -> memref<10000x128xf32, #tpu.memory_space<hbm>>
      tpu.wait_indirect_dma semaphore(%arg14 : memref<!tpu.dma_semaphore, #tpu.memory_space<semaphore_mem>>) src(%dma_wait3A_80 : memref<10000x128xf32, #tpu.memory_space<hbm>>) dst(%arg10 : memref<80x128xf32, #tpu.memory_space<vmem>>)
      %dma_wait3A_81 = arith.constant 0 : i32
      %dma_wait3A_82 = tpu.memref_slice %arg9[%mul3A_74, %dma_wait3A_81] : memref<125x80xi32, #tpu.memory_space<vmem>> -> memref<1x80xi32, #tpu.memory_space<vmem>>
      %dma_wait3A_83 = tpu.memref_squeeze %dma_wait3A_82 : memref<1x80xi32, #tpu.memory_space<vmem>> -> memref<80xi32, #tpu.memory_space<vmem>>
      %dma_wait3A_84 = arith.constant 0 : i32
      %dma_wait3A_85 = arith.constant 0 : i32
      %dma_wait3A_86 = tpu.memref_slice %arg3[%dma_wait3A_84, %dma_wait3A_85] : memref<10000x128xf32, #tpu.memory_space<hbm>> -> memref<10000x128xf32, #tpu.memory_space<hbm>>
      tpu.wait_indirect_dma semaphore(%arg15 : memref<!tpu.dma_semaphore, #tpu.memory_space<semaphore_mem>>) src(%dma_wait3A_86 : memref<10000x128xf32, #tpu.memory_space<hbm>>) dst(%arg11 : memref<80x128xf32, #tpu.memory_space<vmem>>)
      %mul3A_87 = arith.constant 80 : i32
      %mul3A_88 = arith.muli %mul3A_74, %mul3A_87 : i32
      %add3A_89 = arith.addi %mul3A_2, %mul3A_88 : i32
      "tpu.region"() ({
        %run_scoped3A = tpu.sem_alloc : memref<!tpu.dma_semaphore, #tpu.memory_space<semaphore_mem>>
        %dma_start3A_110 = arith.constant 0 : i32
        %dma_start3A_111 = tpu.memref_slice %arg6[%add3A_89, %dma_start3A_110] : memref<320000x128xf32, #tpu.memory_space<hbm>> -> memref<80x128xf32, #tpu.memory_space<hbm>>
        %dma_start3A_112 = arith.constant 0 : i32
        %dma_start3A_113 = tpu.memref_slice %arg6[%add3A_89, %dma_start3A_112] : memref<320000x128xf32, #tpu.memory_space<hbm>> -> memref<80x128xf32, #tpu.memory_space<hbm>>
        tpu.enqueue_dma source(%arg10 : memref<80x128xf32, #tpu.memory_space<vmem>>) target(%dma_start3A_113 : memref<80x128xf32, #tpu.memory_space<hbm>>) target_semaphore(%run_scoped3A : memref<!tpu.dma_semaphore, #tpu.memory_space<semaphore_mem>>)
        %dma_wait3A_114 = arith.constant 0 : i32
        %dma_wait3A_115 = tpu.memref_slice %arg6[%add3A_89, %dma_wait3A_114] : memref<320000x128xf32, #tpu.memory_space<hbm>> -> memref<80x128xf32, #tpu.memory_space<hbm>>
        %dma_wait3A_116 = arith.constant 0 : i32
        %dma_wait3A_117 = tpu.memref_slice %arg6[%add3A_89, %dma_wait3A_116] : memref<320000x128xf32, #tpu.memory_space<hbm>> -> memref<80x128xf32, #tpu.memory_space<hbm>>
        tpu.wait_dma2 semaphore(%run_scoped3A : memref<!tpu.dma_semaphore, #tpu.memory_space<semaphore_mem>>) src(%arg10 : memref<80x128xf32, #tpu.memory_space<vmem>>) dst(%dma_wait3A_117 : memref<80x128xf32, #tpu.memory_space<hbm>>)
        tpu.yield
      }) : () -> ()
      %mul3A_90 = arith.constant 80 : i32
      %mul3A_91 = arith.muli %mul3A_74, %mul3A_90 : i32
      %add3A_92 = arith.addi %mul3A_2, %mul3A_91 : i32
      "tpu.region"() ({
        %run_scoped3A = tpu.sem_alloc : memref<!tpu.dma_semaphore, #tpu.memory_space<semaphore_mem>>
        %dma_start3A_110 = arith.constant 0 : i32
        %dma_start3A_111 = tpu.memref_slice %arg7[%add3A_92, %dma_start3A_110] : memref<320000x128xf32, #tpu.memory_space<hbm>> -> memref<80x128xf32, #tpu.memory_space<hbm>>
        %dma_start3A_112 = arith.constant 0 : i32
        %dma_start3A_113 = tpu.memref_slice %arg7[%add3A_92, %dma_start3A_112] : memref<320000x128xf32, #tpu.memory_space<hbm>> -> memref<80x128xf32, #tpu.memory_space<hbm>>
        tpu.enqueue_dma source(%arg11 : memref<80x128xf32, #tpu.memory_space<vmem>>) target(%dma_start3A_113 : memref<80x128xf32, #tpu.memory_space<hbm>>) target_semaphore(%run_scoped3A : memref<!tpu.dma_semaphore, #tpu.memory_space<semaphore_mem>>)
        %dma_wait3A_114 = arith.constant 0 : i32
        %dma_wait3A_115 = tpu.memref_slice %arg7[%add3A_92, %dma_wait3A_114] : memref<320000x128xf32, #tpu.memory_space<hbm>> -> memref<80x128xf32, #tpu.memory_space<hbm>>
        %dma_wait3A_116 = arith.constant 0 : i32
        %dma_wait3A_117 = tpu.memref_slice %arg7[%add3A_92, %dma_wait3A_116] : memref<320000x128xf32, #tpu.memory_space<hbm>> -> memref<80x128xf32, #tpu.memory_space<hbm>>
        tpu.wait_dma2 semaphore(%run_scoped3A : memref<!tpu.dma_semaphore, #tpu.memory_space<semaphore_mem>>) src(%arg11 : memref<80x128xf32, #tpu.memory_space<vmem>>) dst(%dma_wait3A_117 : memref<80x128xf32, #tpu.memory_space<hbm>>)
        tpu.yield
      }) : () -> ()
      %add3A_93 = arith.constant 2 : i32
      %add3A_94 = arith.addi %mul3A_74, %add3A_93 : i32
      %dma_start3A_95 = arith.constant 0 : i32
      %dma_start3A_96 = tpu.memref_slice %arg8[%add3A_94, %dma_start3A_95] : memref<125x80xi32, #tpu.memory_space<vmem>> -> memref<1x80xi32, #tpu.memory_space<vmem>>
      %dma_start3A_97 = tpu.memref_squeeze %dma_start3A_96 : memref<1x80xi32, #tpu.memory_space<vmem>> -> memref<80xi32, #tpu.memory_space<vmem>>
      %dma_start3A_98 = arith.constant 0 : i32
      %dma_start3A_99 = arith.constant 0 : i32
      %dma_start3A_100 = tpu.memref_slice %arg2[%dma_start3A_98, %dma_start3A_99] : memref<10000x128xf32, #tpu.memory_space<hbm>> -> memref<10000x128xf32, #tpu.memory_space<hbm>>
      tpu.enqueue_indirect_dma source(%dma_start3A_100 : memref<10000x128xf32, #tpu.memory_space<hbm>>) target(%arg10 : memref<80x128xf32, #tpu.memory_space<vmem>>) offsets(%dma_start3A_97 : memref<80xi32, #tpu.memory_space<vmem>>) semaphore(%arg14 : memref<!tpu.dma_semaphore, #tpu.memory_space<semaphore_mem>>)
      %dma_start3A_101 = arith.constant 0 : i32
      %dma_start3A_102 = tpu.memref_slice %arg9[%add3A_94, %dma_start3A_101] : memref<125x80xi32, #tpu.memory_space<vmem>> -> memref<1x80xi32, #tpu.memory_space<vmem>>
      %dma_start3A_103 = tpu.memref_squeeze %dma_start3A_102 : memref<1x80xi32, #tpu.memory_space<vmem>> -> memref<80xi32, #tpu.memory_space<vmem>>
      %dma_start3A_104 = arith.constant 0 : i32
      %dma_start3A_105 = arith.constant 0 : i32
      %dma_start3A_106 = tpu.memref_slice %arg3[%dma_start3A_104, %dma_start3A_105] : memref<10000x128xf32, #tpu.memory_space<hbm>> -> memref<10000x128xf32, #tpu.memory_space<hbm>>
      tpu.enqueue_indirect_dma source(%dma_start3A_106 : memref<10000x128xf32, #tpu.memory_space<hbm>>) target(%arg11 : memref<80x128xf32, #tpu.memory_space<vmem>>) offsets(%dma_start3A_103 : memref<80xi32, #tpu.memory_space<vmem>>) semaphore(%arg15 : memref<!tpu.dma_semaphore, #tpu.memory_space<semaphore_mem>>)
      %lt3A = arith.constant 61 : i32
      %lt3A_107 = arith.cmpi slt, %scan3A_71, %lt3A : i32
      %convert_element_type3A = arith.extui %lt3A_107 : i1 to i32
      %cond3A = arith.constant 0 : i32
      %cond3A_108 = arith.cmpi ne, %convert_element_type3A, %cond3A : i32
      scf.if %cond3A_108 {
        %add3A_110 = arith.constant 1 : i32
        %add3A_111 = arith.addi %mul3A_74, %add3A_110 : i32
        %dma_wait3A_112 = arith.constant 0 : i32
        %dma_wait3A_113 = tpu.memref_slice %arg8[%add3A_111, %dma_wait3A_112] : memref<125x80xi32, #tpu.memory_space<vmem>> -> memref<1x80xi32, #tpu.memory_space<vmem>>
        %dma_wait3A_114 = tpu.memref_squeeze %dma_wait3A_113 : memref<1x80xi32, #tpu.memory_space<vmem>> -> memref<80xi32, #tpu.memory_space<vmem>>
        %dma_wait3A_115 = arith.constant 0 : i32
        %dma_wait3A_116 = arith.constant 0 : i32
        %dma_wait3A_117 = tpu.memref_slice %arg2[%dma_wait3A_115, %dma_wait3A_116] : memref<10000x128xf32, #tpu.memory_space<hbm>> -> memref<10000x128xf32, #tpu.memory_space<hbm>>
        tpu.wait_indirect_dma semaphore(%arg16 : memref<!tpu.dma_semaphore, #tpu.memory_space<semaphore_mem>>) src(%dma_wait3A_117 : memref<10000x128xf32, #tpu.memory_space<hbm>>) dst(%arg12 : memref<80x128xf32, #tpu.memory_space<vmem>>)
        %dma_wait3A_118 = arith.constant 0 : i32
        %dma_wait3A_119 = tpu.memref_slice %arg9[%add3A_111, %dma_wait3A_118] : memref<125x80xi32, #tpu.memory_space<vmem>> -> memref<1x80xi32, #tpu.memory_space<vmem>>
        %dma_wait3A_120 = tpu.memref_squeeze %dma_wait3A_119 : memref<1x80xi32, #tpu.memory_space<vmem>> -> memref<80xi32, #tpu.memory_space<vmem>>
        %dma_wait3A_121 = arith.constant 0 : i32
        %dma_wait3A_122 = arith.constant 0 : i32
        %dma_wait3A_123 = tpu.memref_slice %arg3[%dma_wait3A_121, %dma_wait3A_122] : memref<10000x128xf32, #tpu.memory_space<hbm>> -> memref<10000x128xf32, #tpu.memory_space<hbm>>
        tpu.wait_indirect_dma semaphore(%arg17 : memref<!tpu.dma_semaphore, #tpu.memory_space<semaphore_mem>>) src(%dma_wait3A_123 : memref<10000x128xf32, #tpu.memory_space<hbm>>) dst(%arg13 : memref<80x128xf32, #tpu.memory_space<vmem>>)
        %mul3A_124 = arith.constant 80 : i32
        %mul3A_125 = arith.muli %add3A_111, %mul3A_124 : i32
        %add3A_126 = arith.addi %mul3A_2, %mul3A_125 : i32
        "tpu.region"() ({
          %run_scoped3A = tpu.sem_alloc : memref<!tpu.dma_semaphore, #tpu.memory_space<semaphore_mem>>
          %dma_start3A_144 = arith.constant 0 : i32
          %dma_start3A_145 = tpu.memref_slice %arg6[%add3A_126, %dma_start3A_144] : memref<320000x128xf32, #tpu.memory_space<hbm>> -> memref<80x128xf32, #tpu.memory_space<hbm>>
          %dma_start3A_146 = arith.constant 0 : i32
          %dma_start3A_147 = tpu.memref_slice %arg6[%add3A_126, %dma_start3A_146] : memref<320000x128xf32, #tpu.memory_space<hbm>> -> memref<80x128xf32, #tpu.memory_space<hbm>>
          tpu.enqueue_dma source(%arg12 : memref<80x128xf32, #tpu.memory_space<vmem>>) target(%dma_start3A_147 : memref<80x128xf32, #tpu.memory_space<hbm>>) target_semaphore(%run_scoped3A : memref<!tpu.dma_semaphore, #tpu.memory_space<semaphore_mem>>)
          %dma_wait3A_148 = arith.constant 0 : i32
          %dma_wait3A_149 = tpu.memref_slice %arg6[%add3A_126, %dma_wait3A_148] : memref<320000x128xf32, #tpu.memory_space<hbm>> -> memref<80x128xf32, #tpu.memory_space<hbm>>
          %dma_wait3A_150 = arith.constant 0 : i32
          %dma_wait3A_151 = tpu.memref_slice %arg6[%add3A_126, %dma_wait3A_150] : memref<320000x128xf32, #tpu.memory_space<hbm>> -> memref<80x128xf32, #tpu.memory_space<hbm>>
          tpu.wait_dma2 semaphore(%run_scoped3A : memref<!tpu.dma_semaphore, #tpu.memory_space<semaphore_mem>>) src(%arg12 : memref<80x128xf32, #tpu.memory_space<vmem>>) dst(%dma_wait3A_151 : memref<80x128xf32, #tpu.memory_space<hbm>>)
          tpu.yield
        }) : () -> ()
        %mul3A_127 = arith.constant 80 : i32
        %mul3A_128 = arith.muli %add3A_111, %mul3A_127 : i32
        %add3A_129 = arith.addi %mul3A_2, %mul3A_128 : i32
        "tpu.region"() ({
          %run_scoped3A = tpu.sem_alloc : memref<!tpu.dma_semaphore, #tpu.memory_space<semaphore_mem>>
          %dma_start3A_144 = arith.constant 0 : i32
          %dma_start3A_145 = tpu.memref_slice %arg7[%add3A_129, %dma_start3A_144] : memref<320000x128xf32, #tpu.memory_space<hbm>> -> memref<80x128xf32, #tpu.memory_space<hbm>>
          %dma_start3A_146 = arith.constant 0 : i32
          %dma_start3A_147 = tpu.memref_slice %arg7[%add3A_129, %dma_start3A_146] : memref<320000x128xf32, #tpu.memory_space<hbm>> -> memref<80x128xf32, #tpu.memory_space<hbm>>
          tpu.enqueue_dma source(%arg13 : memref<80x128xf32, #tpu.memory_space<vmem>>) target(%dma_start3A_147 : memref<80x128xf32, #tpu.memory_space<hbm>>) target_semaphore(%run_scoped3A : memref<!tpu.dma_semaphore, #tpu.memory_space<semaphore_mem>>)
          %dma_wait3A_148 = arith.constant 0 : i32
          %dma_wait3A_149 = tpu.memref_slice %arg7[%add3A_129, %dma_wait3A_148] : memref<320000x128xf32, #tpu.memory_space<hbm>> -> memref<80x128xf32, #tpu.memory_space<hbm>>
          %dma_wait3A_150 = arith.constant 0 : i32
          %dma_wait3A_151 = tpu.memref_slice %arg7[%add3A_129, %dma_wait3A_150] : memref<320000x128xf32, #tpu.memory_space<hbm>> -> memref<80x128xf32, #tpu.memory_space<hbm>>
          tpu.wait_dma2 semaphore(%run_scoped3A : memref<!tpu.dma_semaphore, #tpu.memory_space<semaphore_mem>>) src(%arg13 : memref<80x128xf32, #tpu.memory_space<vmem>>) dst(%dma_wait3A_151 : memref<80x128xf32, #tpu.memory_space<hbm>>)
          tpu.yield
        }) : () -> ()
        %add3A_130 = arith.constant 3 : i32
        %add3A_131 = arith.addi %mul3A_74, %add3A_130 : i32
        %dma_start3A_132 = arith.constant 0 : i32
        %dma_start3A_133 = tpu.memref_slice %arg8[%add3A_131, %dma_start3A_132] : memref<125x80xi32, #tpu.memory_space<vmem>> -> memref<1x80xi32, #tpu.memory_space<vmem>>
        %dma_start3A_134 = tpu.memref_squeeze %dma_start3A_133 : memref<1x80xi32, #tpu.memory_space<vmem>> -> memref<80xi32, #tpu.memory_space<vmem>>
        %dma_start3A_135 = arith.constant 0 : i32
        %dma_start3A_136 = arith.constant 0 : i32
        %dma_start3A_137 = tpu.memref_slice %arg2[%dma_start3A_135, %dma_start3A_136] : memref<10000x128xf32, #tpu.memory_space<hbm>> -> memref<10000x128xf32, #tpu.memory_space<hbm>>
        tpu.enqueue_indirect_dma source(%dma_start3A_137 : memref<10000x128xf32, #tpu.memory_space<hbm>>) target(%arg12 : memref<80x128xf32, #tpu.memory_space<vmem>>) offsets(%dma_start3A_134 : memref<80xi32, #tpu.memory_space<vmem>>) semaphore(%arg16 : memref<!tpu.dma_semaphore, #tpu.memory_space<semaphore_mem>>)
        %dma_start3A_138 = arith.constant 0 : i32
        %dma_start3A_139 = tpu.memref_slice %arg9[%add3A_131, %dma_start3A_138] : memref<125x80xi32, #tpu.memory_space<vmem>> -> memref<1x80xi32, #tpu.memory_space<vmem>>
        %dma_start3A_140 = tpu.memref_squeeze %dma_start3A_139 : memref<1x80xi32, #tpu.memory_space<vmem>> -> memref<80xi32, #tpu.memory_space<vmem>>
        %dma_start3A_141 = arith.constant 0 : i32
        %dma_start3A_142 = arith.constant 0 : i32
        %dma_start3A_143 = tpu.memref_slice %arg3[%dma_start3A_141, %dma_start3A_142] : memref<10000x128xf32, #tpu.memory_space<hbm>> -> memref<10000x128xf32, #tpu.memory_space<hbm>>
        tpu.enqueue_indirect_dma source(%dma_start3A_143 : memref<10000x128xf32, #tpu.memory_space<hbm>>) target(%arg13 : memref<80x128xf32, #tpu.memory_space<vmem>>) offsets(%dma_start3A_140 : memref<80xi32, #tpu.memory_space<vmem>>) semaphore(%arg17 : memref<!tpu.dma_semaphore, #tpu.memory_space<semaphore_mem>>)
      } else {
      }
      %scan3A_109 = arith.constant 0 : i32
      scf.yield %scan3A_109 : i32
    }
    %scan3A_35 = arith.constant 62 : i32
    %dma_wait3A = arith.constant 123 : i32
    %dma_wait3A_36 = arith.constant 0 : i32
    %dma_wait3A_37 = tpu.memref_slice %arg8[%dma_wait3A, %dma_wait3A_36] : memref<125x80xi32, #tpu.memory_space<vmem>> -> memref<1x80xi32, #tpu.memory_space<vmem>>
    %dma_wait3A_38 = tpu.memref_squeeze %dma_wait3A_37 : memref<1x80xi32, #tpu.memory_space<vmem>> -> memref<80xi32, #tpu.memory_space<vmem>>
    %dma_wait3A_39 = arith.constant 0 : i32
    %dma_wait3A_40 = arith.constant 0 : i32
    %dma_wait3A_41 = tpu.memref_slice %arg2[%dma_wait3A_39, %dma_wait3A_40] : memref<10000x128xf32, #tpu.memory_space<hbm>> -> memref<10000x128xf32, #tpu.memory_space<hbm>>
    tpu.wait_indirect_dma semaphore(%arg16 : memref<!tpu.dma_semaphore, #tpu.memory_space<semaphore_mem>>) src(%dma_wait3A_41 : memref<10000x128xf32, #tpu.memory_space<hbm>>) dst(%arg12 : memref<80x128xf32, #tpu.memory_space<vmem>>)
    %dma_wait3A_42 = arith.constant 123 : i32
    %dma_wait3A_43 = arith.constant 0 : i32
    %dma_wait3A_44 = tpu.memref_slice %arg9[%dma_wait3A_42, %dma_wait3A_43] : memref<125x80xi32, #tpu.memory_space<vmem>> -> memref<1x80xi32, #tpu.memory_space<vmem>>
    %dma_wait3A_45 = tpu.memref_squeeze %dma_wait3A_44 : memref<1x80xi32, #tpu.memory_space<vmem>> -> memref<80xi32, #tpu.memory_space<vmem>>
    %dma_wait3A_46 = arith.constant 0 : i32
    %dma_wait3A_47 = arith.constant 0 : i32
    %dma_wait3A_48 = tpu.memref_slice %arg3[%dma_wait3A_46, %dma_wait3A_47] : memref<10000x128xf32, #tpu.memory_space<hbm>> -> memref<10000x128xf32, #tpu.memory_space<hbm>>
    tpu.wait_indirect_dma semaphore(%arg17 : memref<!tpu.dma_semaphore, #tpu.memory_space<semaphore_mem>>) src(%dma_wait3A_48 : memref<10000x128xf32, #tpu.memory_space<hbm>>) dst(%arg13 : memref<80x128xf32, #tpu.memory_space<vmem>>)
    %add3A_49 = arith.constant 9840 : i32
    %add3A_50 = arith.addi %mul3A_2, %add3A_49 : i32
    "tpu.region"() ({
      %run_scoped3A = tpu.sem_alloc : memref<!tpu.dma_semaphore, #tpu.memory_space<semaphore_mem>>
      %dma_start3A_71 = arith.constant 0 : i32
      %dma_start3A_72 = tpu.memref_slice %arg6[%add3A_50, %dma_start3A_71] : memref<320000x128xf32, #tpu.memory_space<hbm>> -> memref<80x128xf32, #tpu.memory_space<hbm>>
      %dma_start3A_73 = arith.constant 0 : i32
      %dma_start3A_74 = tpu.memref_slice %arg6[%add3A_50, %dma_start3A_73] : memref<320000x128xf32, #tpu.memory_space<hbm>> -> memref<80x128xf32, #tpu.memory_space<hbm>>
      tpu.enqueue_dma source(%arg12 : memref<80x128xf32, #tpu.memory_space<vmem>>) target(%dma_start3A_74 : memref<80x128xf32, #tpu.memory_space<hbm>>) target_semaphore(%run_scoped3A : memref<!tpu.dma_semaphore, #tpu.memory_space<semaphore_mem>>)
      %dma_wait3A_75 = arith.constant 0 : i32
      %dma_wait3A_76 = tpu.memref_slice %arg6[%add3A_50, %dma_wait3A_75] : memref<320000x128xf32, #tpu.memory_space<hbm>> -> memref<80x128xf32, #tpu.memory_space<hbm>>
      %dma_wait3A_77 = arith.constant 0 : i32
      %dma_wait3A_78 = tpu.memref_slice %arg6[%add3A_50, %dma_wait3A_77] : memref<320000x128xf32, #tpu.memory_space<hbm>> -> memref<80x128xf32, #tpu.memory_space<hbm>>
      tpu.wait_dma2 semaphore(%run_scoped3A : memref<!tpu.dma_semaphore, #tpu.memory_space<semaphore_mem>>) src(%arg12 : memref<80x128xf32, #tpu.memory_space<vmem>>) dst(%dma_wait3A_78 : memref<80x128xf32, #tpu.memory_space<hbm>>)
      tpu.yield
    }) : () -> ()
    %add3A_51 = arith.constant 9840 : i32
    %add3A_52 = arith.addi %mul3A_2, %add3A_51 : i32
    "tpu.region"() ({
      %run_scoped3A = tpu.sem_alloc : memref<!tpu.dma_semaphore, #tpu.memory_space<semaphore_mem>>
      %dma_start3A_71 = arith.constant 0 : i32
      %dma_start3A_72 = tpu.memref_slice %arg7[%add3A_52, %dma_start3A_71] : memref<320000x128xf32, #tpu.memory_space<hbm>> -> memref<80x128xf32, #tpu.memory_space<hbm>>
      %dma_start3A_73 = arith.constant 0 : i32
      %dma_start3A_74 = tpu.memref_slice %arg7[%add3A_52, %dma_start3A_73] : memref<320000x128xf32, #tpu.memory_space<hbm>> -> memref<80x128xf32, #tpu.memory_space<hbm>>
      tpu.enqueue_dma source(%arg13 : memref<80x128xf32, #tpu.memory_space<vmem>>) target(%dma_start3A_74 : memref<80x128xf32, #tpu.memory_space<hbm>>) target_semaphore(%run_scoped3A : memref<!tpu.dma_semaphore, #tpu.memory_space<semaphore_mem>>)
      %dma_wait3A_75 = arith.constant 0 : i32
      %dma_wait3A_76 = tpu.memref_slice %arg7[%add3A_52, %dma_wait3A_75] : memref<320000x128xf32, #tpu.memory_space<hbm>> -> memref<80x128xf32, #tpu.memory_space<hbm>>
      %dma_wait3A_77 = arith.constant 0 : i32
      %dma_wait3A_78 = tpu.memref_slice %arg7[%add3A_52, %dma_wait3A_77] : memref<320000x128xf32, #tpu.memory_space<hbm>> -> memref<80x128xf32, #tpu.memory_space<hbm>>
      tpu.wait_dma2 semaphore(%run_scoped3A : memref<!tpu.dma_semaphore, #tpu.memory_space<semaphore_mem>>) src(%arg13 : memref<80x128xf32, #tpu.memory_space<vmem>>) dst(%dma_wait3A_78 : memref<80x128xf32, #tpu.memory_space<hbm>>)
      tpu.yield
    }) : () -> ()
    %dma_wait3A_53 = arith.constant 124 : i32
    %dma_wait3A_54 = arith.constant 0 : i32
    %dma_wait3A_55 = tpu.memref_slice %arg8[%dma_wait3A_53, %dma_wait3A_54] : memref<125x80xi32, #tpu.memory_space<vmem>> -> memref<1x80xi32, #tpu.memory_space<vmem>>
    %dma_wait3A_56 = tpu.memref_squeeze %dma_wait3A_55 : memref<1x80xi32, #tpu.memory_space<vmem>> -> memref<80xi32, #tpu.memory_space<vmem>>
    %dma_wait3A_57 = arith.constant 0 : i32
    %dma_wait3A_58 = arith.constant 0 : i32
    %dma_wait3A_59 = tpu.memref_slice %arg2[%dma_wait3A_57, %dma_wait3A_58] : memref<10000x128xf32, #tpu.memory_space<hbm>> -> memref<10000x128xf32, #tpu.memory_space<hbm>>
    tpu.wait_indirect_dma semaphore(%arg14 : memref<!tpu.dma_semaphore, #tpu.memory_space<semaphore_mem>>) src(%dma_wait3A_59 : memref<10000x128xf32, #tpu.memory_space<hbm>>) dst(%arg10 : memref<80x128xf32, #tpu.memory_space<vmem>>)
    %dma_wait3A_60 = arith.constant 124 : i32
    %dma_wait3A_61 = arith.constant 0 : i32
    %dma_wait3A_62 = tpu.memref_slice %arg9[%dma_wait3A_60, %dma_wait3A_61] : memref<125x80xi32, #tpu.memory_space<vmem>> -> memref<1x80xi32, #tpu.memory_space<vmem>>
    %dma_wait3A_63 = tpu.memref_squeeze %dma_wait3A_62 : memref<1x80xi32, #tpu.memory_space<vmem>> -> memref<80xi32, #tpu.memory_space<vmem>>
    %dma_wait3A_64 = arith.constant 0 : i32
    %dma_wait3A_65 = arith.constant 0 : i32
    %dma_wait3A_66 = tpu.memref_slice %arg3[%dma_wait3A_64, %dma_wait3A_65] : memref<10000x128xf32, #tpu.memory_space<hbm>> -> memref<10000x128xf32, #tpu.memory_space<hbm>>
    tpu.wait_indirect_dma semaphore(%arg15 : memref<!tpu.dma_semaphore, #tpu.memory_space<semaphore_mem>>) src(%dma_wait3A_66 : memref<10000x128xf32, #tpu.memory_space<hbm>>) dst(%arg11 : memref<80x128xf32, #tpu.memory_space<vmem>>)
    %add3A_67 = arith.constant 9920 : i32
    %add3A_68 = arith.addi %mul3A_2, %add3A_67 : i32
    "tpu.region"() ({
      %run_scoped3A = tpu.sem_alloc : memref<!tpu.dma_semaphore, #tpu.memory_space<semaphore_mem>>
      %dma_start3A_71 = arith.constant 0 : i32
      %dma_start3A_72 = tpu.memref_slice %arg6[%add3A_68, %dma_start3A_71] : memref<320000x128xf32, #tpu.memory_space<hbm>> -> memref<80x128xf32, #tpu.memory_space<hbm>>
      %dma_start3A_73 = arith.constant 0 : i32
      %dma_start3A_74 = tpu.memref_slice %arg6[%add3A_68, %dma_start3A_73] : memref<320000x128xf32, #tpu.memory_space<hbm>> -> memref<80x128xf32, #tpu.memory_space<hbm>>
      tpu.enqueue_dma source(%arg10 : memref<80x128xf32, #tpu.memory_space<vmem>>) target(%dma_start3A_74 : memref<80x128xf32, #tpu.memory_space<hbm>>) target_semaphore(%run_scoped3A : memref<!tpu.dma_semaphore, #tpu.memory_space<semaphore_mem>>)
      %dma_wait3A_75 = arith.constant 0 : i32
      %dma_wait3A_76 = tpu.memref_slice %arg6[%add3A_68, %dma_wait3A_75] : memref<320000x128xf32, #tpu.memory_space<hbm>> -> memref<80x128xf32, #tpu.memory_space<hbm>>
      %dma_wait3A_77 = arith.constant 0 : i32
      %dma_wait3A_78 = tpu.memref_slice %arg6[%add3A_68, %dma_wait3A_77] : memref<320000x128xf32, #tpu.memory_space<hbm>> -> memref<80x128xf32, #tpu.memory_space<hbm>>
      tpu.wait_dma2 semaphore(%run_scoped3A : memref<!tpu.dma_semaphore, #tpu.memory_space<semaphore_mem>>) src(%arg10 : memref<80x128xf32, #tpu.memory_space<vmem>>) dst(%dma_wait3A_78 : memref<80x128xf32, #tpu.memory_space<hbm>>)
      tpu.yield
    }) : () -> ()
    %add3A_69 = arith.constant 9920 : i32
    %add3A_70 = arith.addi %mul3A_2, %add3A_69 : i32
    "tpu.region"() ({
      %run_scoped3A = tpu.sem_alloc : memref<!tpu.dma_semaphore, #tpu.memory_space<semaphore_mem>>
      %dma_start3A_71 = arith.constant 0 : i32
      %dma_start3A_72 = tpu.memref_slice %arg7[%add3A_70, %dma_start3A_71] : memref<320000x128xf32, #tpu.memory_space<hbm>> -> memref<80x128xf32, #tpu.memory_space<hbm>>
      %dma_start3A_73 = arith.constant 0 : i32
      %dma_start3A_74 = tpu.memref_slice %arg7[%add3A_70, %dma_start3A_73] : memref<320000x128xf32, #tpu.memory_space<hbm>> -> memref<80x128xf32, #tpu.memory_space<hbm>>
      tpu.enqueue_dma source(%arg11 : memref<80x128xf32, #tpu.memory_space<vmem>>) target(%dma_start3A_74 : memref<80x128xf32, #tpu.memory_space<hbm>>) target_semaphore(%run_scoped3A : memref<!tpu.dma_semaphore, #tpu.memory_space<semaphore_mem>>)
      %dma_wait3A_75 = arith.constant 0 : i32
      %dma_wait3A_76 = tpu.memref_slice %arg7[%add3A_70, %dma_wait3A_75] : memref<320000x128xf32, #tpu.memory_space<hbm>> -> memref<80x128xf32, #tpu.memory_space<hbm>>
      %dma_wait3A_77 = arith.constant 0 : i32
      %dma_wait3A_78 = tpu.memref_slice %arg7[%add3A_70, %dma_wait3A_77] : memref<320000x128xf32, #tpu.memory_space<hbm>> -> memref<80x128xf32, #tpu.memory_space<hbm>>
      tpu.wait_dma2 semaphore(%run_scoped3A : memref<!tpu.dma_semaphore, #tpu.memory_space<semaphore_mem>>) src(%arg11 : memref<80x128xf32, #tpu.memory_space<vmem>>) dst(%dma_wait3A_78 : memref<80x128xf32, #tpu.memory_space<hbm>>)
      tpu.yield
    }) : () -> ()
    return
  }
}

module attributes {stable_mosaic.version = 14 : i64} {
  func.func @_prep_body(%arg0: memref<10000x128xf32, #tpu.memory_space<vmem>>, %arg1: memref<128x128xf32, #tpu.memory_space<vmem>>, %arg2: memref<1x128xf32, #tpu.memory_space<vmem>>, %arg3: memref<128x128xf32, #tpu.memory_space<vmem>>, %arg4: memref<128x128xf32, #tpu.memory_space<vmem>>, %arg5: memref<1x128xf32, #tpu.memory_space<vmem>>, %arg6: memref<1x128xf32, #tpu.memory_space<vmem>>, %arg7: memref<10000x128xf32, #tpu.memory_space<vmem>>, %arg8: memref<128x128xf32, #tpu.memory_space<vmem>>, %arg9: memref<1x128xf32, #tpu.memory_space<vmem>>) attributes {dimension_semantics = [], scalar_prefetch = 0 : i64, scratch_operands = 0 : i64, tpu.core_type = #tpu.core_type<tc>} {
    %get3A = arith.constant 0 : index
    %get3A_0 = arith.constant 0 : index
    %get3A_1 = vector.load %arg0[%get3A, %get3A_0] : memref<10000x128xf32, #tpu.memory_space<vmem>>, vector<10000x128xf32>
    %get3A_2 = arith.constant 0 : index
    %get3A_3 = arith.constant 0 : index
    %get3A_4 = vector.load %arg1[%get3A_2, %get3A_3] : memref<128x128xf32, #tpu.memory_space<vmem>>, vector<128x128xf32>
    %dot_general3A = arith.constant dense<0.000000e+00> : vector<10000x128xf32>
    %dot_general3A_5 = tpu.matmul %get3A_1, %get3A_4, %dot_general3A {dimension_numbers = #tpu.dot_dimension_numbers<[1], [0], [0], [1], [0, 0, 1, 1], [], []>, transpose_lhs_hint = false} : vector<10000x128xf32>, vector<128x128xf32>, vector<10000x128xf32> -> vector<10000x128xf32>
    %get3A_6 = arith.constant 0 : index
    %get3A_7 = arith.constant 0 : index
    %get3A_8 = vector.load %arg2[%get3A_6, %get3A_7] : memref<1x128xf32, #tpu.memory_space<vmem>>, vector<1x128xf32>
    %add3A = vector.broadcast %get3A_8 : vector<1x128xf32> to vector<10000x128xf32>
    %add3A_9 = arith.addf %dot_general3A_5, %add3A : vector<10000x128xf32>
    %max3A = arith.constant 0.000000e+00 : f32
    %max3A_10 = vector.broadcast %max3A : f32 to vector<10000x128xf32>
    %max3A_11 = arith.maximumf %add3A_9, %max3A_10 : vector<10000x128xf32>
    %swap3A = arith.constant 0 : index
    %swap3A_12 = arith.constant 0 : index
    %swap3A_13 = vector.load %arg7[%swap3A, %swap3A_12] : memref<10000x128xf32, #tpu.memory_space<vmem>>, vector<10000x128xf32>
    tpu.vector_store %arg7[%swap3A, %swap3A_12], %max3A_11 {strides = array<i32>} : memref<10000x128xf32, #tpu.memory_space<vmem>>, vector<10000x128xf32>,
    %get3A_14 = arith.constant 0 : index
    %get3A_15 = arith.constant 0 : index
    %get3A_16 = vector.load %arg3[%get3A_14, %get3A_15] : memref<128x128xf32, #tpu.memory_space<vmem>>, vector<128x128xf32>
    %get3A_17 = arith.constant 0 : index
    %get3A_18 = arith.constant 0 : index
    %get3A_19 = vector.load %arg4[%get3A_17, %get3A_18] : memref<128x128xf32, #tpu.memory_space<vmem>>, vector<128x128xf32>
    %dot_general3A_20 = arith.constant dense<0.000000e+00> : vector<128x128xf32>
    %dot_general3A_21 = tpu.matmul %get3A_16, %get3A_19, %dot_general3A_20 {dimension_numbers = #tpu.dot_dimension_numbers<[1], [0], [0], [1], [0, 0, 1, 1], [], []>, transpose_lhs_hint = false} : vector<128x128xf32>, vector<128x128xf32>, vector<128x128xf32> -> vector<128x128xf32>
    %swap3A_22 = arith.constant 0 : index
    %swap3A_23 = arith.constant 0 : index
    %swap3A_24 = vector.load %arg8[%swap3A_22, %swap3A_23] : memref<128x128xf32, #tpu.memory_space<vmem>>, vector<128x128xf32>
    tpu.vector_store %arg8[%swap3A_22, %swap3A_23], %dot_general3A_21 {strides = array<i32>} : memref<128x128xf32, #tpu.memory_space<vmem>>, vector<128x128xf32>,
    %get3A_25 = arith.constant 0 : index
    %get3A_26 = arith.constant 0 : index
    %get3A_27 = vector.load %arg5[%get3A_25, %get3A_26] : memref<1x128xf32, #tpu.memory_space<vmem>>, vector<1x128xf32>
    %get3A_28 = arith.constant 0 : index
    %get3A_29 = arith.constant 0 : index
    %get3A_30 = vector.load %arg4[%get3A_28, %get3A_29] : memref<128x128xf32, #tpu.memory_space<vmem>>, vector<128x128xf32>
    %dot_general3A_31 = arith.constant dense<0.000000e+00> : vector<1x128xf32>
    %dot_general3A_32 = tpu.matmul %get3A_27, %get3A_30, %dot_general3A_31 {dimension_numbers = #tpu.dot_dimension_numbers<[1], [0], [0], [1], [0, 0, 1, 1], [], []>, transpose_lhs_hint = false} : vector<1x128xf32>, vector<128x128xf32>, vector<1x128xf32> -> vector<1x128xf32>
    %get3A_33 = arith.constant 0 : index
    %get3A_34 = arith.constant 0 : index
    %get3A_35 = vector.load %arg6[%get3A_33, %get3A_34] : memref<1x128xf32, #tpu.memory_space<vmem>>, vector<1x128xf32>
    %add3A_36 = arith.addf %dot_general3A_32, %get3A_35 : vector<1x128xf32>
    %swap3A_37 = arith.constant 0 : index
    %swap3A_38 = arith.constant 0 : index
    %swap3A_39 = vector.load %arg9[%swap3A_37, %swap3A_38] : memref<1x128xf32, #tpu.memory_space<vmem>>, vector<1x128xf32>
    tpu.vector_store %arg9[%swap3A_37, %swap3A_38], %add3A_36 {strides = array<i32>} : memref<1x128xf32, #tpu.memory_space<vmem>>, vector<1x128xf32>,
    return
  }
}

module attributes {stable_mosaic.version = 14 : i64} {
  func.func @_layer_body(%arg0: memref<2x10000x128xf32, #tpu.memory_space<vmem>>, %arg1: memref<2x10000x16xf32, #tpu.memory_space<vmem>>, %arg2: memref<10000x128xf32, #tpu.memory_space<vmem>>, %arg3: memref<128x128xf32, #tpu.memory_space<vmem>>, %arg4: memref<1x128xf32, #tpu.memory_space<vmem>>, %arg5: memref<128x128xf32, #tpu.memory_space<vmem>>, %arg6: memref<1x128xf32, #tpu.memory_space<vmem>>, %arg7: memref<1x128xf32, #tpu.memory_space<vmem>>, %arg8: memref<10000x128xf32, #tpu.memory_space<vmem>>) attributes {dimension_semantics = [], scalar_prefetch = 0 : i64, scratch_operands = 0 : i64, tpu.core_type = #tpu.core_type<tc>} {
    %get3A = arith.constant 0 : index
    %get3A_0 = arith.constant 0 : index
    %get3A_1 = arith.constant 0 : index
    %get3A_2 = vector.load %arg0[%get3A, %get3A_0, %get3A_1] : memref<2x10000x128xf32, #tpu.memory_space<vmem>>, vector<1x10000x128xf32>
    %get3A_3 = vector.shape_cast %get3A_2 : vector<1x10000x128xf32> to vector<10000x128xf32>
    %get3A_4 = arith.constant 1 : index
    %get3A_5 = arith.constant 0 : index
    %get3A_6 = arith.constant 0 : index
    %get3A_7 = vector.load %arg0[%get3A_4, %get3A_5, %get3A_6] : memref<2x10000x128xf32, #tpu.memory_space<vmem>>, vector<1x10000x128xf32>
    %get3A_8 = vector.shape_cast %get3A_7 : vector<1x10000x128xf32> to vector<10000x128xf32>
    %add3A = arith.addf %get3A_3, %get3A_8 : vector<10000x128xf32>
    %get3A_9 = arith.constant 0 : index
    %get3A_10 = arith.constant 0 : index
    %get3A_11 = arith.constant 0 : index
    %get3A_12 = vector.load %arg1[%get3A_9, %get3A_10, %get3A_11] : memref<2x10000x16xf32, #tpu.memory_space<vmem>>, vector<1x10000x16xf32>
    %get3A_13 = vector.shape_cast %get3A_12 : vector<1x10000x16xf32> to vector<10000x16xf32>
    %get3A_14 = arith.constant 1 : index
    %get3A_15 = arith.constant 0 : index
    %get3A_16 = arith.constant 0 : index
    %get3A_17 = vector.load %arg1[%get3A_14, %get3A_15, %get3A_16] : memref<2x10000x16xf32, #tpu.memory_space<vmem>>, vector<1x10000x16xf32>
    %get3A_18 = vector.shape_cast %get3A_17 : vector<1x10000x16xf32> to vector<10000x16xf32>
    %add3A_19 = arith.addf %get3A_13, %get3A_18 : vector<10000x16xf32>
    %slice3A = vector.extract_strided_slice %add3A_19 {offsets = [0, 0], sizes = [10000, 1], strides = [1, 1]} : vector<10000x16xf32> to vector<10000x1xf32>
    %max3A = arith.constant 1.000000e+00 : f32
    %max3A_20 = vector.broadcast %max3A : f32 to vector<10000x1xf32>
    %max3A_21 = arith.maximumf %slice3A, %max3A_20 : vector<10000x1xf32>
    %div3A = arith.constant 1.000000e+00 : f32
    %div3A_22 = vector.broadcast %div3A : f32 to vector<10000x1xf32>
    %div3A_23 = arith.divf %div3A_22, %max3A_21 : vector<10000x1xf32>
    %mul3A = vector.broadcast %div3A_23 : vector<10000x1xf32> to vector<10000x128xf32>
    %mul3A_24 = arith.mulf %add3A, %mul3A : vector<10000x128xf32>
    %get3A_25 = arith.constant 0 : index
    %get3A_26 = arith.constant 0 : index
    %get3A_27 = vector.load %arg3[%get3A_25, %get3A_26] : memref<128x128xf32, #tpu.memory_space<vmem>>, vector<128x128xf32>
    %dot_general3A = arith.constant dense<0.000000e+00> : vector<10000x128xf32>
    %dot_general3A_28 = tpu.matmul %mul3A_24, %get3A_27, %dot_general3A {dimension_numbers = #tpu.dot_dimension_numbers<[1], [0], [0], [1], [0, 0, 1, 1], [], []>, transpose_lhs_hint = false} : vector<10000x128xf32>, vector<128x128xf32>, vector<10000x128xf32> -> vector<10000x128xf32>
    %get3A_29 = arith.constant 0 : index
    %get3A_30 = arith.constant 0 : index
    %get3A_31 = vector.load %arg4[%get3A_29, %get3A_30] : memref<1x128xf32, #tpu.memory_space<vmem>>, vector<1x128xf32>
    %add3A_32 = vector.broadcast %get3A_31 : vector<1x128xf32> to vector<10000x128xf32>
    %add3A_33 = arith.addf %dot_general3A_28, %add3A_32 : vector<10000x128xf32>
    %get3A_34 = arith.constant 0 : index
    %get3A_35 = arith.constant 0 : index
    %get3A_36 = vector.load %arg2[%get3A_34, %get3A_35] : memref<10000x128xf32, #tpu.memory_space<vmem>>, vector<10000x128xf32>
    %get3A_37 = arith.constant 0 : index
    %get3A_38 = arith.constant 0 : index
    %get3A_39 = vector.load %arg5[%get3A_37, %get3A_38] : memref<128x128xf32, #tpu.memory_space<vmem>>, vector<128x128xf32>
    %dot_general3A_40 = arith.constant dense<0.000000e+00> : vector<10000x128xf32>
    %dot_general3A_41 = tpu.matmul %get3A_36, %get3A_39, %dot_general3A_40 {dimension_numbers = #tpu.dot_dimension_numbers<[1], [0], [0], [1], [0, 0, 1, 1], [], []>, transpose_lhs_hint = false} : vector<10000x128xf32>, vector<128x128xf32>, vector<10000x128xf32> -> vector<10000x128xf32>
    %add3A_42 = arith.addf %add3A_33, %dot_general3A_41 : vector<10000x128xf32>
    %reduce_sum3A = arith.constant dense<0.000000e+00> : vector<128xf32>
    %reduce_sum3A_43 = vector.multi_reduction <add>, %add3A_42, %reduce_sum3A [0] : vector<10000x128xf32> to vector<128xf32>
    %broadcast_in_dim3A = vector.shape_cast %reduce_sum3A_43 : vector<128xf32> to vector<1x128xf32>
    %div3A_44 = arith.constant 1.000000e+04 : f32
    %div3A_45 = vector.broadcast %div3A_44 : f32 to vector<1x128xf32>
    %div3A_46 = arith.divf %broadcast_in_dim3A, %div3A_45 : vector<1x128xf32>
    %sub3A = vector.broadcast %div3A_46 : vector<1x128xf32> to vector<10000x128xf32>
    %sub3A_47 = arith.subf %add3A_42, %sub3A : vector<10000x128xf32>
    %integer_pow3A = arith.mulf %sub3A_47, %sub3A_47 : vector<10000x128xf32>
    %reduce_sum3A_48 = arith.constant dense<0.000000e+00> : vector<128xf32>
    %reduce_sum3A_49 = vector.multi_reduction <add>, %integer_pow3A, %reduce_sum3A_48 [0] : vector<10000x128xf32> to vector<128xf32>
    %broadcast_in_dim3A_50 = vector.shape_cast %reduce_sum3A_49 : vector<128xf32> to vector<1x128xf32>
    %div3A_51 = arith.constant 1.000000e+04 : f32
    %div3A_52 = vector.broadcast %div3A_51 : f32 to vector<1x128xf32>
    %div3A_53 = arith.divf %broadcast_in_dim3A_50, %div3A_52 : vector<1x128xf32>
    %sub3A_54 = vector.broadcast %div3A_46 : vector<1x128xf32> to vector<10000x128xf32>
    %sub3A_55 = arith.subf %add3A_42, %sub3A_54 : vector<10000x128xf32>
    %add3A_56 = arith.constant 9.99999974E-6 : f32
    %add3A_57 = vector.broadcast %add3A_56 : f32 to vector<1x128xf32>
    %add3A_58 = arith.addf %div3A_53, %add3A_57 : vector<1x128xf32>
    %sqrt3A = math.sqrt %add3A_58 : vector<1x128xf32>
    %div3A_59 = vector.broadcast %sqrt3A : vector<1x128xf32> to vector<10000x128xf32>
    %div3A_60 = arith.divf %sub3A_55, %div3A_59 : vector<10000x128xf32>
    %get3A_61 = arith.constant 0 : index
    %get3A_62 = arith.constant 0 : index
    %get3A_63 = vector.load %arg6[%get3A_61, %get3A_62] : memref<1x128xf32, #tpu.memory_space<vmem>>, vector<1x128xf32>
    %mul3A_64 = vector.broadcast %get3A_63 : vector<1x128xf32> to vector<10000x128xf32>
    %mul3A_65 = arith.mulf %div3A_60, %mul3A_64 : vector<10000x128xf32>
    %get3A_66 = arith.constant 0 : index
    %get3A_67 = arith.constant 0 : index
    %get3A_68 = vector.load %arg7[%get3A_66, %get3A_67] : memref<1x128xf32, #tpu.memory_space<vmem>>, vector<1x128xf32>
    %add3A_69 = vector.broadcast %get3A_68 : vector<1x128xf32> to vector<10000x128xf32>
    %add3A_70 = arith.addf %mul3A_65, %add3A_69 : vector<10000x128xf32>
    %get3A_71 = arith.constant 0 : index
    %get3A_72 = arith.constant 0 : index
    %get3A_73 = vector.load %arg2[%get3A_71, %get3A_72] : memref<10000x128xf32, #tpu.memory_space<vmem>>, vector<10000x128xf32>
    %max3A_74 = arith.constant 0.000000e+00 : f32
    %max3A_75 = vector.broadcast %max3A_74 : f32 to vector<10000x128xf32>
    %max3A_76 = arith.maximumf %add3A_70, %max3A_75 : vector<10000x128xf32>
    %add3A_77 = arith.addf %get3A_73, %max3A_76 : vector<10000x128xf32>
    %swap3A = arith.constant 0 : index
    %swap3A_78 = arith.constant 0 : index
    %swap3A_79 = vector.load %arg8[%swap3A, %swap3A_78] : memref<10000x128xf32, #tpu.memory_space<vmem>>, vector<10000x128xf32>
    tpu.vector_store %arg8[%swap3A, %swap3A_78], %add3A_77 {strides = array<i32>} : memref<10000x128xf32, #tpu.memory_space<vmem>>, vector<10000x128xf32>,
    return
  }
}

module attributes {stable_mosaic.version = 14 : i64} {
  func.func @_layer_final_body(%arg0: memref<2x10000x128xf32, #tpu.memory_space<vmem>>, %arg1: memref<2x10000x16xf32, #tpu.memory_space<vmem>>, %arg2: memref<10000x128xf32, #tpu.memory_space<vmem>>, %arg3: memref<128x128xf32, #tpu.memory_space<vmem>>, %arg4: memref<1x128xf32, #tpu.memory_space<vmem>>, %arg5: memref<128x128xf32, #tpu.memory_space<vmem>>, %arg6: memref<1x128xf32, #tpu.memory_space<vmem>>, %arg7: memref<1x128xf32, #tpu.memory_space<vmem>>, %arg8: memref<128x128xf32, #tpu.memory_space<vmem>>, %arg9: memref<128x128xf32, #tpu.memory_space<vmem>>, %arg10: memref<10000x128xf32, #tpu.memory_space<vmem>>, %arg11: memref<10000x128xf32, #tpu.memory_space<vmem>>, %arg12: memref<10000x128xf32, #tpu.memory_space<vmem>>) attributes {dimension_semantics = [], scalar_prefetch = 0 : i64, scratch_operands = 0 : i64, tpu.core_type = #tpu.core_type<tc>} {
    %get3A = arith.constant 0 : index
    %get3A_0 = arith.constant 0 : index
    %get3A_1 = arith.constant 0 : index
    %get3A_2 = vector.load %arg0[%get3A, %get3A_0, %get3A_1] : memref<2x10000x128xf32, #tpu.memory_space<vmem>>, vector<1x10000x128xf32>
    %get3A_3 = vector.shape_cast %get3A_2 : vector<1x10000x128xf32> to vector<10000x128xf32>
    %get3A_4 = arith.constant 1 : index
    %get3A_5 = arith.constant 0 : index
    %get3A_6 = arith.constant 0 : index
    %get3A_7 = vector.load %arg0[%get3A_4, %get3A_5, %get3A_6] : memref<2x10000x128xf32, #tpu.memory_space<vmem>>, vector<1x10000x128xf32>
    %get3A_8 = vector.shape_cast %get3A_7 : vector<1x10000x128xf32> to vector<10000x128xf32>
    %add3A = arith.addf %get3A_3, %get3A_8 : vector<10000x128xf32>
    %get3A_9 = arith.constant 0 : index
    %get3A_10 = arith.constant 0 : index
    %get3A_11 = arith.constant 0 : index
    %get3A_12 = vector.load %arg1[%get3A_9, %get3A_10, %get3A_11] : memref<2x10000x16xf32, #tpu.memory_space<vmem>>, vector<1x10000x16xf32>
    %get3A_13 = vector.shape_cast %get3A_12 : vector<1x10000x16xf32> to vector<10000x16xf32>
    %get3A_14 = arith.constant 1 : index
    %get3A_15 = arith.constant 0 : index
    %get3A_16 = arith.constant 0 : index
    %get3A_17 = vector.load %arg1[%get3A_14, %get3A_15, %get3A_16] : memref<2x10000x16xf32, #tpu.memory_space<vmem>>, vector<1x10000x16xf32>
    %get3A_18 = vector.shape_cast %get3A_17 : vector<1x10000x16xf32> to vector<10000x16xf32>
    %add3A_19 = arith.addf %get3A_13, %get3A_18 : vector<10000x16xf32>
    %slice3A = vector.extract_strided_slice %add3A_19 {offsets = [0, 0], sizes = [10000, 1], strides = [1, 1]} : vector<10000x16xf32> to vector<10000x1xf32>
    %max3A = arith.constant 1.000000e+00 : f32
    %max3A_20 = vector.broadcast %max3A : f32 to vector<10000x1xf32>
    %max3A_21 = arith.maximumf %slice3A, %max3A_20 : vector<10000x1xf32>
    %div3A = arith.constant 1.000000e+00 : f32
    %div3A_22 = vector.broadcast %div3A : f32 to vector<10000x1xf32>
    %div3A_23 = arith.divf %div3A_22, %max3A_21 : vector<10000x1xf32>
    %mul3A = vector.broadcast %div3A_23 : vector<10000x1xf32> to vector<10000x128xf32>
    %mul3A_24 = arith.mulf %add3A, %mul3A : vector<10000x128xf32>
    %get3A_25 = arith.constant 0 : index
    %get3A_26 = arith.constant 0 : index
    %get3A_27 = vector.load %arg3[%get3A_25, %get3A_26] : memref<128x128xf32, #tpu.memory_space<vmem>>, vector<128x128xf32>
    %dot_general3A = arith.constant dense<0.000000e+00> : vector<10000x128xf32>
    %dot_general3A_28 = tpu.matmul %mul3A_24, %get3A_27, %dot_general3A {dimension_numbers = #tpu.dot_dimension_numbers<[1], [0], [0], [1], [0, 0, 1, 1], [], []>, transpose_lhs_hint = false} : vector<10000x128xf32>, vector<128x128xf32>, vector<10000x128xf32> -> vector<10000x128xf32>
    %get3A_29 = arith.constant 0 : index
    %get3A_30 = arith.constant 0 : index
    %get3A_31 = vector.load %arg4[%get3A_29, %get3A_30] : memref<1x128xf32, #tpu.memory_space<vmem>>, vector<1x128xf32>
    %add3A_32 = vector.broadcast %get3A_31 : vector<1x128xf32> to vector<10000x128xf32>
    %add3A_33 = arith.addf %dot_general3A_28, %add3A_32 : vector<10000x128xf32>
    %get3A_34 = arith.constant 0 : index
    %get3A_35 = arith.constant 0 : index
    %get3A_36 = vector.load %arg2[%get3A_34, %get3A_35] : memref<10000x128xf32, #tpu.memory_space<vmem>>, vector<10000x128xf32>
    %get3A_37 = arith.constant 0 : index
    %get3A_38 = arith.constant 0 : index
    %get3A_39 = vector.load %arg5[%get3A_37, %get3A_38] : memref<128x128xf32, #tpu.memory_space<vmem>>, vector<128x128xf32>
    %dot_general3A_40 = arith.constant dense<0.000000e+00> : vector<10000x128xf32>
    %dot_general3A_41 = tpu.matmul %get3A_36, %get3A_39, %dot_general3A_40 {dimension_numbers = #tpu.dot_dimension_numbers<[1], [0], [0], [1], [0, 0, 1, 1], [], []>, transpose_lhs_hint = false} : vector<10000x128xf32>, vector<128x128xf32>, vector<10000x128xf32> -> vector<10000x128xf32>
    %add3A_42 = arith.addf %add3A_33, %dot_general3A_41 : vector<10000x128xf32>
    %reduce_sum3A = arith.constant dense<0.000000e+00> : vector<128xf32>
    %reduce_sum3A_43 = vector.multi_reduction <add>, %add3A_42, %reduce_sum3A [0] : vector<10000x128xf32> to vector<128xf32>
    %broadcast_in_dim3A = vector.shape_cast %reduce_sum3A_43 : vector<128xf32> to vector<1x128xf32>
    %div3A_44 = arith.constant 1.000000e+04 : f32
    %div3A_45 = vector.broadcast %div3A_44 : f32 to vector<1x128xf32>
    %div3A_46 = arith.divf %broadcast_in_dim3A, %div3A_45 : vector<1x128xf32>
    %sub3A = vector.broadcast %div3A_46 : vector<1x128xf32> to vector<10000x128xf32>
    %sub3A_47 = arith.subf %add3A_42, %sub3A : vector<10000x128xf32>
    %integer_pow3A = arith.mulf %sub3A_47, %sub3A_47 : vector<10000x128xf32>
    %reduce_sum3A_48 = arith.constant dense<0.000000e+00> : vector<128xf32>
    %reduce_sum3A_49 = vector.multi_reduction <add>, %integer_pow3A, %reduce_sum3A_48 [0] : vector<10000x128xf32> to vector<128xf32>
    %broadcast_in_dim3A_50 = vector.shape_cast %reduce_sum3A_49 : vector<128xf32> to vector<1x128xf32>
    %div3A_51 = arith.constant 1.000000e+04 : f32
    %div3A_52 = vector.broadcast %div3A_51 : f32 to vector<1x128xf32>
    %div3A_53 = arith.divf %broadcast_in_dim3A_50, %div3A_52 : vector<1x128xf32>
    %sub3A_54 = vector.broadcast %div3A_46 : vector<1x128xf32> to vector<10000x128xf32>
    %sub3A_55 = arith.subf %add3A_42, %sub3A_54 : vector<10000x128xf32>
    %add3A_56 = arith.constant 9.99999974E-6 : f32
    %add3A_57 = vector.broadcast %add3A_56 : f32 to vector<1x128xf32>
    %add3A_58 = arith.addf %div3A_53, %add3A_57 : vector<1x128xf32>
    %sqrt3A = math.sqrt %add3A_58 : vector<1x128xf32>
    %div3A_59 = vector.broadcast %sqrt3A : vector<1x128xf32> to vector<10000x128xf32>
    %div3A_60 = arith.divf %sub3A_55, %div3A_59 : vector<10000x128xf32>
    %get3A_61 = arith.constant 0 : index
    %get3A_62 = arith.constant 0 : index
    %get3A_63 = vector.load %arg6[%get3A_61, %get3A_62] : memref<1x128xf32, #tpu.memory_space<vmem>>, vector<1x128xf32>
    %mul3A_64 = vector.broadcast %get3A_63 : vector<1x128xf32> to vector<10000x128xf32>
    %mul3A_65 = arith.mulf %div3A_60, %mul3A_64 : vector<10000x128xf32>
    %get3A_66 = arith.constant 0 : index
    %get3A_67 = arith.constant 0 : index
    %get3A_68 = vector.load %arg7[%get3A_66, %get3A_67] : memref<1x128xf32, #tpu.memory_space<vmem>>, vector<1x128xf32>
    %add3A_69 = vector.broadcast %get3A_68 : vector<1x128xf32> to vector<10000x128xf32>
    %add3A_70 = arith.addf %mul3A_65, %add3A_69 : vector<10000x128xf32>
    %get3A_71 = arith.constant 0 : index
    %get3A_72 = arith.constant 0 : index
    %get3A_73 = vector.load %arg2[%get3A_71, %get3A_72] : memref<10000x128xf32, #tpu.memory_space<vmem>>, vector<10000x128xf32>
    %max3A_74 = arith.constant 0.000000e+00 : f32
    %max3A_75 = vector.broadcast %max3A_74 : f32 to vector<10000x128xf32>
    %max3A_76 = arith.maximumf %add3A_70, %max3A_75 : vector<10000x128xf32>
    %add3A_77 = arith.addf %get3A_73, %max3A_76 : vector<10000x128xf32>
    %swap3A = arith.constant 0 : index
    %swap3A_78 = arith.constant 0 : index
    %swap3A_79 = vector.load %arg10[%swap3A, %swap3A_78] : memref<10000x128xf32, #tpu.memory_space<vmem>>, vector<10000x128xf32>
    tpu.vector_store %arg10[%swap3A, %swap3A_78], %add3A_77 {strides = array<i32>} : memref<10000x128xf32, #tpu.memory_space<vmem>>, vector<10000x128xf32>,
    %get3A_80 = arith.constant 0 : index
    %get3A_81 = arith.constant 0 : index
    %get3A_82 = vector.load %arg8[%get3A_80, %get3A_81] : memref<128x128xf32, #tpu.memory_space<vmem>>, vector<128x128xf32>
    %dot_general3A_83 = arith.constant dense<0.000000e+00> : vector<10000x128xf32>
    %dot_general3A_84 = tpu.matmul %add3A_77, %get3A_82, %dot_general3A_83 {dimension_numbers = #tpu.dot_dimension_numbers<[1], [0], [0], [1], [0, 0, 1, 1], [], []>, transpose_lhs_hint = false} : vector<10000x128xf32>, vector<128x128xf32>, vector<10000x128xf32> -> vector<10000x128xf32>
    %swap3A_85 = arith.constant 0 : index
    %swap3A_86 = arith.constant 0 : index
    %swap3A_87 = vector.load %arg11[%swap3A_85, %swap3A_86] : memref<10000x128xf32, #tpu.memory_space<vmem>>, vector<10000x128xf32>
    tpu.vector_store %arg11[%swap3A_85, %swap3A_86], %dot_general3A_84 {strides = array<i32>} : memref<10000x128xf32, #tpu.memory_space<vmem>>, vector<10000x128xf32>,
    %get3A_88 = arith.constant 0 : index
    %get3A_89 = arith.constant 0 : index
    %get3A_90 = vector.load %arg9[%get3A_88, %get3A_89] : memref<128x128xf32, #tpu.memory_space<vmem>>, vector<128x128xf32>
    %dot_general3A_91 = arith.constant dense<0.000000e+00> : vector<10000x128xf32>
    %dot_general3A_92 = tpu.matmul %add3A_77, %get3A_90, %dot_general3A_91 {dimension_numbers = #tpu.dot_dimension_numbers<[1], [0], [0], [1], [0, 0, 1, 1], [], []>, transpose_lhs_hint = false} : vector<10000x128xf32>, vector<128x128xf32>, vector<10000x128xf32> -> vector<10000x128xf32>
    %swap3A_93 = arith.constant 0 : index
    %swap3A_94 = arith.constant 0 : index
    %swap3A_95 = vector.load %arg12[%swap3A_93, %swap3A_94] : memref<10000x128xf32, #tpu.memory_space<vmem>>, vector<10000x128xf32>
    tpu.vector_store %arg12[%swap3A_93, %swap3A_94], %dot_general3A_92 {strides = array<i32>} : memref<10000x128xf32, #tpu.memory_space<vmem>>, vector<10000x128xf32>,
    return
  }
}

module attributes {stable_mosaic.version = 14 : i64} {
  func.func @_edge_body(%arg0: i32, %arg1: memref<2560x128xf32, #tpu.memory_space<vmem>>, %arg2: memref<2560x128xf32, #tpu.memory_space<vmem>>, %arg3: memref<2560x16xf32, #tpu.memory_space<vmem>>, %arg4: memref<16x128xf32, #tpu.memory_space<vmem>>, %arg5: memref<1x128xf32, #tpu.memory_space<vmem>>, %arg6: memref<128x128xf32, #tpu.memory_space<vmem>>, %arg7: memref<1x128xf32, #tpu.memory_space<vmem>>, %arg8: memref<128x64xf32, #tpu.memory_space<vmem>>, %arg9: memref<1x64xf32, #tpu.memory_space<vmem>>, %arg10: memref<1x64xf32, #tpu.memory_space<vmem>>, %arg11: memref<1x1xf32, #tpu.memory_space<vmem>>, %arg12: memref<2560x1xf32, #tpu.memory_space<vmem>>) attributes {dimension_semantics = [#tpu.dimension_semantics<arbitrary>], iteration_bounds = array<i64: 125>, scalar_prefetch = 0 : i64, scratch_operands = 0 : i64, tpu.core_type = #tpu.core_type<tc>, window_params = [{transform_indices = @transform_0, window_bounds = array<i64: 2560, 128>}, {transform_indices = @transform_1, window_bounds = array<i64: 2560, 128>}, {transform_indices = @transform_2, window_bounds = array<i64: 2560, 16>}, {pipeline_mode = #tpu.pipeline_mode<synchronous>, transform_indices = @transform_3, window_bounds = array<i64: 16, 128>}, {pipeline_mode = #tpu.pipeline_mode<synchronous>, transform_indices = @transform_4, window_bounds = array<i64: 1, 128>}, {pipeline_mode = #tpu.pipeline_mode<synchronous>, transform_indices = @transform_5, window_bounds = array<i64: 128, 128>}, {pipeline_mode = #tpu.pipeline_mode<synchronous>, transform_indices = @transform_6, window_bounds = array<i64: 1, 128>}, {pipeline_mode = #tpu.pipeline_mode<synchronous>, transform_indices = @transform_7, window_bounds = array<i64: 128, 64>}, {pipeline_mode = #tpu.pipeline_mode<synchronous>, transform_indices = @transform_8, window_bounds = array<i64: 1, 64>}, {pipeline_mode = #tpu.pipeline_mode<synchronous>, transform_indices = @transform_9, window_bounds = array<i64: 1, 64>}, {pipeline_mode = #tpu.pipeline_mode<synchronous>, transform_indices = @transform_10, window_bounds = array<i64: 1, 1>}, {transform_indices = @transform_11, window_bounds = array<i64: 2560, 1>}]} {
    %get3A = arith.constant 0 : index
    %get3A_0 = arith.constant 0 : index
    %get3A_1 = vector.load %arg3[%get3A, %get3A_0] : memref<2560x16xf32, #tpu.memory_space<vmem>>, vector<2560x16xf32>
    %get3A_2 = arith.constant 0 : index
    %get3A_3 = arith.constant 0 : index
    %get3A_4 = vector.load %arg4[%get3A_2, %get3A_3] : memref<16x128xf32, #tpu.memory_space<vmem>>, vector<16x128xf32>
    %dot_general3A = arith.constant dense<0.000000e+00> : vector<2560x128xf32>
    %dot_general3A_5 = tpu.matmul %get3A_1, %get3A_4, %dot_general3A {dimension_numbers = #tpu.dot_dimension_numbers<[1], [0], [0], [1], [0, 0, 1, 1], [], []>, transpose_lhs_hint = false} : vector<2560x16xf32>, vector<16x128xf32>, vector<2560x128xf32> -> vector<2560x128xf32>
    %get3A_6 = arith.constant 0 : index
    %get3A_7 = arith.constant 0 : index
    %get3A_8 = vector.load %arg5[%get3A_6, %get3A_7] : memref<1x128xf32, #tpu.memory_space<vmem>>, vector<1x128xf32>
    %add3A = vector.broadcast %get3A_8 : vector<1x128xf32> to vector<2560x128xf32>
    %add3A_9 = arith.addf %dot_general3A_5, %add3A : vector<2560x128xf32>
    %max3A = arith.constant 0.000000e+00 : f32
    %max3A_10 = vector.broadcast %max3A : f32 to vector<2560x128xf32>
    %max3A_11 = arith.maximumf %add3A_9, %max3A_10 : vector<2560x128xf32>
    %get3A_12 = arith.constant 0 : index
    %get3A_13 = arith.constant 0 : index
    %get3A_14 = vector.load %arg1[%get3A_12, %get3A_13] : memref<2560x128xf32, #tpu.memory_space<vmem>>, vector<2560x128xf32>
    %get3A_15 = arith.constant 0 : index
    %get3A_16 = arith.constant 0 : index
    %get3A_17 = vector.load %arg2[%get3A_15, %get3A_16] : memref<2560x128xf32, #tpu.memory_space<vmem>>, vector<2560x128xf32>
    %add3A_18 = arith.addf %get3A_14, %get3A_17 : vector<2560x128xf32>
    %get3A_19 = arith.constant 0 : index
    %get3A_20 = arith.constant 0 : index
    %get3A_21 = vector.load %arg6[%get3A_19, %get3A_20] : memref<128x128xf32, #tpu.memory_space<vmem>>, vector<128x128xf32>
    %dot_general3A_22 = arith.constant dense<0.000000e+00> : vector<2560x128xf32>
    %dot_general3A_23 = tpu.matmul %max3A_11, %get3A_21, %dot_general3A_22 {dimension_numbers = #tpu.dot_dimension_numbers<[1], [0], [0], [1], [0, 0, 1, 1], [], []>, transpose_lhs_hint = false} : vector<2560x128xf32>, vector<128x128xf32>, vector<2560x128xf32> -> vector<2560x128xf32>
    %add3A_24 = arith.addf %add3A_18, %dot_general3A_23 : vector<2560x128xf32>
    %get3A_25 = arith.constant 0 : index
    %get3A_26 = arith.constant 0 : index
    %get3A_27 = vector.load %arg7[%get3A_25, %get3A_26] : memref<1x128xf32, #tpu.memory_space<vmem>>, vector<1x128xf32>
    %add3A_28 = vector.broadcast %get3A_27 : vector<1x128xf32> to vector<2560x128xf32>
    %add3A_29 = arith.addf %add3A_24, %add3A_28 : vector<2560x128xf32>
    %max3A_30 = arith.constant 0.000000e+00 : f32
    %max3A_31 = vector.broadcast %max3A_30 : f32 to vector<2560x128xf32>
    %max3A_32 = arith.maximumf %add3A_29, %max3A_31 : vector<2560x128xf32>
    %get3A_33 = arith.constant 0 : index
    %get3A_34 = arith.constant 0 : index
    %get3A_35 = vector.load %arg8[%get3A_33, %get3A_34] : memref<128x64xf32, #tpu.memory_space<vmem>>, vector<128x64xf32>
    %dot_general3A_36 = arith.constant dense<0.000000e+00> : vector<2560x64xf32>
    %dot_general3A_37 = tpu.matmul %max3A_32, %get3A_35, %dot_general3A_36 {dimension_numbers = #tpu.dot_dimension_numbers<[1], [0], [0], [1], [0, 0, 1, 1], [], []>, transpose_lhs_hint = false} : vector<2560x128xf32>, vector<128x64xf32>, vector<2560x64xf32> -> vector<2560x64xf32>
    %get3A_38 = arith.constant 0 : index
    %get3A_39 = arith.constant 0 : index
    %get3A_40 = vector.load %arg9[%get3A_38, %get3A_39] : memref<1x64xf32, #tpu.memory_space<vmem>>, vector<1x64xf32>
    %add3A_41 = vector.broadcast %get3A_40 : vector<1x64xf32> to vector<2560x64xf32>
    %add3A_42 = arith.addf %dot_general3A_37, %add3A_41 : vector<2560x64xf32>
    %max3A_43 = arith.constant 0.000000e+00 : f32
    %max3A_44 = vector.broadcast %max3A_43 : f32 to vector<2560x64xf32>
    %max3A_45 = arith.maximumf %add3A_42, %max3A_44 : vector<2560x64xf32>
    %get3A_46 = arith.constant 0 : index
    %get3A_47 = arith.constant 0 : index
    %get3A_48 = vector.load %arg10[%get3A_46, %get3A_47] : memref<1x64xf32, #tpu.memory_space<vmem>>, vector<1x64xf32>
    %mul3A = vector.broadcast %get3A_48 : vector<1x64xf32> to vector<2560x64xf32>
    %mul3A_49 = arith.mulf %max3A_45, %mul3A : vector<2560x64xf32>
    %reduce_sum3A = arith.constant dense<0.000000e+00> : vector<2560xf32>
    %reduce_sum3A_50 = vector.multi_reduction <add>, %mul3A_49, %reduce_sum3A [1] : vector<2560x64xf32> to vector<2560xf32>
    %broadcast_in_dim3A = vector.shape_cast %reduce_sum3A_50 : vector<2560xf32> to vector<2560x1xf32>
    %get3A_51 = arith.constant 0 : index
    %get3A_52 = arith.constant 0 : index
    %get3A_53 = vector.load %arg11[%get3A_51, %get3A_52] : memref<1x1xf32, #tpu.memory_space<vmem>>, vector<1x1xf32>
    %get3A_54 = vector.extract %get3A_53[0, 0] : f32 from vector<1x1xf32>
    %add3A_55 = vector.broadcast %get3A_54 : f32 to vector<2560x1xf32>
    %add3A_56 = arith.addf %broadcast_in_dim3A, %add3A_55 : vector<2560x1xf32>
    %neg3A = arith.constant 0.000000e+00 : f32
    %neg3A_57 = vector.broadcast %neg3A : f32 to vector<2560x1xf32>
    %neg3A_58 = arith.subf %neg3A_57, %add3A_56 : vector<2560x1xf32>
    %exp3A = math.exp %neg3A_58 : vector<2560x1xf32>
    %add3A_59 = arith.constant 1.000000e+00 : f32
    %add3A_60 = vector.broadcast %add3A_59 : f32 to vector<2560x1xf32>
    %add3A_61 = arith.addf %add3A_60, %exp3A : vector<2560x1xf32>
    %div3A = arith.constant 1.000000e+00 : f32
    %div3A_62 = vector.broadcast %div3A : f32 to vector<2560x1xf32>
    %div3A_63 = arith.divf %div3A_62, %add3A_61 : vector<2560x1xf32>
    %swap3A = arith.constant 0 : index
    %swap3A_64 = arith.constant 0 : index
    %swap3A_65 = vector.load %arg12[%swap3A, %swap3A_64] : memref<2560x1xf32, #tpu.memory_space<vmem>>, vector<2560x1xf32>
    tpu.vector_store %arg12[%swap3A, %swap3A_64], %div3A_63 {strides = array<i32>} : memref<2560x1xf32, #tpu.memory_space<vmem>>, vector<2560x1xf32>,
    return
  }
  func.func @transform_0(%arg0: i32) -> (i32, i32) {
    %c0_i32 = arith.constant 0 : i32
    %c0_i32_0 = arith.constant 0 : i32
    return %arg0, %c0_i32 : i32, i32
  }
  func.func @transform_1(%arg0: i32) -> (i32, i32) {
    %c0_i32 = arith.constant 0 : i32
    %c0_i32_0 = arith.constant 0 : i32
    return %arg0, %c0_i32 : i32, i32
  }
  func.func @transform_2(%arg0: i32) -> (i32, i32) {
    %c0_i32 = arith.constant 0 : i32
    %c0_i32_0 = arith.constant 0 : i32
    return %arg0, %c0_i32 : i32, i32
  }
  func.func @transform_3(%arg0: i32) -> (i32, i32) {
    %c0_i32 = arith.constant 0 : i32
    %c0_i32_0 = arith.constant 0 : i32
    %c0_i32_1 = arith.constant 0 : i32
    return %c0_i32, %c0_i32_0 : i32, i32
  }
  func.func @transform_4(%arg0: i32) -> (i32, i32) {
    %c0_i32 = arith.constant 0 : i32
    %c0_i32_0 = arith.constant 0 : i32
    %c0_i32_1 = arith.constant 0 : i32
    return %c0_i32, %c0_i32_0 : i32, i32
  }
  func.func @transform_5(%arg0: i32) -> (i32, i32) {
    %c0_i32 = arith.constant 0 : i32
    %c0_i32_0 = arith.constant 0 : i32
    %c0_i32_1 = arith.constant 0 : i32
    return %c0_i32, %c0_i32_0 : i32, i32
  }
  func.func @transform_6(%arg0: i32) -> (i32, i32) {
    %c0_i32 = arith.constant 0 : i32
    %c0_i32_0 = arith.constant 0 : i32
    %c0_i32_1 = arith.constant 0 : i32
    return %c0_i32, %c0_i32_0 : i32, i32
  }
  func.func @transform_7(%arg0: i32) -> (i32, i32) {
    %c0_i32 = arith.constant 0 : i32
    %c0_i32_0 = arith.constant 0 : i32
    %c0_i32_1 = arith.constant 0 : i32
    return %c0_i32, %c0_i32_0 : i32, i32
  }
  func.func @transform_8(%arg0: i32) -> (i32, i32) {
    %c0_i32 = arith.constant 0 : i32
    %c0_i32_0 = arith.constant 0 : i32
    %c0_i32_1 = arith.constant 0 : i32
    return %c0_i32, %c0_i32_0 : i32, i32
  }
  func.func @transform_9(%arg0: i32) -> (i32, i32) {
    %c0_i32 = arith.constant 0 : i32
    %c0_i32_0 = arith.constant 0 : i32
    %c0_i32_1 = arith.constant 0 : i32
    return %c0_i32, %c0_i32_0 : i32, i32
  }
  func.func @transform_10(%arg0: i32) -> (i32, i32) {
    %c0_i32 = arith.constant 0 : i32
    %c0_i32_0 = arith.constant 0 : i32
    %c0_i32_1 = arith.constant 0 : i32
    return %c0_i32, %c0_i32_0 : i32, i32
  }
  func.func @transform_11(%arg0: i32) -> (i32, i32) {
    %c0_i32 = arith.constant 0 : i32
    %c0_i32_0 = arith.constant 0 : i32
    return %arg0, %c0_i32 : i32, i32
  }
}

</mosaic_0001>

<sc_bundles>
// kernel: kernel.12.cloned.1.call-start
scs
__scs_entry_jumppad:
0x0: {  	(pc) =	sbr.rel $0x88, $3  }
0x1: {  	(tag) =	ssettag $0x0;
	lr =	simm.s32 $0x1  }
0x2: {  	[smem:$0x3F8D] =	sst lr;
	_ =	strace $0xD0000000  }
0x3: {  	_ = 	snop  }
0x4: {  	_ = 	snop  }
0x5: {  	_ = 	snop  }
0x6: {  	_ = 	snop  }
0x7: {  	_ = 	snop  }
__scs_overlays_trampoline_lowered:
0x8: {  	[smem:$0x3F9C] =	sst s0  }
0x9: {  	[smem:$0x3F9D] =	sst s1  }
0xa: {  	[smem:$0x3F9E] =	sst s2  }
0xb: {  	[smem:$0x3F9F] =	sst s3  }
0xc: {  	[smem:$0x3FA0] =	sst s4  }
0xd: {  	[smem:$0x3FA1] =	sst s5  }
0xe: {  	[smem:$0x3FA2] =	sst s6  }
0xf: {  	[smem:$0x3FA3] =	sst s7  }
0x10: {  	[smem:$0x3FA4] =	sst s8  }
0x11: {  	[smem:$0x3FA5] =	sst s9;
	s0 =	simm.s32 @!p0 $0x0  }
0x12: {  	s1 =	sld [smem:$0x3F8B];
	s0 =	simm.s32 @p0 $0x1  }
0x13: {  	[smem:$0x3FA6] =	sst s0;
	s0 =	simm.s32 @!p1 $0x0  }
0x14: {  	s2 =	sld [smem:$0x3F8A];
	s0 =	simm.s32 @p1 $0x1  }
0x15: {  	[smem:$0x3FA7] =	sst s0;
	s0 =	simm.s32 @!p2 $0x0  }
0x16: {  	s3 =	sld [smem:$0x3FDB];
	s0 =	simm.s32 @p2 $0x1  }
0x17: {  	s4 =	simm.s32 $0x1BF5;
	[smem:$0x3FA9] =	sst s0  }
0x18: {  	s0 =	sld [smem:$0x3F8C];
	_ =	swait.ge [sflag:s4], $0x0  }
0x19: {  	s7 =	sld [smem:$0x3F8D]  }
0x1a: {  	s8 =	sadd.s32 $0xFFFFE003, lr  }
0x1b: {  	s9 =	sadd.s32 $0xFFFFFEF7, lr;
	s5 =	simm.s32 $0xFFFFFFFF;
	p2 =	slt.u32 s8, $0xFFFFF086  }
0x1c: {  	p1 =	slt.u32 s9, $0xF7A;
	s5 =	simm.s32 @!p2 $0x0  }
0x1d: {  	s5 =	simm.s32 @p1 $0x1;
	p0 =	seq.s32 s7, s2  }
0x1e: {  	s7 =	smul.u32 @!p0 $0xF7A, s2;
	p2 =	seq.s32 @!p0 s5, $0x0  }
0x1f: {  	s9 =	smul.u32 $0xF7A, s1;
	s8 =	simm.s32 @!p0 $0x1BF5;
	p2 =	por !p2, p0  }
0x20: {  	[sflag:s8] =	ssyncset.s32 @!p0 $0xFFFFF086;
	s6 =	sadd.s32 @!p0 s3, s7;
	s7 =	simm.s32 @!p0 $0x108  }
0x21: {  	s3 =	sadd.s32 s3, s9;
	s6 =	sadd.s32 @!p0 $0x88, s6;
	s7 =	simm.s32 @p2 $0x1082  }
0x22: {  	[simem:s7], [sflag:s8] =	dma.local @!p0 [hbm:s6], $0xF7A  }
0x23: {  	s9 =	sor.u32 $0xD0000000, s2;
	s6 =	simm.s32 $0x108;
	_ =	swait.ge @!p0 [sflag:s8], $0x0  }
0x24: {  	s3 =	sadd.s32 $0x88, s3;
	s6 =	simm.s32 @!p1 $0x1082;
	[sflag:s4] =	ssyncset.s32 $0xFFFFF086  }
0x25: {  	[simem:s6], [sflag:s4] =	dma.local [hbm:s3], $0xF7A  }
0x26: {  	[smem:$0x3F8D] =	sst s1;
	(tag) =	ssettag s2;
	_ =	strace s9  }
0x27: {  	s1 =	sld [smem:$0x3F9D]  }
0x28: {  	s2 =	sld [smem:$0x3F9E]  }
0x29: {  	s4 =	sld [smem:$0x3FA0]  }
0x2a: {  	p0 =	seq.s32 s5, $0x0;
	s5 =	sld [smem:$0x3FA1]  }
0x2b: {  	s6 =	sld [smem:$0x3FA2]  }
0x2c: {  	s7 =	sld [smem:$0x3FA3]  }
0x2d: {  	s3 =	simm.s32 $0x108;
	s8 =	sld [smem:$0x3FA4]  }
0x2e: {  	s3 =	simm.s32 @!p0 $0x1082;
	s9 =	sld [smem:$0x3FA5]  }
0x2f: {  	lr =	sadd.s32 s0, s3;
	s0 =	sld [smem:$0x3F9C]  }
0x30: {  	s3 =	sld [smem:$0x3F9F]  }
0x31: {  	[smem:$0x3FA8] =	sst s10  }
0x32: {  	s10 =	sld [smem:$0x3FA6];
	_ =	sdelay $0x3  }
0x33: {  	p0 =	seq.s32 s10, $0x1;
	s10 =	sld [smem:$0x3FA8];
	_ =	sdelay $0x3  }
0x34: {  	[smem:$0x3FA8] =	sst s10  }
0x35: {  	s10 =	sld [smem:$0x3FA7];
	_ =	sdelay $0x3  }
0x36: {  	p1 =	seq.s32 s10, $0x1;
	s10 =	sld [smem:$0x3FA8];
	_ =	sdelay $0x3  }
0x37: {  	[smem:$0x3FA8] =	sst s10  }
0x38: {  	s10 =	sld [smem:$0x3FA9]  }
0x39: {  	_ = 	snop;
	(pc) =	sbr.ind lr, $3  }
0x3a: {  	_ = 	snop  }
0x3b: {  	_ = 	snop  }
0x3c: {  	p2 =	seq.s32 s10, $0x1;
	s10 =	sld [smem:$0x3FA8]  }
0x3d: {  	_ =	shalt  }
0x3e: {  	_ =	shalt  }
0x3f: {  	_ =	shalt  }
0x40: {  	_ =	shalt  }
0x41: {  	_ =	shalt  }
0x42: {  	_ =	shalt  }
0x43: {  	_ =	shalt  }
0x44: {  	_ =	shalt  }
0x45: {  	_ =	shalt  }
0x46: {  	_ =	shalt  }
0x47: {  	_ =	shalt  }
0x48: {  	_ =	shalt  }
0x49: {  	_ =	shalt  }
0x4a: {  	_ =	shalt  }
0x4b: {  	_ =	shalt  }
0x4c: {  	_ =	shalt  }
0x4d: {  	_ =	shalt  }
0x4e: {  	_ =	shalt  }
0x4f: {  	_ =	shalt  }
0x50: {  	_ =	shalt  }
0x51: {  	_ =	shalt  }
0x52: {  	_ =	shalt  }
0x53: {  	_ =	shalt  }
0x54: {  	_ =	shalt  }
0x55: {  	_ =	shalt  }
0x56: {  	_ =	shalt  }
0x57: {  	_ =	shalt  }
0x58: {  	_ =	shalt  }
0x59: {  	_ =	shalt  }
0x5a: {  	_ =	shalt  }
0x5b: {  	_ =	shalt  }
0x5c: {  	_ =	shalt  }
0x5d: {  	_ =	shalt  }
0x5e: {  	_ =	shalt  }
0x5f: {  	_ =	shalt  }
0x60: {  	_ =	shalt  }
0x61: {  	_ =	shalt  }
0x62: {  	_ =	shalt  }
0x63: {  	_ =	shalt  }
0x64: {  	_ =	shalt  }
0x65: {  	_ =	shalt  }
0x66: {  	_ =	shalt  }
0x67: {  	_ =	shalt  }
0x68: {  	_ =	shalt  }
0x69: {  	_ =	shalt  }
0x6a: {  	_ =	shalt  }
0x6b: {  	_ =	shalt  }
0x6c: {  	_ =	shalt  }
0x6d: {  	_ =	shalt  }
0x6e: {  	_ =	shalt  }
0x6f: {  	_ =	shalt  }
0x70: {  	_ =	shalt  }
0x71: {  	_ =	shalt  }
0x72: {  	_ =	shalt  }
0x73: {  	_ =	shalt  }
0x74: {  	_ =	shalt  }
0x75: {  	_ =	shalt  }
0x76: {  	_ =	shalt  }
0x77: {  	_ =	shalt  }
0x78: {  	_ =	shalt  }
0x79: {  	_ =	shalt  }
0x7a: {  	_ =	shalt  }
0x7b: {  	_ =	shalt  }
0x7c: {  	_ =	shalt  }
0x7d: {  	_ =	shalt  }
0x7e: {  	_ =	shalt  }
0x7f: {  	_ =	shalt  }
0x80: {  	_ =	shalt  }
0x81: {  	_ =	shalt  }
0x82: {  	_ =	shalt  }
0x83: {  	_ =	shalt  }
0x84: {  	_ =	shalt  }
0x85: {  	_ =	shalt  }
0x86: {  	_ =	shalt  }
0x87: {  	_ =	shalt  }
.Lfunc_end0:
.L_simem_size_0:
called_computation_lowered:
.L_overlay_start_0:
0x88: {  	s2 =	sld [smem:$0x3FD9]  }
0x89: {  	s3 =	sld [smem:$0x3FFE];
	_ =	sdelay $0x1  }
0x8a: {  	s1 =	srdreg.scid  }
0x8b: {  	s0 =	sand.u32 $0x1, s1  }
0x8c: {  	s17 =	sshll.u32 s0, $0xA;
	s2 =	sadd.s32 s3, s2  }
0x8d: {  	s2 =	sadd.s32 s2, s17  }
0x8e: {  	[smem:$0x3FB4] =	sst s2  }
0x8f: {  	_ = 	snop  }
0x90: {  	(tm) =	ssettm $0x1  }
0x91: {  	s18 =	sld [smem:$0x3FFB];
	_ =	sdelay $0x3  }
0x92: {  	_ =	strace s18  }
0x93: {  	s2 =	sld [smem:$0x3FFC];
	_ =	sdelay $0x3  }
0x94: {  	_ =	strace s2  }
0x95: {  	s2 =	sld [smem:$0x3FFD];
	_ =	sdelay $0x3  }
0x96: {  	_ =	strace s2  }
0x97: {  	_ =	strace $0x8FFFFFFF  }
0x98: {  	s19 =	sld [smem:$0x3FDB];
	_ =	sdelay $0x1  }
0x99: {  	s20 =	simm.s32 $_scs_section_size  }
0x9a: {  	s4 =	simm.s32 $_size__tile_overlayer_lowered;
	s5 =	simm.s32 $_tile_overlayer_lowered  }
0x9b: {  	s6 =	simm.s32 $0x1BFF;
	s21 =	sshll.u32 s5, $0x1;
	s3 =	sadd.s32 s20, s19  }
0x9c: {  	s22 =	simm.s32 $0x0;
	s4 =	sshll.u32 s4, $0x1;
	s5 =	sadd.s32 s21, s3  }
0x9d: {  	[timem:s22], [sflag:s6] =	dma.local [hbm:s5], s4  }
0x9e: {  	_ =	swait.ge [sflag:s6], s4  }
0x9f: {  	s4 =	ssub.s32 $0x0, s4;
	[sflag:s6] =	ssyncset.done $0x0  }
0xa0: {  	[sflag:s6] =	ssyncadd.s32 s4;
	_ =	sdelay $0x1  }
0xa1: {  	s23 =	simm.s32 $0x1B8B  }
0xa2: {  	_ =	swait.ge [sflag:s23], $0x1  }
0xa3: {  	[sflag:s23] =	ssyncset.done $0x0  }
0xa4: {  	[sflag:s23] =	ssyncadd.s32 $0xFFFFFFFF  }
0xa5: {  	s4 =	sld [smem:$0x0]  }
0xa6: {  	s5 =	sand.u32 $0xFFFFFFFE, s1  }
0xa7: {  	p0 =	sne.s32 s1, s5  }
0xa8: {  	s5 =	sshll.u32 @p0 s5, $0xE  }
0xa9: {  	s5 =	sadd.s32 @p0 $0x11B8D, s5;
	s6 =	sshll.u32 @p0 s4, $0x11  }
0xaa: {  	s5 =	sor.u32 @p0 s6, s5  }
0xab: {  	[sflag:s5] =	ssyncadd.remote.s32 @p0 $0x1;
	_ =	sdelay $0x1  }
0xac: {  	s5 =	simm.s32 @p0 $0x1B8D  }
0xad: {  	_ =	swait.eq @p0 [sflag:s5], $0x1  }
0xae: {  	[sflag:s5] =	ssyncadd.s32 @p0 $0xFFFFFFFF  }
0xaf: {  	s6 =	sshll.u32 @!p0 s1, $0xE  }
0xb0: {  	s6 =	sor.u32 @!p0 $0x4000, s6;
	s5 =	simm.s32 @!p0 $0x1B8D  }
0xb1: {  	s4 =	sshll.u32 @!p0 s4, $0x11;
	s6 =	sadd.s32 @!p0 $0x11B8D, s6;
	_ =	swait.eq @!p0 [sflag:s5], $0x1  }
0xb2: {  	s4 =	sor.u32 @!p0 s4, s6;
	[sflag:s5] =	ssyncadd.s32 @!p0 $0xFFFFFFFF  }
0xb3: {  	s25 =	simm.s32 $0x1B8E;
	s24 =	sld [smem:$0x3FFE];
	[sflag:s4] =	ssyncadd.remote.s32 @!p0 $0x1  }
0xb4: {  	s26 =	simm.s32 $execute0_lowered;
	[smem:$0x3FD2] =	sst s25  }
0xb5: {  	s5 =	sshll.u32 s26, $0x1;
	_ =	strace $0x80000049;
	[dreg:$0x1] =	wrdreg $0xFFFFFFFF  }
0xb6: {  	s28 =	simm.s32 $_size_execute0_lowered;
	s3 =	sadd.s32 s3, s5;
	[dreg:$0x0] =	wrdreg $0x0  }
0xb7: {  	s5 =	sshll.u32 s28, $0x1;
	[dreg:$0x2] =	wrdreg s3  }
0xb8: {  	[dreg:$0x3] =	wrdreg s5  }
0xb9: {  	[dreg:$0x4] =	wrdreg $0xC0  }
0xba: {  	_ =	task [dreg:s22], $0x5FFFF  }
0xbb: {  	[dreg:$0x1] =	wrdreg $0xFFFFFFFF  }
0xbc: {  	[dreg:$0x0] =	wrdreg $0x60  }
0xbd: {  	[dreg:$0x2] =	wrdreg s24  }
0xbe: {  	[dreg:$0x3] =	wrdreg $0x0  }
0xbf: {  	[dreg:$0x4] =	wrdreg $0x9  }
0xc0: {  	_ =	task.clear_ibuf [dreg:s22], $0x5FFFF;
	_ =	strace $0x90000049  }
0xc1: {  	s29 =	simm.s32 $0x9;
	_ =	strace $0x8000004B  }
0xc2: {  	_ =	swait.ge [sflag:s29], $0x1  }
0xc3: {  	[sflag:s29] =	ssyncadd.s32 $0xFFFFFFFF  }
0xc4: {  	_ =	strace $0x9000004B  }
0xc5: {  	_ =	sfence  }
0xc6: {  	s30 =	sld [smem:$0x0];
	_ =	sdelay $0x2  }
0xc7: {  	s31 =	sshll.u32 s1, $0xD;
	s1 =	sshrl.u32 s1, $0x2  }
0xc8: {  	s4 =	sand.u32 $0x4000, s31;
	s1 =	sadd.s32 s1, s30  }
0xc9: {  	s0 =	sor.u32 s4, s0;
	s1 =	sshll.u32 s1, $0x11  }
0xca: {  	s0 =	sor.u32 s1, s0  }
0xcb: {  	s0 =	sadd.s32 $0x8F2B, s0  }
0xcc: {  	[sflag:s0] =	ssyncadd.remote.s32 $0x1  }
0xcd: {  	_ =	sfence.sel $0xFFFF  }
0xce: {  	[dreg:$0x0] =	wrdreg $0xFFFFFFFF;
	(pc) =	sbr.abs _section_cstart, $3  }
0xcf: {  	[dreg:$0x1] =	wrdreg $0xFFFFFFFF  }
0xd0: {  	_ =	task.clear_ibuf [dreg:s22], $0x2FFFF;
	_ =	strace $0x9FFFFFFF  }
0xd1: {  	(tm) =	ssettm $0x7FFFFFFF  }
tec
execute0_lowered:
.L_overlay_start_1:
0x0: {  	(tag) =	ssettag $0x1  }
0x1: {  	s0 =	srdreg.scid;
	s1 =	rddreg [dreg:$0x0]  }
0x2: {  	s8 =	stileid.u32;
	s2 =	rddreg [dreg:$0x1]  }
0x3: {  	s4 =	simm.s32 $0x0;
	s0 =	sand.u32 $0x1, s0;
	s5 =	smul.u32 $0x2800, s8  }
0x4: {  	[smem:$0x7FF] =	sst s4;
	s4 =	sadd.s32 $0x56800, s1;
	s7 =	smul.u32 $0x50000, s8  }
0x5: {  	s9 =	sadd.s32 $0xA6A00, s1;
	s16 =	sshll.u32 s8, $0x6;
	s3 =	sshll.u32 s0, $0x4  }
0x6: {  	_ =	strace $0x8000004A;
	s6 =	smul.u32 $0x28000, s0;
	s0 =	ssub.s32 $0x2, s0  }
0x7: {  	[dreg:$0x3] =	wrdreg s9;
	s3 =	sor.u32 s8, s3;
	s14 =	sshrl.u32 s0, $0x1  }
0x8: {  	s15 =	sshrl.u32 s7, $0x2;
	s7 =	sor.u32 $0x1C01, s16;
	s3 =	smul.u32 $0x5000, s3  }
0x9: {  	s5 =	sadd.s32 s5, s6;
	s0 =	ssub.s32 s0, s14;
	s6 =	sadd.s32 s15, s2  }
0xa: {  	s0 =	smax.u32 s0, $0x1;
	s17 =	sadd.s32 $0x1000, s6;
	s18 =	sadd.s32 $0x2000, s6  }
0xb: {  	s19 =	sadd.s32 $0x3000, s6;
	s20 =	sadd.s32 $0x4000, s6;
	s21 =	sadd.s32 $0x5000, s6  }
0xc: {  	s10 =	sadd.s32 $0x6000, s6;
	s11 =	sadd.s32 $0x7000, s6;
	s12 =	sadd.s32 $0x8000, s6  }
0xd: {  	s13 =	sadd.s32 $0x9000, s6;
	s24 =	sadd.s32 $0xA000, s6;
	s25 =	sadd.s32 $0xB000, s6  }
0xe: {  	s8 =	sadd.s32 $0xD000, s6;
	s9 =	sadd.s32 $0xE000, s6;
	s3 =	sshrl.u32 s3, $0x3  }
0xf: {  	[dreg:$0x5] =	wrdreg s0;
	s15 =	sshrl.u32 s17, $0x3;
	s16 =	sshrl.u32 s18, $0x3  }
0x10: {  	s17 =	sshrl.u32 s19, $0x3;
	s18 =	sshrl.u32 s20, $0x3;
	s19 =	sshrl.u32 s21, $0x3  }
0x11: {  	s20 =	sshrl.u32 s10, $0x3;
	s21 =	sshrl.u32 s11, $0x3;
	s24 =	sshrl.u32 s24, $0x3  }
0x12: {  	s25 =	sshrl.u32 s25, $0x3;
	s28 =	sshrl.u32 s8, $0x3;
	s10 =	sadd.s32 $0xF000, s6  }
0x13: {  	s29 =	sshrl.u32 s9, $0x3;
	s3 =	sadd.s32 s3, s1;
	s1 =	sadd.s32 s5, s1  }
0x14: {  	s11 =	sadd.s32 $0x10000, s6;
	s8 =	simm.s32 $0x15000;
	s1 =	sadd.s32 $0xA7000, s1  }
0x15: {  	s9 =	simm.s32 $0x14000;
	s14 =	sadd.s32 $0x7400, s3;
	[dreg:$0x4] =	wrdreg s1  }
0x16: {  	s5 =	sadd.s32 $0xC000, s6;
	s22 =	sadd.s32 $0x7600, s3;
	[dreg:$0x6] =	wrdreg s14  }
0x17: {  	s30 =	sshrl.u32 s10, $0x3;
	s23 =	sadd.s32 $0x7800, s3;
	[dreg:$0x7] =	wrdreg s22  }
0x18: {  	s31 =	sshrl.u32 s11, $0x3;
	s26 =	sadd.s32 $0x7A00, s3;
	[dreg:$0x8] =	wrdreg s23  }
0x19: {  	s10 =	simm.s32 $0x50;
	s3 =	sadd.s32 $0x7C00, s3;
	[dreg:$0x9] =	wrdreg s26  }
0x1a: {  	s11 =	simm.s32 $0x0;
	[dreg:$0xa] =	wrdreg s3;
	s22 =	sshrl.u32 s12, $0x3  }
0x1b: {  	s23 =	sshrl.u32 s13, $0x3;
	s26 =	sshrl.u32 s5, $0x3;
	s12 =	sadd.s32 $0x11000, s6  }
0x1c: {  	s13 =	sadd.s32 $0x12000, s6;
	s14 =	sadd.s32 $0x13000, s6;
	s5 =	simm.s32 $0x1  }
0x1d: {  	s1 =	sshrl.u32 s12, $0x3;
	s0 =	sshrl.u32 s13, $0x3;
	s3 =	sshrl.u32 s14, $0x3  }
.LBB2_1:
0x1e: {  	s12 =	sshrl.u32 s6, $0x3  }
0x1f: {  	[spmem:s12], [sflag:s7] =	dma.local [hbm:s4], $0x200  }
0x20: {  	_ =	swait.ge [sflag:s5], $0x200  }
0x21: {  	[sflag:s5] =	ssyncset.done $0x0  }
0x22: {  	[sflag:s5] =	ssyncadd.s32 $0xFFFFFE00  }
0x23: {  	[spmem:s15], [sflag:s7] =	dma.local [hbm:s4], $0x200  }
0x24: {  	_ =	swait.ge [sflag:s5], $0x200  }
0x25: {  	[sflag:s5] =	ssyncset.done $0x0  }
0x26: {  	[sflag:s5] =	ssyncadd.s32 $0xFFFFFE00  }
0x27: {  	[spmem:s16], [sflag:s7] =	dma.local [hbm:s4], $0x200  }
0x28: {  	_ =	swait.ge [sflag:s5], $0x200  }
0x29: {  	[sflag:s5] =	ssyncset.done $0x0  }
0x2a: {  	[sflag:s5] =	ssyncadd.s32 $0xFFFFFE00  }
0x2b: {  	[spmem:s17], [sflag:s7] =	dma.local [hbm:s4], $0x200  }
0x2c: {  	_ =	swait.ge [sflag:s5], $0x200  }
0x2d: {  	[sflag:s5] =	ssyncset.done $0x0  }
0x2e: {  	[sflag:s5] =	ssyncadd.s32 $0xFFFFFE00  }
0x2f: {  	[spmem:s18], [sflag:s7] =	dma.local [hbm:s4], $0x200  }
0x30: {  	_ =	swait.ge [sflag:s5], $0x200  }
0x31: {  	[sflag:s5] =	ssyncset.done $0x0  }
0x32: {  	[sflag:s5] =	ssyncadd.s32 $0xFFFFFE00  }
0x33: {  	[spmem:s19], [sflag:s7] =	dma.local [hbm:s4], $0x200  }
0x34: {  	_ =	swait.ge [sflag:s5], $0x200  }
0x35: {  	[sflag:s5] =	ssyncset.done $0x0  }
0x36: {  	[sflag:s5] =	ssyncadd.s32 $0xFFFFFE00  }
0x37: {  	[spmem:s20], [sflag:s7] =	dma.local [hbm:s4], $0x200  }
0x38: {  	_ =	swait.ge [sflag:s5], $0x200  }
0x39: {  	[sflag:s5] =	ssyncset.done $0x0  }
0x3a: {  	[sflag:s5] =	ssyncadd.s32 $0xFFFFFE00  }
0x3b: {  	[spmem:s21], [sflag:s7] =	dma.local [hbm:s4], $0x200  }
0x3c: {  	_ =	swait.ge [sflag:s5], $0x200  }
0x3d: {  	[sflag:s5] =	ssyncset.done $0x0  }
0x3e: {  	[sflag:s5] =	ssyncadd.s32 $0xFFFFFE00  }
0x3f: {  	[spmem:s22], [sflag:s7] =	dma.local [hbm:s4], $0x200  }
0x40: {  	_ =	swait.ge [sflag:s5], $0x200  }
0x41: {  	[sflag:s5] =	ssyncset.done $0x0  }
0x42: {  	[sflag:s5] =	ssyncadd.s32 $0xFFFFFE00  }
0x43: {  	[spmem:s23], [sflag:s7] =	dma.local [hbm:s4], $0x200  }
0x44: {  	_ =	swait.ge [sflag:s5], $0x200  }
0x45: {  	[sflag:s5] =	ssyncset.done $0x0  }
0x46: {  	[sflag:s5] =	ssyncadd.s32 $0xFFFFFE00  }
0x47: {  	[spmem:s24], [sflag:s7] =	dma.local [hbm:s4], $0x200  }
0x48: {  	_ =	swait.ge [sflag:s5], $0x200  }
0x49: {  	[sflag:s5] =	ssyncset.done $0x0  }
0x4a: {  	[sflag:s5] =	ssyncadd.s32 $0xFFFFFE00  }
0x4b: {  	[spmem:s25], [sflag:s7] =	dma.local [hbm:s4], $0x200  }
0x4c: {  	_ =	swait.ge [sflag:s5], $0x200  }
0x4d: {  	[sflag:s5] =	ssyncset.done $0x0  }
0x4e: {  	[sflag:s5] =	ssyncadd.s32 $0xFFFFFE00  }
0x4f: {  	[spmem:s26], [sflag:s7] =	dma.local [hbm:s4], $0x200  }
0x50: {  	_ =	swait.ge [sflag:s5], $0x200  }
0x51: {  	[sflag:s5] =	ssyncset.done $0x0  }
0x52: {  	[sflag:s5] =	ssyncadd.s32 $0xFFFFFE00  }
0x53: {  	[spmem:s28], [sflag:s7] =	dma.local [hbm:s4], $0x200  }
0x54: {  	_ =	swait.ge [sflag:s5], $0x200  }
0x55: {  	[sflag:s5] =	ssyncset.done $0x0  }
0x56: {  	[sflag:s5] =	ssyncadd.s32 $0xFFFFFE00  }
0x57: {  	[spmem:s29], [sflag:s7] =	dma.local [hbm:s4], $0x200  }
0x58: {  	_ =	swait.ge [sflag:s5], $0x200  }
0x59: {  	[sflag:s5] =	ssyncset.done $0x0  }
0x5a: {  	[sflag:s5] =	ssyncadd.s32 $0xFFFFFE00  }
0x5b: {  	[spmem:s30], [sflag:s7] =	dma.local [hbm:s4], $0x200  }
0x5c: {  	_ =	swait.ge [sflag:s5], $0x200  }
0x5d: {  	[sflag:s5] =	ssyncset.done $0x0  }
0x5e: {  	[sflag:s5] =	ssyncadd.s32 $0xFFFFFE00  }
0x5f: {  	[spmem:s31], [sflag:s7] =	dma.local [hbm:s4], $0x200  }
0x60: {  	_ =	swait.ge [sflag:s5], $0x200  }
0x61: {  	[sflag:s5] =	ssyncset.done $0x0  }
0x62: {  	[sflag:s5] =	ssyncadd.s32 $0xFFFFFE00  }
0x63: {  	[spmem:s1], [sflag:s7] =	dma.local [hbm:s4], $0x200  }
0x64: {  	_ =	swait.ge [sflag:s5], $0x200  }
0x65: {  	[sflag:s5] =	ssyncset.done $0x0  }
0x66: {  	[sflag:s5] =	ssyncadd.s32 $0xFFFFFE00  }
0x67: {  	[spmem:s0], [sflag:s7] =	dma.local [hbm:s4], $0x200  }
0x68: {  	_ =	swait.ge [sflag:s5], $0x200  }
0x69: {  	[sflag:s5] =	ssyncset.done $0x0  }
0x6a: {  	[sflag:s5] =	ssyncadd.s32 $0xFFFFFE00  }
0x6b: {  	[spmem:s3], [sflag:s7] =	dma.local [hbm:s4], $0x200  }
0x6c: {  	_ =	swait.ge [sflag:s5], $0x200  }
0x6d: {  	[sflag:s5] =	ssyncset.done $0x0  }
0x6e: {  	s13 =	simm.s32 $0x0;
	s14 =	rddreg [dreg:$0x3];
	[sflag:s5] =	ssyncadd.s32 $0xFFFFFE00  }
0x6f: {  	[tilespmem:s8], [sflag:$0x1] =	stream.linear.gather [hbm4b:s14+s13], $0x2800, $0x38;
	[tilespmem:$0x17800] =	vst v63  }
0x70: {  	_ =	swait.ge [sflag:s5], $0x2800  }
0x71: {  	[sflag:s5] =	ssyncset.done $0x0  }
0x72: {  	[sflag:s5] =	ssyncadd.s32 $0xFFFFD800  }
0x73: {  	[bflag:$0x0] =	sbarrier.arrive $0xFFFF  }
0x74: {  	s14 =	rddreg [dreg:$0x6]  }
0x75: {  	[tilespmem:s9], [sflag:$0x1] =	stream.linear.gather [hbm4b:s14+s13], $0xC80, $0x38;
	[tilespmem:$0x17800] =	vst v63  }
0x76: {  	_ =	swait.ge [sflag:s5], $0xC80  }
0x77: {  	[sflag:s5] =	ssyncset.done $0x0  }
0x78: {  	s14 =	simm.s32 $0x14000;
	[sflag:s5] =	ssyncadd.s32 $0xFFFFF380  }
0x79: {  	[spmem:s2] =	stream.indirect.scatter.add.f32 [tilespmem:s8], [sflag:$0x1], $0x80, s14, s10, $0xb8;
	[tilespmem:$0x17800] =	vst v63  }
0x7a: {  	s13 =	simm.s32 $0x200;
	_ =	swait.ge [sflag:s5], $0x2800  }
.LBB2_2:
0x7b: {  	s14 =	sshra.s32 s13, $0x2;
	[sflag:s5] =	ssyncset.done $0x0;
	p0 =	sne.s32 s13, $0x3000  }
.Ltmp0:
0x7c: {  	s14 =	sadd.s32 $0x14000, s14;
	[sflag:s5] =	ssyncadd.s32 $0xFFFFD800;
	(pc) =	sbr.rel @p0 .LBB2_2-.Ltmp0, $3  }
0x7d: {  	[spmem:s2] =	stream.indirect.scatter.add.f32 [tilespmem:s8], [sflag:$0x1], $0x80, s14, s10, $0xb8;
	[tilespmem:$0x17800] =	vst v63  }
0x7e: {  	s13 =	sadd.s32 $0x200, s13;
	_ =	sdelay $0x1  }
0x7f: {  	_ =	swait.ge [sflag:s5], $0x2800  }
0x80: {  	[sflag:s5] =	ssyncset.done $0x0  }
0x81: {  	s13 =	simm.s32 $0x0;
	s14 =	rddreg [dreg:$0x7];
	[sflag:s5] =	ssyncadd.s32 $0xFFFFD800  }
0x82: {  	[tilespmem:s9], [sflag:$0x1] =	stream.linear.gather [hbm4b:s14+s13], $0xC80, $0x38;
	[tilespmem:$0x17800] =	vst v63  }
0x83: {  	_ =	swait.ge [sflag:s5], $0xC80  }
0x84: {  	[sflag:s5] =	ssyncset.done $0x0  }
0x85: {  	s14 =	simm.s32 $0x14000;
	[sflag:s5] =	ssyncadd.s32 $0xFFFFF380  }
0x86: {  	[spmem:s2] =	stream.indirect.scatter.add.f32 [tilespmem:s8], [sflag:$0x1], $0x80, s14, s10, $0xb8;
	[tilespmem:$0x17800] =	vst v63  }
0x87: {  	s13 =	simm.s32 $0x200;
	_ =	swait.ge [sflag:s5], $0x2800  }
.LBB2_4:
0x88: {  	s14 =	sshra.s32 s13, $0x2;
	[sflag:s5] =	ssyncset.done $0x0;
	p0 =	sne.s32 s13, $0x3000  }
.Ltmp1:
0x89: {  	s14 =	sadd.s32 $0x14000, s14;
	[sflag:s5] =	ssyncadd.s32 $0xFFFFD800;
	(pc) =	sbr.rel @p0 .LBB2_4-.Ltmp1, $3  }
0x8a: {  	[spmem:s2] =	stream.indirect.scatter.add.f32 [tilespmem:s8], [sflag:$0x1], $0x80, s14, s10, $0xb8;
	[tilespmem:$0x17800] =	vst v63  }
0x8b: {  	s13 =	sadd.s32 $0x200, s13;
	_ =	sdelay $0x1  }
0x8c: {  	_ =	swait.ge [sflag:s5], $0x2800  }
0x8d: {  	[sflag:s5] =	ssyncset.done $0x0  }
0x8e: {  	s13 =	simm.s32 $0x0;
	s14 =	rddreg [dreg:$0x8];
	[sflag:s5] =	ssyncadd.s32 $0xFFFFD800  }
0x8f: {  	[tilespmem:s9], [sflag:$0x1] =	stream.linear.gather [hbm4b:s14+s13], $0xC80, $0x38;
	[tilespmem:$0x17800] =	vst v63  }
0x90: {  	_ =	swait.ge [sflag:s5], $0xC80  }
0x91: {  	[sflag:s5] =	ssyncset.done $0x0  }
0x92: {  	s14 =	simm.s32 $0x14000;
	[sflag:s5] =	ssyncadd.s32 $0xFFFFF380  }
0x93: {  	[spmem:s2] =	stream.indirect.scatter.add.f32 [tilespmem:s8], [sflag:$0x1], $0x80, s14, s10, $0xb8;
	[tilespmem:$0x17800] =	vst v63  }
0x94: {  	s13 =	simm.s32 $0x200;
	_ =	swait.ge [sflag:s5], $0x2800  }
.LBB2_6:
0x95: {  	s14 =	sshra.s32 s13, $0x2;
	[sflag:s5] =	ssyncset.done $0x0;
	p0 =	sne.s32 s13, $0x3000  }
.Ltmp2:
0x96: {  	s14 =	sadd.s32 $0x14000, s14;
	[sflag:s5] =	ssyncadd.s32 $0xFFFFD800;
	(pc) =	sbr.rel @p0 .LBB2_6-.Ltmp2, $3  }
0x97: {  	[spmem:s2] =	stream.indirect.scatter.add.f32 [tilespmem:s8], [sflag:$0x1], $0x80, s14, s10, $0xb8;
	[tilespmem:$0x17800] =	vst v63  }
0x98: {  	s13 =	sadd.s32 $0x200, s13;
	_ =	sdelay $0x1  }
0x99: {  	_ =	swait.ge [sflag:s5], $0x2800  }
0x9a: {  	[sflag:s5] =	ssyncset.done $0x0  }
0x9b: {  	s13 =	simm.s32 $0x0;
	s14 =	rddreg [dreg:$0x9];
	[sflag:s5] =	ssyncadd.s32 $0xFFFFD800  }
0x9c: {  	[tilespmem:s9], [sflag:$0x1] =	stream.linear.gather [hbm4b:s14+s13], $0xC80, $0x38;
	[tilespmem:$0x17800] =	vst v63  }
0x9d: {  	_ =	swait.ge [sflag:s5], $0xC80  }
0x9e: {  	[sflag:s5] =	ssyncset.done $0x0  }
0x9f: {  	s14 =	simm.s32 $0x14000;
	[sflag:s5] =	ssyncadd.s32 $0xFFFFF380  }
0xa0: {  	[spmem:s2] =	stream.indirect.scatter.add.f32 [tilespmem:s8], [sflag:$0x1], $0x80, s14, s10, $0xb8;
	[tilespmem:$0x17800] =	vst v63  }
0xa1: {  	s13 =	simm.s32 $0x200;
	_ =	swait.ge [sflag:s5], $0x2800  }
.LBB2_8:
0xa2: {  	s14 =	sshra.s32 s13, $0x2;
	[sflag:s5] =	ssyncset.done $0x0;
	p0 =	sne.s32 s13, $0x3000  }
.Ltmp3:
0xa3: {  	s14 =	sadd.s32 $0x14000, s14;
	[sflag:s5] =	ssyncadd.s32 $0xFFFFD800;
	(pc) =	sbr.rel @p0 .LBB2_8-.Ltmp3, $3  }
0xa4: {  	[spmem:s2] =	stream.indirect.scatter.add.f32 [tilespmem:s8], [sflag:$0x1], $0x80, s14, s10, $0xb8;
	[tilespmem:$0x17800] =	vst v63  }
0xa5: {  	s13 =	sadd.s32 $0x200, s13;
	_ =	sdelay $0x1  }
0xa6: {  	_ =	swait.ge [sflag:s5], $0x2800  }
0xa7: {  	[sflag:s5] =	ssyncset.done $0x0  }
0xa8: {  	s13 =	simm.s32 $0x0;
	s14 =	rddreg [dreg:$0xa];
	[sflag:s5] =	ssyncadd.s32 $0xFFFFD800  }
0xa9: {  	[tilespmem:s9], [sflag:$0x1] =	stream.linear.gather [hbm4b:s14+s13], $0xC80, $0x38;
	[tilespmem:$0x17800] =	vst v63  }
0xaa: {  	_ =	swait.ge [sflag:s5], $0xC80  }
0xab: {  	[sflag:s5] =	ssyncset.done $0x0  }
0xac: {  	s14 =	simm.s32 $0x14000;
	[sflag:s5] =	ssyncadd.s32 $0xFFFFF380  }
0xad: {  	[spmem:s2] =	stream.indirect.scatter.add.f32 [tilespmem:s8], [sflag:$0x1], $0x80, s14, s10, $0xb8;
	[tilespmem:$0x17800] =	vst v63  }
0xae: {  	s13 =	simm.s32 $0x200;
	_ =	swait.ge [sflag:s5], $0x2800  }
.LBB2_10:
0xaf: {  	s14 =	sshra.s32 s13, $0x2;
	[sflag:s5] =	ssyncset.done $0x0;
	p0 =	sne.s32 s13, $0x3000  }
.Ltmp4:
0xb0: {  	s14 =	sadd.s32 $0x14000, s14;
	[sflag:s5] =	ssyncadd.s32 $0xFFFFD800;
	(pc) =	sbr.rel @p0 .LBB2_10-.Ltmp4, $3  }
0xb1: {  	[spmem:s2] =	stream.indirect.scatter.add.f32 [tilespmem:s8], [sflag:$0x1], $0x80, s14, s10, $0xb8;
	[tilespmem:$0x17800] =	vst v63  }
0xb2: {  	s13 =	sadd.s32 $0x200, s13;
	_ =	sdelay $0x1  }
0xb3: {  	_ =	swait.ge [sflag:s5], $0x2800  }
0xb4: {  	[sflag:s5] =	ssyncset.done $0x0  }
0xb5: {  	[sflag:s5] =	ssyncadd.s32 $0xFFFFD800  }
0xb6: {  	[bflag:$0x0] =	sbarrier.arrive $0xFFFF  }
0xb7: {  	s13 =	rddreg [dreg:$0x4]  }
0xb8: {  	[hbm:s13], [sflag:s7] =	dma.local [spmem:s12], $0x2800  }
0xb9: {  	_ =	swait.ge [sflag:s5], $0x2800  }
0xba: {  	s11 =	sadd.s32 $0x1, s11;
	s14 =	rddreg [dreg:$0x5]  }
0xbb: {  	p0 =	sne.s32 s11, s14  }
.Ltmp5:
0xbc: {  	_ = 	snop;
	(pc) =	sbr.rel @p0 .LBB2_1-.Ltmp5, $3  }
0xbd: {  	_ =	sdelay $0x1  }
0xbe: {  	[sflag:s5] =	ssyncset.done $0x0  }
0xbf: {  	[sflag:s5] =	ssyncadd.s32 $0xFFFFD800  }
0xc0: {  	_ =	sfence.sel $0x180000  }
0xc1: {  	[bflag:$0x0] =	sbarrier.arrive $0xFFFF  }
0xc2: {  	_ =	strace $0x9000004A  }
0xc3: {  	s0 =	stileid.u32;
	[bflag:$0x2] =	sbarrier.arrive $0xFFFF  }
0xc4: {  	p0 =	sne.s32 s0, $0x0;
	s0 =	rddreg [dreg:$0x2]  }
0xc5: {  	s0 =	sadd.s32 @!p0 $0x100000, s0  }
0xc6: {  	[sflag:s0] =	ssyncadd.tile.s32 @!p0 $0x1;
	_ =	shalt  }
.Lfunc_end2:
_tile_overlayer_lowered:
.L_overlay_start_2:
0xc7: {  	(tag) =	ssettag $0x2  }
0xc8: {  	s0 =	rddreg [dreg:$0x0];
	s2 =	stileid.u32  }
0xc9: {  	s1 =	rddreg [dreg:$0x1];
	p0 =	sne.s32 s2, $0x0  }
0xca: {  	s3 =	rddreg [dreg:$0x2];
	[bflag:$0x3] =	sbarrier.arrive $0xFFFF;
	s2 =	simm.s32 @!p0 $0x1C01  }
0xcb: {  	[timem:s3], [sflag:s2] =	dma.local @!p0 [hbm:s0], s1  }
0xcc: {  	s0 =	simm.s32 @!p0 $0x1  }
0xcd: {  	_ =	swait.ge @!p0 [sflag:s0], s1  }
0xce: {  	s1 =	ssub.s32 @!p0 $0x0, s1;
	[sflag:s0] =	ssyncset.done @!p0 $0x0  }
0xcf: {  	[sflag:s0] =	ssyncadd.s32 @!p0 s1  }
0xd0: {  	[bflag:$0x3] =	sbarrier.arrive $0xFFFF  }
0xd1: {  	_ =	shalt  }

// kernel: kernel.15.cloned.1.call-start
scs
__scs_entry_jumppad:
0x0: {  	(pc) =	sbr.rel $0x88, $3  }
0x1: {  	(tag) =	ssettag $0x0;
	lr =	simm.s32 $0x1  }
0x2: {  	[smem:$0x3F8D] =	sst lr;
	_ =	strace $0xD0000000  }
0x3: {  	_ = 	snop  }
0x4: {  	_ = 	snop  }
0x5: {  	_ = 	snop  }
0x6: {  	_ = 	snop  }
0x7: {  	_ = 	snop  }
__scs_overlays_trampoline_lowered:
0x8: {  	[smem:$0x3F9C] =	sst s0  }
0x9: {  	[smem:$0x3F9D] =	sst s1  }
0xa: {  	[smem:$0x3F9E] =	sst s2  }
0xb: {  	[smem:$0x3F9F] =	sst s3  }
0xc: {  	[smem:$0x3FA0] =	sst s4  }
0xd: {  	[smem:$0x3FA1] =	sst s5  }
0xe: {  	[smem:$0x3FA2] =	sst s6  }
0xf: {  	[smem:$0x3FA3] =	sst s7  }
0x10: {  	[smem:$0x3FA4] =	sst s8  }
0x11: {  	[smem:$0x3FA5] =	sst s9;
	s0 =	simm.s32 @!p0 $0x0  }
0x12: {  	s1 =	sld [smem:$0x3F8B];
	s0 =	simm.s32 @p0 $0x1  }
0x13: {  	[smem:$0x3FA6] =	sst s0;
	s0 =	simm.s32 @!p1 $0x0  }
0x14: {  	s2 =	sld [smem:$0x3F8A];
	s0 =	simm.s32 @p1 $0x1  }
0x15: {  	[smem:$0x3FA7] =	sst s0;
	s0 =	simm.s32 @!p2 $0x0  }
0x16: {  	s3 =	sld [smem:$0x3FDB];
	s0 =	simm.s32 @p2 $0x1  }
0x17: {  	s4 =	simm.s32 $0x1BF5;
	[smem:$0x3FA9] =	sst s0  }
0x18: {  	s0 =	sld [smem:$0x3F8C];
	_ =	swait.ge [sflag:s4], $0x0  }
0x19: {  	s7 =	sld [smem:$0x3F8D]  }
0x1a: {  	s8 =	sadd.s32 $0xFFFFE003, lr  }
0x1b: {  	s9 =	sadd.s32 $0xFFFFFEF7, lr;
	s5 =	simm.s32 $0xFFFFFFFF;
	p2 =	slt.u32 s8, $0xFFFFF086  }
0x1c: {  	p1 =	slt.u32 s9, $0xF7A;
	s5 =	simm.s32 @!p2 $0x0  }
0x1d: {  	s5 =	simm.s32 @p1 $0x1;
	p0 =	seq.s32 s7, s2  }
0x1e: {  	s7 =	smul.u32 @!p0 $0xF7A, s2;
	p2 =	seq.s32 @!p0 s5, $0x0  }
0x1f: {  	s9 =	smul.u32 $0xF7A, s1;
	s8 =	simm.s32 @!p0 $0x1BF5;
	p2 =	por !p2, p0  }
0x20: {  	[sflag:s8] =	ssyncset.s32 @!p0 $0xFFFFF086;
	s6 =	sadd.s32 @!p0 s3, s7;
	s7 =	simm.s32 @!p0 $0x108  }
0x21: {  	s3 =	sadd.s32 s3, s9;
	s6 =	sadd.s32 @!p0 $0x88, s6;
	s7 =	simm.s32 @p2 $0x1082  }
0x22: {  	[simem:s7], [sflag:s8] =	dma.local @!p0 [hbm:s6], $0xF7A  }
0x23: {  	s9 =	sor.u32 $0xD0000000, s2;
	s6 =	simm.s32 $0x108;
	_ =	swait.ge @!p0 [sflag:s8], $0x0  }
0x24: {  	s3 =	sadd.s32 $0x88, s3;
	s6 =	simm.s32 @!p1 $0x1082;
	[sflag:s4] =	ssyncset.s32 $0xFFFFF086  }
0x25: {  	[simem:s6], [sflag:s4] =	dma.local [hbm:s3], $0xF7A  }
0x26: {  	[smem:$0x3F8D] =	sst s1;
	(tag) =	ssettag s2;
	_ =	strace s9  }
0x27: {  	s1 =	sld [smem:$0x3F9D]  }
0x28: {  	s2 =	sld [smem:$0x3F9E]  }
0x29: {  	s4 =	sld [smem:$0x3FA0]  }
0x2a: {  	p0 =	seq.s32 s5, $0x0;
	s5 =	sld [smem:$0x3FA1]  }
0x2b: {  	s6 =	sld [smem:$0x3FA2]  }
0x2c: {  	s7 =	sld [smem:$0x3FA3]  }
0x2d: {  	s3 =	simm.s32 $0x108;
	s8 =	sld [smem:$0x3FA4]  }
0x2e: {  	s3 =	simm.s32 @!p0 $0x1082;
	s9 =	sld [smem:$0x3FA5]  }
0x2f: {  	lr =	sadd.s32 s0, s3;
	s0 =	sld [smem:$0x3F9C]  }
0x30: {  	s3 =	sld [smem:$0x3F9F]  }
0x31: {  	[smem:$0x3FA8] =	sst s10  }
0x32: {  	s10 =	sld [smem:$0x3FA6];
	_ =	sdelay $0x3  }
0x33: {  	p0 =	seq.s32 s10, $0x1;
	s10 =	sld [smem:$0x3FA8];
	_ =	sdelay $0x3  }
0x34: {  	[smem:$0x3FA8] =	sst s10  }
0x35: {  	s10 =	sld [smem:$0x3FA7];
	_ =	sdelay $0x3  }
0x36: {  	p1 =	seq.s32 s10, $0x1;
	s10 =	sld [smem:$0x3FA8];
	_ =	sdelay $0x3  }
0x37: {  	[smem:$0x3FA8] =	sst s10  }
0x38: {  	s10 =	sld [smem:$0x3FA9]  }
0x39: {  	_ = 	snop;
	(pc) =	sbr.ind lr, $3  }
0x3a: {  	_ = 	snop  }
0x3b: {  	_ = 	snop  }
0x3c: {  	p2 =	seq.s32 s10, $0x1;
	s10 =	sld [smem:$0x3FA8]  }
0x3d: {  	_ =	shalt  }
0x3e: {  	_ =	shalt  }
0x3f: {  	_ =	shalt  }
0x40: {  	_ =	shalt  }
0x41: {  	_ =	shalt  }
0x42: {  	_ =	shalt  }
0x43: {  	_ =	shalt  }
0x44: {  	_ =	shalt  }
0x45: {  	_ =	shalt  }
0x46: {  	_ =	shalt  }
0x47: {  	_ =	shalt  }
0x48: {  	_ =	shalt  }
0x49: {  	_ =	shalt  }
0x4a: {  	_ =	shalt  }
0x4b: {  	_ =	shalt  }
0x4c: {  	_ =	shalt  }
0x4d: {  	_ =	shalt  }
0x4e: {  	_ =	shalt  }
0x4f: {  	_ =	shalt  }
0x50: {  	_ =	shalt  }
0x51: {  	_ =	shalt  }
0x52: {  	_ =	shalt  }
0x53: {  	_ =	shalt  }
0x54: {  	_ =	shalt  }
0x55: {  	_ =	shalt  }
0x56: {  	_ =	shalt  }
0x57: {  	_ =	shalt  }
0x58: {  	_ =	shalt  }
0x59: {  	_ =	shalt  }
0x5a: {  	_ =	shalt  }
0x5b: {  	_ =	shalt  }
0x5c: {  	_ =	shalt  }
0x5d: {  	_ =	shalt  }
0x5e: {  	_ =	shalt  }
0x5f: {  	_ =	shalt  }
0x60: {  	_ =	shalt  }
0x61: {  	_ =	shalt  }
0x62: {  	_ =	shalt  }
0x63: {  	_ =	shalt  }
0x64: {  	_ =	shalt  }
0x65: {  	_ =	shalt  }
0x66: {  	_ =	shalt  }
0x67: {  	_ =	shalt  }
0x68: {  	_ =	shalt  }
0x69: {  	_ =	shalt  }
0x6a: {  	_ =	shalt  }
0x6b: {  	_ =	shalt  }
0x6c: {  	_ =	shalt  }
0x6d: {  	_ =	shalt  }
0x6e: {  	_ =	shalt  }
0x6f: {  	_ =	shalt  }
0x70: {  	_ =	shalt  }
0x71: {  	_ =	shalt  }
0x72: {  	_ =	shalt  }
0x73: {  	_ =	shalt  }
0x74: {  	_ =	shalt  }
0x75: {  	_ =	shalt  }
0x76: {  	_ =	shalt  }
0x77: {  	_ =	shalt  }
0x78: {  	_ =	shalt  }
0x79: {  	_ =	shalt  }
0x7a: {  	_ =	shalt  }
0x7b: {  	_ =	shalt  }
0x7c: {  	_ =	shalt  }
0x7d: {  	_ =	shalt  }
0x7e: {  	_ =	shalt  }
0x7f: {  	_ =	shalt  }
0x80: {  	_ =	shalt  }
0x81: {  	_ =	shalt  }
0x82: {  	_ =	shalt  }
0x83: {  	_ =	shalt  }
0x84: {  	_ =	shalt  }
0x85: {  	_ =	shalt  }
0x86: {  	_ =	shalt  }
0x87: {  	_ =	shalt  }
.Lfunc_end0:
.L_simem_size_0:
called_computation.1_lowered:
.L_overlay_start_0:
0x88: {  	s2 =	sld [smem:$0x3FD9]  }
0x89: {  	s3 =	sld [smem:$0x3FFE];
	_ =	sdelay $0x1  }
0x8a: {  	s1 =	srdreg.scid  }
0x8b: {  	s0 =	sand.u32 $0x1, s1  }
0x8c: {  	s16 =	sshll.u32 s0, $0xA;
	s2 =	sadd.s32 s3, s2  }
0x8d: {  	s2 =	sadd.s32 s2, s16  }
0x8e: {  	[smem:$0x3FB4] =	sst s2  }
0x8f: {  	_ = 	snop  }
0x90: {  	(tm) =	ssettm $0x1  }
0x91: {  	s17 =	sld [smem:$0x3FFB];
	_ =	sdelay $0x3  }
0x92: {  	_ =	strace s17  }
0x93: {  	s2 =	sld [smem:$0x3FFC];
	_ =	sdelay $0x3  }
0x94: {  	_ =	strace s2  }
0x95: {  	s2 =	sld [smem:$0x3FFD];
	_ =	sdelay $0x3  }
0x96: {  	_ =	strace s2  }
0x97: {  	_ =	strace $0x8FFFFFFF  }
0x98: {  	s18 =	sld [smem:$0x3FDB];
	_ =	sdelay $0x1  }
0x99: {  	s19 =	simm.s32 $_scs_section_size  }
0x9a: {  	s4 =	simm.s32 $_size__tile_overlayer_lowered;
	s5 =	simm.s32 $_tile_overlayer_lowered  }
0x9b: {  	s22 =	simm.s32 $0x1BFF;
	s21 =	sshll.u32 s5, $0x1;
	s2 =	sadd.s32 s19, s18  }
0x9c: {  	s6 =	simm.s32 $0x0;
	s20 =	sshll.u32 s4, $0x1;
	s4 =	sadd.s32 s21, s2  }
0x9d: {  	[timem:s6], [sflag:s22] =	dma.local [hbm:s4], s20  }
0x9e: {  	_ =	swait.ge [sflag:s22], s20  }
0x9f: {  	s3 =	ssub.s32 $0x0, s20;
	[sflag:s22] =	ssyncset.done $0x0  }
0xa0: {  	[sflag:s22] =	ssyncadd.s32 s3;
	_ =	sdelay $0x1  }
0xa1: {  	s23 =	simm.s32 $0x1B8B  }
0xa2: {  	_ =	swait.ge [sflag:s23], $0x1  }
0xa3: {  	[sflag:s23] =	ssyncset.done $0x0  }
0xa4: {  	s25 =	simm.s32 $0x1B8E;
	s24 =	sld [smem:$0x3FFE];
	[sflag:s23] =	ssyncadd.s32 $0xFFFFFFFF  }
0xa5: {  	s26 =	simm.s32 $execute0_lowered;
	[smem:$0x3FD2] =	sst s25  }
0xa6: {  	s4 =	sshll.u32 s26, $0x1;
	_ =	strace $0x80000046;
	[dreg:$0x1] =	wrdreg $0xFFFFFFFF  }
0xa7: {  	s28 =	simm.s32 $_size_execute0_lowered;
	s2 =	sadd.s32 s2, s4;
	[dreg:$0x0] =	wrdreg $0x0  }
0xa8: {  	s4 =	sshll.u32 s28, $0x1;
	[dreg:$0x2] =	wrdreg s2  }
0xa9: {  	[dreg:$0x3] =	wrdreg s4  }
0xaa: {  	[dreg:$0x4] =	wrdreg $0xC0  }
0xab: {  	_ =	task [dreg:s6], $0x5FFFF  }
0xac: {  	[dreg:$0x1] =	wrdreg $0xFFFFFFFF  }
0xad: {  	[dreg:$0x0] =	wrdreg $0x60  }
0xae: {  	[dreg:$0x2] =	wrdreg s24  }
0xaf: {  	[dreg:$0x3] =	wrdreg $0x0  }
0xb0: {  	[dreg:$0x4] =	wrdreg $0xA  }
0xb1: {  	_ =	task.clear_ibuf [dreg:s6], $0x5FFFF;
	_ =	strace $0x90000046  }
0xb2: {  	s29 =	simm.s32 $0xA;
	_ =	strace $0x80000048  }
0xb3: {  	_ =	swait.ge [sflag:s29], $0x1  }
0xb4: {  	[sflag:s29] =	ssyncadd.s32 $0xFFFFFFFF  }
0xb5: {  	_ =	strace $0x90000048  }
0xb6: {  	_ =	sfence  }
0xb7: {  	s30 =	sld [smem:$0x0];
	_ =	sdelay $0x2  }
0xb8: {  	s31 =	sshll.u32 s1, $0xD;
	s1 =	sshrl.u32 s1, $0x2  }
0xb9: {  	s3 =	sand.u32 $0x4000, s31;
	s1 =	sadd.s32 s1, s30  }
0xba: {  	s0 =	sor.u32 s3, s0;
	s1 =	sshll.u32 s1, $0x11  }
0xbb: {  	s0 =	sor.u32 s1, s0  }
0xbc: {  	s0 =	sadd.s32 $0x8F2B, s0  }
0xbd: {  	[sflag:s0] =	ssyncadd.remote.s32 $0x1  }
0xbe: {  	_ =	sfence.sel $0xFFFF  }
0xbf: {  	[dreg:$0x0] =	wrdreg $0xFFFFFFFF;
	(pc) =	sbr.abs _section_cstart, $3  }
0xc0: {  	[dreg:$0x1] =	wrdreg $0xFFFFFFFF  }
0xc1: {  	_ =	task.clear_ibuf [dreg:s6], $0x2FFFF;
	_ =	strace $0x9FFFFFFF  }
0xc2: {  	(tm) =	ssettm $0x7FFFFFFF  }
0xc3: {  	_ =	shalt  }
tec
execute0_lowered:
.L_overlay_start_1:
0x0: {  	(tag) =	ssettag $0x1  }
0x1: {  	s0 =	rddreg [dreg:$0x0]  }
0x2: {  	s2 =	rddreg [dreg:$0x1];
	s3 =	simm.s32 $0x0;
	s1 =	srdreg.scid  }
0x3: {  	s13 =	stileid.u32;
	[smem:$0x7FF] =	sst s3;
	s1 =	sand.u32 $0x1, s1  }
0x4: {  	s7 =	smul.u32 $0x2800, s13;
	s4 =	sadd.s32 $0x2F400, s0;
	s5 =	sadd.s32 $0x1B400, s0  }
0x5: {  	s6 =	sadd.s32 $0x7400, s0;
	s11 =	smul.u32 $0x50000, s13;
	s21 =	sshll.u32 s13, $0x6  }
0x6: {  	_ =	strace $0x80000047;
	s8 =	smul.u32 $0x28000, s1;
	s9 =	ssub.s32 $0x2, s1  }
0x7: {  	s1 =	sshll.u32 s1, $0x4;
	s10 =	sshrl.u32 s9, $0x1;
	s20 =	sshrl.u32 s11, $0x2  }
0x8: {  	s1 =	sor.u32 s13, s1;
	s8 =	sadd.s32 s7, s8;
	s7 =	sadd.s32 $0x56800, s0  }
0x9: {  	s12 =	ssub.s32 s9, s10;
	s9 =	sor.u32 $0x1C03, s21;
	s10 =	smul.u32 $0x5000, s1  }
0xa: {  	s0 =	sadd.s32 s8, s0;
	s8 =	sadd.s32 s20, s2;
	s22 =	smax.u32 s12, $0x1  }
0xb: {  	s0 =	sadd.s32 $0x56A00, s0;
	[dreg:$0x4] =	wrdreg s22;
	s23 =	sadd.s32 $0x1000, s8  }
0xc: {  	s24 =	sadd.s32 $0x2000, s8;
	s25 =	sadd.s32 $0x3000, s8;
	s26 =	sadd.s32 $0x4000, s8  }
0xd: {  	s28 =	sadd.s32 $0x5000, s8;
	[dreg:$0x3] =	wrdreg s0;
	s0 =	sshrl.u32 s23, $0x3  }
0xe: {  	s14 =	sadd.s32 $0x6000, s8;
	s1 =	sshrl.u32 s24, $0x3;
	[dreg:$0x5] =	wrdreg s0  }
0xf: {  	s15 =	sadd.s32 $0x7000, s8;
	s11 =	sshrl.u32 s25, $0x3;
	[dreg:$0x6] =	wrdreg s1  }
0x10: {  	s16 =	sadd.s32 $0x8000, s8;
	s12 =	sshrl.u32 s26, $0x3;
	[dreg:$0x7] =	wrdreg s11  }
0x11: {  	s17 =	sadd.s32 $0x9000, s8;
	s13 =	sshrl.u32 s28, $0x3;
	[dreg:$0x8] =	wrdreg s12  }
0x12: {  	s18 =	sadd.s32 $0xA000, s8;
	s14 =	sshrl.u32 s14, $0x3;
	[dreg:$0x9] =	wrdreg s13  }
0x13: {  	s19 =	sadd.s32 $0xB000, s8;
	s15 =	sshrl.u32 s15, $0x3;
	[dreg:$0xa] =	wrdreg s14  }
0x14: {  	s20 =	sadd.s32 $0xC000, s8;
	s16 =	sshrl.u32 s16, $0x3;
	[dreg:$0xb] =	wrdreg s15  }
0x15: {  	s21 =	sadd.s32 $0xD000, s8;
	s17 =	sshrl.u32 s17, $0x3;
	[dreg:$0xc] =	wrdreg s16  }
0x16: {  	s22 =	sadd.s32 $0xE000, s8;
	s18 =	sshrl.u32 s18, $0x3;
	[dreg:$0xd] =	wrdreg s17  }
0x17: {  	s19 =	sshrl.u32 s19, $0x3;
	s20 =	sshrl.u32 s20, $0x3;
	[dreg:$0xe] =	wrdreg s18  }
0x18: {  	s21 =	sshrl.u32 s21, $0x3;
	s23 =	sadd.s32 $0xF000, s8;
	[dreg:$0xf] =	wrdreg s19  }
0x19: {  	s24 =	sadd.s32 $0x10000, s8;
	s25 =	sadd.s32 $0x11000, s8;
	[dreg:$0x10] =	wrdreg s20  }
0x1a: {  	s26 =	sadd.s32 $0x12000, s8;
	s28 =	sadd.s32 $0x13000, s8;
	[dreg:$0x11] =	wrdreg s21  }
0x1b: {  	s0 =	sshrl.u32 s22, $0x3;
	s29 =	sshrl.u32 s24, $0x3;
	s30 =	sshrl.u32 s25, $0x3  }
0x1c: {  	s31 =	sshrl.u32 s26, $0x3;
	s1 =	simm.s32 $0x3;
	s11 =	simm.s32 $0x14000  }
0x1d: {  	s12 =	simm.s32 $0x15000;
	s13 =	simm.s32 $0x50;
	s14 =	simm.s32 $0x16000  }
0x1e: {  	s15 =	simm.s32 $0x14080;
	s16 =	simm.s32 $0x18800;
	s17 =	simm.s32 $0x1  }
0x1f: {  	s18 =	simm.s32 $0x2;
	s19 =	simm.s32 $0x15B00;
	s20 =	simm.s32 $0x14C00  }
0x20: {  	s21 =	simm.s32 $0x15B80;
	[dreg:$0x12] =	wrdreg s0;
	s0 =	sshrl.u32 s23, $0x3  }
0x21: {  	s22 =	simm.s32 $0x15C00;
	[dreg:$0x13] =	wrdreg s0;
	s0 =	sshrl.u32 s28, $0x3  }
.LBB2_1:
0x22: {  	s23 =	sshrl.u32 s8, $0x3  }
0x23: {  	[spmem:s23], [sflag:s9] =	dma.local [hbm:s7], $0x200  }
0x24: {  	_ =	swait.ge [sflag:s1], $0x200  }
0x25: {  	[sflag:s1] =	ssyncset.done $0x0  }
0x26: {  	s24 =	rddreg [dreg:$0x5];
	[sflag:s1] =	ssyncadd.s32 $0xFFFFFE00  }
0x27: {  	[spmem:s24], [sflag:s9] =	dma.local [hbm:s7], $0x200  }
0x28: {  	_ =	swait.ge [sflag:s1], $0x200  }
0x29: {  	[sflag:s1] =	ssyncset.done $0x0  }
0x2a: {  	s26 =	rddreg [dreg:$0x6];
	[sflag:s1] =	ssyncadd.s32 $0xFFFFFE00  }
0x2b: {  	[spmem:s26], [sflag:s9] =	dma.local [hbm:s7], $0x200  }
0x2c: {  	_ =	swait.ge [sflag:s1], $0x200  }
0x2d: {  	[sflag:s1] =	ssyncset.done $0x0  }
0x2e: {  	s28 =	rddreg [dreg:$0x7];
	[sflag:s1] =	ssyncadd.s32 $0xFFFFFE00  }
0x2f: {  	[spmem:s28], [sflag:s9] =	dma.local [hbm:s7], $0x200  }
0x30: {  	_ =	swait.ge [sflag:s1], $0x200  }
0x31: {  	[sflag:s1] =	ssyncset.done $0x0  }
0x32: {  	s25 =	rddreg [dreg:$0x8];
	[sflag:s1] =	ssyncadd.s32 $0xFFFFFE00  }
0x33: {  	[spmem:s25], [sflag:s9] =	dma.local [hbm:s7], $0x200  }
0x34: {  	_ =	swait.ge [sflag:s1], $0x200  }
0x35: {  	[sflag:s1] =	ssyncset.done $0x0  }
0x36: {  	s26 =	rddreg [dreg:$0x9];
	[sflag:s1] =	ssyncadd.s32 $0xFFFFFE00  }
0x37: {  	[spmem:s26], [sflag:s9] =	dma.local [hbm:s7], $0x200  }
0x38: {  	_ =	swait.ge [sflag:s1], $0x200  }
0x39: {  	[sflag:s1] =	ssyncset.done $0x0  }
0x3a: {  	s28 =	rddreg [dreg:$0xa];
	[sflag:s1] =	ssyncadd.s32 $0xFFFFFE00  }
0x3b: {  	[spmem:s28], [sflag:s9] =	dma.local [hbm:s7], $0x200  }
0x3c: {  	_ =	swait.ge [sflag:s1], $0x200  }
0x3d: {  	[sflag:s1] =	ssyncset.done $0x0  }
0x3e: {  	s25 =	rddreg [dreg:$0xb];
	[sflag:s1] =	ssyncadd.s32 $0xFFFFFE00  }
0x3f: {  	[spmem:s25], [sflag:s9] =	dma.local [hbm:s7], $0x200  }
0x40: {  	_ =	swait.ge [sflag:s1], $0x200  }
0x41: {  	[sflag:s1] =	ssyncset.done $0x0  }
0x42: {  	s26 =	rddreg [dreg:$0xc];
	[sflag:s1] =	ssyncadd.s32 $0xFFFFFE00  }
0x43: {  	[spmem:s26], [sflag:s9] =	dma.local [hbm:s7], $0x200  }
0x44: {  	_ =	swait.ge [sflag:s1], $0x200  }
0x45: {  	[sflag:s1] =	ssyncset.done $0x0  }
0x46: {  	s28 =	rddreg [dreg:$0xd];
	[sflag:s1] =	ssyncadd.s32 $0xFFFFFE00  }
0x47: {  	[spmem:s28], [sflag:s9] =	dma.local [hbm:s7], $0x200  }
0x48: {  	_ =	swait.ge [sflag:s1], $0x200  }
0x49: {  	[sflag:s1] =	ssyncset.done $0x0  }
0x4a: {  	s25 =	rddreg [dreg:$0xe];
	[sflag:s1] =	ssyncadd.s32 $0xFFFFFE00  }
0x4b: {  	[spmem:s25], [sflag:s9] =	dma.local [hbm:s7], $0x200  }
0x4c: {  	_ =	swait.ge [sflag:s1], $0x200  }
0x4d: {  	[sflag:s1] =	ssyncset.done $0x0  }
0x4e: {  	s26 =	rddreg [dreg:$0xf];
	[sflag:s1] =	ssyncadd.s32 $0xFFFFFE00  }
0x4f: {  	[spmem:s26], [sflag:s9] =	dma.local [hbm:s7], $0x200  }
0x50: {  	_ =	swait.ge [sflag:s1], $0x200  }
0x51: {  	[sflag:s1] =	ssyncset.done $0x0  }
0x52: {  	s28 =	rddreg [dreg:$0x10];
	[sflag:s1] =	ssyncadd.s32 $0xFFFFFE00  }
0x53: {  	[spmem:s28], [sflag:s9] =	dma.local [hbm:s7], $0x200  }
0x54: {  	_ =	swait.ge [sflag:s1], $0x200  }
0x55: {  	[sflag:s1] =	ssyncset.done $0x0  }
0x56: {  	s25 =	rddreg [dreg:$0x11];
	[sflag:s1] =	ssyncadd.s32 $0xFFFFFE00  }
0x57: {  	[spmem:s25], [sflag:s9] =	dma.local [hbm:s7], $0x200  }
0x58: {  	_ =	swait.ge [sflag:s1], $0x200  }
0x59: {  	[sflag:s1] =	ssyncset.done $0x0  }
0x5a: {  	s26 =	rddreg [dreg:$0x12];
	[sflag:s1] =	ssyncadd.s32 $0xFFFFFE00  }
0x5b: {  	[spmem:s26], [sflag:s9] =	dma.local [hbm:s7], $0x200  }
0x5c: {  	_ =	swait.ge [sflag:s1], $0x200  }
0x5d: {  	[sflag:s1] =	ssyncset.done $0x0  }
0x5e: {  	s28 =	rddreg [dreg:$0x13];
	[sflag:s1] =	ssyncadd.s32 $0xFFFFFE00  }
0x5f: {  	[spmem:s28], [sflag:s9] =	dma.local [hbm:s7], $0x200  }
0x60: {  	_ =	swait.ge [sflag:s1], $0x200  }
0x61: {  	[sflag:s1] =	ssyncset.done $0x0  }
0x62: {  	[sflag:s1] =	ssyncadd.s32 $0xFFFFFE00  }
0x63: {  	[spmem:s29], [sflag:s9] =	dma.local [hbm:s7], $0x200  }
0x64: {  	_ =	swait.ge [sflag:s1], $0x200  }
0x65: {  	[sflag:s1] =	ssyncset.done $0x0  }
0x66: {  	[sflag:s1] =	ssyncadd.s32 $0xFFFFFE00  }
0x67: {  	[spmem:s30], [sflag:s9] =	dma.local [hbm:s7], $0x200  }
0x68: {  	_ =	swait.ge [sflag:s1], $0x200  }
0x69: {  	[sflag:s1] =	ssyncset.done $0x0  }
0x6a: {  	[sflag:s1] =	ssyncadd.s32 $0xFFFFFE00  }
0x6b: {  	[spmem:s31], [sflag:s9] =	dma.local [hbm:s7], $0x200  }
0x6c: {  	_ =	swait.ge [sflag:s1], $0x200  }
0x6d: {  	[sflag:s1] =	ssyncset.done $0x0  }
0x6e: {  	[sflag:s1] =	ssyncadd.s32 $0xFFFFFE00  }
0x6f: {  	[spmem:s0], [sflag:s9] =	dma.local [hbm:s7], $0x200  }
0x70: {  	_ =	swait.ge [sflag:s1], $0x200  }
0x71: {  	[sflag:s1] =	ssyncset.done $0x0  }
0x72: {  	[sflag:s1] =	ssyncadd.s32 $0xFFFFFE00  }
0x73: {  	s24 =	simm.s32 $0x0;
	[bflag:$0x0] =	sbarrier.arrive $0xFFFF  }
.LBB2_2:
0x74: {  	s25 =	sshll.u32 s24, $0xC  }
0x75: {  	s25 =	sadd.s32 s10, s25  }
0x76: {  	s25 =	sshrl.u32 s25, $0x3  }
0x77: {  	s28 =	simm.s32 $0x0;
	s26 =	sadd.s32 s5, s25  }
0x78: {  	[tilespmem:s11], [sflag:$0x3] =	stream.linear.gather [hbm4b:s26+s28], $0xC80, $0x38;
	[tilespmem:$0x1B000] =	vst v63  }
0x79: {  	_ =	swait.ge [sflag:s1], $0xC80  }
0x7a: {  	[sflag:s1] =	ssyncset.done $0x0  }
0x7b: {  	s25 =	sadd.s32 s6, s25;
	[sflag:s1] =	ssyncadd.s32 $0xFFFFF380  }
0x7c: {  	[tilespmem:s12], [sflag:$0x3] =	stream.linear.gather [hbm4b:s25+s28], $0xC80, $0x38;
	[tilespmem:$0x1B000] =	vst v63  }
0x7d: {  	_ =	swait.ge [sflag:s1], $0xC80  }
0x7e: {  	[sflag:s1] =	ssyncset.done $0x0  }
0x7f: {  	[sflag:s1] =	ssyncadd.s32 $0xFFFFF380  }
0x80: {  	[tilespmem:s14], [sflag:$0x1] =	stream.indirect.gather [hbm4b:s4+s13], $0x80, s11, s13, $0xb8;
	[tilespmem:$0x1B000] =	vst v63  }
0x81: {  	_ = 	snop  }
0x82: {  	[tilespmem:s16], [sflag:$0x2] =	stream.indirect.gather [hbm4b:s4+s13], $0x80, s15, s13, $0xb8;
	[tilespmem:$0x1B000] =	vst v63  }
0x83: {  	_ =	swait.ge [sflag:s17], $0x2800  }
0x84: {  	[sflag:s17] =	ssyncset.done $0x0  }
0x85: {  	s28 =	simm.s32 $0x15000;
	[sflag:s17] =	ssyncadd.s32 $0xFFFFD800  }
0x86: {  	[spmem:s2] =	stream.indirect.scatter.add.f32 [tilespmem:s14], [sflag:$0x3], $0x80, s28, s13, $0xb8;
	[tilespmem:$0x1B000] =	vst v63  }
0x87: {  	_ =	swait.ge [sflag:s1], $0x2800  }
0x88: {  	[sflag:s1] =	ssyncset.done $0x0  }
0x89: {  	s26 =	simm.s32 $0x14100;
	[sflag:s1] =	ssyncadd.s32 $0xFFFFD800  }
0x8a: {  	[tilespmem:s14], [sflag:$0x1] =	stream.indirect.gather [hbm4b:s4+s13], $0x80, s26, s13, $0xb8;
	[tilespmem:$0x1B000] =	vst v63  }
0x8b: {  	_ =	swait.ge [sflag:s18], $0x2800  }
0x8c: {  	[sflag:s18] =	ssyncset.done $0x0  }
0x8d: {  	s28 =	simm.s32 $0x15080;
	[sflag:s18] =	ssyncadd.s32 $0xFFFFD800  }
0x8e: {  	[spmem:s2] =	stream.indirect.scatter.add.f32 [tilespmem:s16], [sflag:$0x3], $0x80, s28, s13, $0xb8;
	[tilespmem:$0x1B000] =	vst v63  }
0x8f: {  	_ =	swait.ge [sflag:s1], $0x2800  }
0x90: {  	[sflag:s1] =	ssyncset.done $0x0  }
0x91: {  	s25 =	simm.s32 $0x400;
	s26 =	simm.s32 $0x14180;
	[sflag:s1] =	ssyncadd.s32 $0xFFFFD800  }
.LBB2_3:
0x92: {  	[tilespmem:s16], [sflag:$0x2] =	stream.indirect.gather [hbm4b:s4+s13], $0x80, s26, s13, $0xb8;
	[tilespmem:$0x1B000] =	vst v63  }
0x93: {  	s26 =	smov.u32 s25  }
0x94: {  	p0 =	sne.s32 s25, $0x2800;
	s25 =	sadd.s32 $0x400, s25;
	_ =	swait.ge [sflag:s17], $0x2800  }
0x95: {  	s26 =	sshra.s32 s26, $0x2;
	[sflag:s17] =	ssyncset.done $0x0  }
0x96: {  	s28 =	sadd.s32 $0x15000, s26;
	[sflag:s17] =	ssyncadd.s32 $0xFFFFD800  }
0x97: {  	[spmem:s2] =	stream.indirect.scatter.add.f32 [tilespmem:s14], [sflag:$0x3], $0x80, s28, s13, $0xb8;
	[tilespmem:$0x1B000] =	vst v63  }
0x98: {  	_ =	swait.ge [sflag:s1], $0x2800  }
0x99: {  	[sflag:s1] =	ssyncset.done $0x0  }
0x9a: {  	s28 =	sadd.s32 $0x14100, s26;
	[sflag:s1] =	ssyncadd.s32 $0xFFFFD800  }
0x9b: {  	[tilespmem:s14], [sflag:$0x1] =	stream.indirect.gather [hbm4b:s4+s13], $0x80, s28, s13, $0xb8;
	[tilespmem:$0x1B000] =	vst v63  }
0x9c: {  	_ =	swait.ge [sflag:s18], $0x2800  }
0x9d: {  	[sflag:s18] =	ssyncset.done $0x0  }
.Ltmp0:
0x9e: {  	s28 =	sadd.s32 $0x15080, s26;
	[sflag:s18] =	ssyncadd.s32 $0xFFFFD800;
	(pc) =	sbr.rel @p0 .LBB2_3-.Ltmp0, $4  }
0x9f: {  	[spmem:s2] =	stream.indirect.scatter.add.f32 [tilespmem:s16], [sflag:$0x3], $0x80, s28, s13, $0xb8;
	[tilespmem:$0x1B000] =	vst v63  }
0xa0: {  	_ =	swait.ge [sflag:s1], $0x2800  }
0xa1: {  	[sflag:s1] =	ssyncset.done $0x0  }
0xa2: {  	s26 =	sadd.s32 $0x14180, s26;
	[sflag:s1] =	ssyncadd.s32 $0xFFFFD800  }
0xa3: {  	[tilespmem:s16], [sflag:$0x2] =	stream.indirect.gather [hbm4b:s4+s13], $0x80, s26, s13, $0xb8;
	[tilespmem:$0x1B000] =	vst v63  }
0xa4: {  	_ =	swait.ge [sflag:s17], $0x2800  }
0xa5: {  	[sflag:s17] =	ssyncset.done $0x0  }
0xa6: {  	[sflag:s17] =	ssyncadd.s32 $0xFFFFD800  }
0xa7: {  	[spmem:s2] =	stream.indirect.scatter.add.f32 [tilespmem:s14], [sflag:$0x3], $0x80, s19, s13, $0xb8;
	[tilespmem:$0x1B000] =	vst v63  }
0xa8: {  	_ =	swait.ge [sflag:s1], $0x2800  }
0xa9: {  	[sflag:s1] =	ssyncset.done $0x0  }
0xaa: {  	[sflag:s1] =	ssyncadd.s32 $0xFFFFD800  }
0xab: {  	[tilespmem:s14], [sflag:$0x1] =	stream.indirect.gather [hbm4b:s4+s13], $0x80, s20, s13, $0xb8;
	[tilespmem:$0x1B000] =	vst v63  }
0xac: {  	_ =	swait.ge [sflag:s18], $0x2800  }
0xad: {  	[sflag:s18] =	ssyncset.done $0x0  }
0xae: {  	[sflag:s18] =	ssyncadd.s32 $0xFFFFD800  }
0xaf: {  	[spmem:s2] =	stream.indirect.scatter.add.f32 [tilespmem:s16], [sflag:$0x3], $0x80, s21, s13, $0xb8;
	[tilespmem:$0x1B000] =	vst v63  }
0xb0: {  	_ =	swait.ge [sflag:s1], $0x2800  }
0xb1: {  	[sflag:s1] =	ssyncset.done $0x0  }
0xb2: {  	[sflag:s1] =	ssyncadd.s32 $0xFFFFD800  }
0xb3: {  	s24 =	sadd.s32 $0x1, s24;
	_ =	swait.ge [sflag:s17], $0x2800  }
0xb4: {  	p0 =	sne.s32 s24, $0x5;
	[sflag:s17] =	ssyncset.done $0x0  }
.Ltmp1:
0xb5: {  	[sflag:s17] =	ssyncadd.s32 $0xFFFFD800;
	(pc) =	sbr.rel @p0 .LBB2_2-.Ltmp1, $4  }
0xb6: {  	[spmem:s2] =	stream.indirect.scatter.add.f32 [tilespmem:s14], [sflag:$0x3], $0x80, s22, s13, $0xb8;
	[tilespmem:$0x1B000] =	vst v63  }
0xb7: {  	_ =	swait.ge [sflag:s1], $0x2800  }
0xb8: {  	[sflag:s1] =	ssyncset.done $0x0  }
0xb9: {  	[sflag:s1] =	ssyncadd.s32 $0xFFFFD800  }
0xba: {  	[bflag:$0x0] =	sbarrier.arrive $0xFFFF  }
0xbb: {  	s24 =	rddreg [dreg:$0x3]  }
0xbc: {  	[hbm:s24], [sflag:s9] =	dma.local [spmem:s23], $0x2800  }
0xbd: {  	_ =	swait.ge [sflag:s1], $0x2800  }
0xbe: {  	s3 =	sadd.s32 $0x1, s3;
	s28 =	rddreg [dreg:$0x4]  }
0xbf: {  	p0 =	sne.s32 s3, s28  }
.Ltmp2:
0xc0: {  	_ = 	snop;
	(pc) =	sbr.rel @p0 .LBB2_1-.Ltmp2, $3  }
0xc1: {  	_ =	sdelay $0x1  }
0xc2: {  	[sflag:s1] =	ssyncset.done $0x0  }
0xc3: {  	[sflag:s1] =	ssyncadd.s32 $0xFFFFD800  }
0xc4: {  	_ =	sfence.sel $0x180000  }
0xc5: {  	[bflag:$0x0] =	sbarrier.arrive $0xFFFF  }
0xc6: {  	_ =	strace $0x90000047  }
0xc7: {  	s0 =	stileid.u32;
	[bflag:$0x2] =	sbarrier.arrive $0xFFFF  }
0xc8: {  	p0 =	sne.s32 s0, $0x0;
	s0 =	rddreg [dreg:$0x2]  }
0xc9: {  	s0 =	sadd.s32 @!p0 $0x100000, s0  }
0xca: {  	[sflag:s0] =	ssyncadd.tile.s32 @!p0 $0x1;
	_ =	shalt  }
.Lfunc_end2:
_tile_overlayer_lowered:
.L_overlay_start_2:
0xcb: {  	(tag) =	ssettag $0x2  }
0xcc: {  	s0 =	rddreg [dreg:$0x0];
	s2 =	stileid.u32  }
0xcd: {  	s1 =	rddreg [dreg:$0x1];
	p0 =	sne.s32 s2, $0x0  }
0xce: {  	s3 =	rddreg [dreg:$0x2];
	[bflag:$0x3] =	sbarrier.arrive $0xFFFF;
	s2 =	simm.s32 @!p0 $0x1C03  }
0xcf: {  	[timem:s3], [sflag:s2] =	dma.local @!p0 [hbm:s0], s1  }
0xd0: {  	s0 =	simm.s32 @!p0 $0x3  }
0xd1: {  	_ =	swait.ge @!p0 [sflag:s0], s1  }
0xd2: {  	s1 =	ssub.s32 @!p0 $0x0, s1;
	[sflag:s0] =	ssyncset.done @!p0 $0x0  }
0xd3: {  	[sflag:s0] =	ssyncadd.s32 @!p0 s1  }
0xd4: {  	[bflag:$0x3] =	sbarrier.arrive $0xFFFF  }
0xd5: {  	_ =	shalt  }

// kernel: kernel.18.cloned.1.call-start
scs
__scs_entry_jumppad:
0x0: {  	(pc) =	sbr.rel $0x88, $3  }
0x1: {  	(tag) =	ssettag $0x0;
	lr =	simm.s32 $0x1  }
0x2: {  	[smem:$0x3F8D] =	sst lr;
	_ =	strace $0xD0000000  }
0x3: {  	_ = 	snop  }
0x4: {  	_ = 	snop  }
0x5: {  	_ = 	snop  }
0x6: {  	_ = 	snop  }
0x7: {  	_ = 	snop  }
__scs_overlays_trampoline_lowered:
0x8: {  	[smem:$0x3F9C] =	sst s0  }
0x9: {  	[smem:$0x3F9D] =	sst s1  }
0xa: {  	[smem:$0x3F9E] =	sst s2  }
0xb: {  	[smem:$0x3F9F] =	sst s3  }
0xc: {  	[smem:$0x3FA0] =	sst s4  }
0xd: {  	[smem:$0x3FA1] =	sst s5  }
0xe: {  	[smem:$0x3FA2] =	sst s6  }
0xf: {  	[smem:$0x3FA3] =	sst s7  }
0x10: {  	[smem:$0x3FA4] =	sst s8  }
0x11: {  	[smem:$0x3FA5] =	sst s9;
	s0 =	simm.s32 @!p0 $0x0  }
0x12: {  	s1 =	sld [smem:$0x3F8B];
	s0 =	simm.s32 @p0 $0x1  }
0x13: {  	[smem:$0x3FA6] =	sst s0;
	s0 =	simm.s32 @!p1 $0x0  }
0x14: {  	s2 =	sld [smem:$0x3F8A];
	s0 =	simm.s32 @p1 $0x1  }
0x15: {  	[smem:$0x3FA7] =	sst s0;
	s0 =	simm.s32 @!p2 $0x0  }
0x16: {  	s3 =	sld [smem:$0x3FDB];
	s0 =	simm.s32 @p2 $0x1  }
0x17: {  	s4 =	simm.s32 $0x1BF5;
	[smem:$0x3FA9] =	sst s0  }
0x18: {  	s0 =	sld [smem:$0x3F8C];
	_ =	swait.ge [sflag:s4], $0x0  }
0x19: {  	s7 =	sld [smem:$0x3F8D]  }
0x1a: {  	s8 =	sadd.s32 $0xFFFFE003, lr  }
0x1b: {  	s9 =	sadd.s32 $0xFFFFFEF7, lr;
	s5 =	simm.s32 $0xFFFFFFFF;
	p2 =	slt.u32 s8, $0xFFFFF086  }
0x1c: {  	p1 =	slt.u32 s9, $0xF7A;
	s5 =	simm.s32 @!p2 $0x0  }
0x1d: {  	s5 =	simm.s32 @p1 $0x1;
	p0 =	seq.s32 s7, s2  }
0x1e: {  	s7 =	smul.u32 @!p0 $0xF7A, s2;
	p2 =	seq.s32 @!p0 s5, $0x0  }
0x1f: {  	s9 =	smul.u32 $0xF7A, s1;
	s8 =	simm.s32 @!p0 $0x1BF5;
	p2 =	por !p2, p0  }
0x20: {  	[sflag:s8] =	ssyncset.s32 @!p0 $0xFFFFF086;
	s6 =	sadd.s32 @!p0 s3, s7;
	s7 =	simm.s32 @!p0 $0x108  }
0x21: {  	s3 =	sadd.s32 s3, s9;
	s6 =	sadd.s32 @!p0 $0x88, s6;
	s7 =	simm.s32 @p2 $0x1082  }
0x22: {  	[simem:s7], [sflag:s8] =	dma.local @!p0 [hbm:s6], $0xF7A  }
0x23: {  	s9 =	sor.u32 $0xD0000000, s2;
	s6 =	simm.s32 $0x108;
	_ =	swait.ge @!p0 [sflag:s8], $0x0  }
0x24: {  	s3 =	sadd.s32 $0x88, s3;
	s6 =	simm.s32 @!p1 $0x1082;
	[sflag:s4] =	ssyncset.s32 $0xFFFFF086  }
0x25: {  	[simem:s6], [sflag:s4] =	dma.local [hbm:s3], $0xF7A  }
0x26: {  	[smem:$0x3F8D] =	sst s1;
	(tag) =	ssettag s2;
	_ =	strace s9  }
0x27: {  	s1 =	sld [smem:$0x3F9D]  }
0x28: {  	s2 =	sld [smem:$0x3F9E]  }
0x29: {  	s4 =	sld [smem:$0x3FA0]  }
0x2a: {  	p0 =	seq.s32 s5, $0x0;
	s5 =	sld [smem:$0x3FA1]  }
0x2b: {  	s6 =	sld [smem:$0x3FA2]  }
0x2c: {  	s7 =	sld [smem:$0x3FA3]  }
0x2d: {  	s3 =	simm.s32 $0x108;
	s8 =	sld [smem:$0x3FA4]  }
0x2e: {  	s3 =	simm.s32 @!p0 $0x1082;
	s9 =	sld [smem:$0x3FA5]  }
0x2f: {  	lr =	sadd.s32 s0, s3;
	s0 =	sld [smem:$0x3F9C]  }
0x30: {  	s3 =	sld [smem:$0x3F9F]  }
0x31: {  	[smem:$0x3FA8] =	sst s10  }
0x32: {  	s10 =	sld [smem:$0x3FA6];
	_ =	sdelay $0x3  }
0x33: {  	p0 =	seq.s32 s10, $0x1;
	s10 =	sld [smem:$0x3FA8];
	_ =	sdelay $0x3  }
0x34: {  	[smem:$0x3FA8] =	sst s10  }
0x35: {  	s10 =	sld [smem:$0x3FA7];
	_ =	sdelay $0x3  }
0x36: {  	p1 =	seq.s32 s10, $0x1;
	s10 =	sld [smem:$0x3FA8];
	_ =	sdelay $0x3  }
0x37: {  	[smem:$0x3FA8] =	sst s10  }
0x38: {  	s10 =	sld [smem:$0x3FA9]  }
0x39: {  	_ = 	snop;
	(pc) =	sbr.ind lr, $3  }
0x3a: {  	_ = 	snop  }
0x3b: {  	_ = 	snop  }
0x3c: {  	p2 =	seq.s32 s10, $0x1;
	s10 =	sld [smem:$0x3FA8]  }
0x3d: {  	_ =	shalt  }
0x3e: {  	_ =	shalt  }
0x3f: {  	_ =	shalt  }
0x40: {  	_ =	shalt  }
0x41: {  	_ =	shalt  }
0x42: {  	_ =	shalt  }
0x43: {  	_ =	shalt  }
0x44: {  	_ =	shalt  }
0x45: {  	_ =	shalt  }
0x46: {  	_ =	shalt  }
0x47: {  	_ =	shalt  }
0x48: {  	_ =	shalt  }
0x49: {  	_ =	shalt  }
0x4a: {  	_ =	shalt  }
0x4b: {  	_ =	shalt  }
0x4c: {  	_ =	shalt  }
0x4d: {  	_ =	shalt  }
0x4e: {  	_ =	shalt  }
0x4f: {  	_ =	shalt  }
0x50: {  	_ =	shalt  }
0x51: {  	_ =	shalt  }
0x52: {  	_ =	shalt  }
0x53: {  	_ =	shalt  }
0x54: {  	_ =	shalt  }
0x55: {  	_ =	shalt  }
0x56: {  	_ =	shalt  }
0x57: {  	_ =	shalt  }
0x58: {  	_ =	shalt  }
0x59: {  	_ =	shalt  }
0x5a: {  	_ =	shalt  }
0x5b: {  	_ =	shalt  }
0x5c: {  	_ =	shalt  }
0x5d: {  	_ =	shalt  }
0x5e: {  	_ =	shalt  }
0x5f: {  	_ =	shalt  }
0x60: {  	_ =	shalt  }
0x61: {  	_ =	shalt  }
0x62: {  	_ =	shalt  }
0x63: {  	_ =	shalt  }
0x64: {  	_ =	shalt  }
0x65: {  	_ =	shalt  }
0x66: {  	_ =	shalt  }
0x67: {  	_ =	shalt  }
0x68: {  	_ =	shalt  }
0x69: {  	_ =	shalt  }
0x6a: {  	_ =	shalt  }
0x6b: {  	_ =	shalt  }
0x6c: {  	_ =	shalt  }
0x6d: {  	_ =	shalt  }
0x6e: {  	_ =	shalt  }
0x6f: {  	_ =	shalt  }
0x70: {  	_ =	shalt  }
0x71: {  	_ =	shalt  }
0x72: {  	_ =	shalt  }
0x73: {  	_ =	shalt  }
0x74: {  	_ =	shalt  }
0x75: {  	_ =	shalt  }
0x76: {  	_ =	shalt  }
0x77: {  	_ =	shalt  }
0x78: {  	_ =	shalt  }
0x79: {  	_ =	shalt  }
0x7a: {  	_ =	shalt  }
0x7b: {  	_ =	shalt  }
0x7c: {  	_ =	shalt  }
0x7d: {  	_ =	shalt  }
0x7e: {  	_ =	shalt  }
0x7f: {  	_ =	shalt  }
0x80: {  	_ =	shalt  }
0x81: {  	_ =	shalt  }
0x82: {  	_ =	shalt  }
0x83: {  	_ =	shalt  }
0x84: {  	_ =	shalt  }
0x85: {  	_ =	shalt  }
0x86: {  	_ =	shalt  }
0x87: {  	_ =	shalt  }
.Lfunc_end0:
.L_simem_size_0:
called_computation.2_lowered:
.L_overlay_start_0:
0x88: {  	s2 =	sld [smem:$0x3FD9]  }
0x89: {  	s3 =	sld [smem:$0x3FFE];
	_ =	sdelay $0x1  }
0x8a: {  	s1 =	srdreg.scid  }
0x8b: {  	s0 =	sand.u32 $0x1, s1  }
0x8c: {  	s16 =	sshll.u32 s0, $0xA;
	s2 =	sadd.s32 s3, s2  }
0x8d: {  	s2 =	sadd.s32 s2, s16  }
0x8e: {  	[smem:$0x3FB4] =	sst s2  }
0x8f: {  	_ = 	snop  }
0x90: {  	(tm) =	ssettm $0x1  }
0x91: {  	s17 =	sld [smem:$0x3FFB];
	_ =	sdelay $0x3  }
0x92: {  	_ =	strace s17  }
0x93: {  	s2 =	sld [smem:$0x3FFC];
	_ =	sdelay $0x3  }
0x94: {  	_ =	strace s2  }
0x95: {  	s2 =	sld [smem:$0x3FFD];
	_ =	sdelay $0x3  }
0x96: {  	_ =	strace s2  }
0x97: {  	_ =	strace $0x8FFFFFFF  }
0x98: {  	s18 =	sld [smem:$0x3FDB];
	_ =	sdelay $0x1  }
0x99: {  	s19 =	simm.s32 $_scs_section_size  }
0x9a: {  	s4 =	simm.s32 $_size__tile_overlayer_lowered;
	s5 =	simm.s32 $_tile_overlayer_lowered  }
0x9b: {  	s22 =	simm.s32 $0x1BFF;
	s21 =	sshll.u32 s5, $0x1;
	s2 =	sadd.s32 s19, s18  }
0x9c: {  	s6 =	simm.s32 $0x0;
	s20 =	sshll.u32 s4, $0x1;
	s4 =	sadd.s32 s21, s2  }
0x9d: {  	[timem:s6], [sflag:s22] =	dma.local [hbm:s4], s20  }
0x9e: {  	_ =	swait.ge [sflag:s22], s20  }
0x9f: {  	s3 =	ssub.s32 $0x0, s20;
	[sflag:s22] =	ssyncset.done $0x0  }
0xa0: {  	[sflag:s22] =	ssyncadd.s32 s3;
	_ =	sdelay $0x1  }
0xa1: {  	s23 =	simm.s32 $0x1B8B  }
0xa2: {  	_ =	swait.ge [sflag:s23], $0x1  }
0xa3: {  	[sflag:s23] =	ssyncset.done $0x0  }
0xa4: {  	s25 =	simm.s32 $0x1B8E;
	s24 =	sld [smem:$0x3FFE];
	[sflag:s23] =	ssyncadd.s32 $0xFFFFFFFF  }
0xa5: {  	s26 =	simm.s32 $execute0_lowered;
	[smem:$0x3FD2] =	sst s25  }
0xa6: {  	s4 =	sshll.u32 s26, $0x1;
	_ =	strace $0x8000004C;
	[dreg:$0x1] =	wrdreg $0xFFFFFFFF  }
0xa7: {  	s28 =	simm.s32 $_size_execute0_lowered;
	s2 =	sadd.s32 s2, s4;
	[dreg:$0x0] =	wrdreg $0x0  }
0xa8: {  	s4 =	sshll.u32 s28, $0x1;
	[dreg:$0x2] =	wrdreg s2  }
0xa9: {  	[dreg:$0x3] =	wrdreg s4  }
0xaa: {  	[dreg:$0x4] =	wrdreg $0xC0  }
0xab: {  	_ =	task [dreg:s6], $0x5FFFF  }
0xac: {  	[dreg:$0x1] =	wrdreg $0xFFFFFFFF  }
0xad: {  	[dreg:$0x0] =	wrdreg $0x60  }
0xae: {  	[dreg:$0x2] =	wrdreg s24  }
0xaf: {  	[dreg:$0x3] =	wrdreg $0x0  }
0xb0: {  	[dreg:$0x4] =	wrdreg $0x9  }
0xb1: {  	_ =	task.clear_ibuf [dreg:s6], $0x5FFFF;
	_ =	strace $0x9000004C  }
0xb2: {  	s29 =	simm.s32 $0x9;
	_ =	strace $0x8000004E  }
0xb3: {  	_ =	swait.ge [sflag:s29], $0x1  }
0xb4: {  	[sflag:s29] =	ssyncadd.s32 $0xFFFFFFFF  }
0xb5: {  	_ =	strace $0x9000004E  }
0xb6: {  	_ =	sfence  }
0xb7: {  	s30 =	sld [smem:$0x0];
	_ =	sdelay $0x2  }
0xb8: {  	s31 =	sshll.u32 s1, $0xD;
	s1 =	sshrl.u32 s1, $0x2  }
0xb9: {  	s3 =	sand.u32 $0x4000, s31;
	s1 =	sadd.s32 s1, s30  }
0xba: {  	s0 =	sor.u32 s3, s0;
	s1 =	sshll.u32 s1, $0x11  }
0xbb: {  	s0 =	sor.u32 s1, s0  }
0xbc: {  	s0 =	sadd.s32 $0x8F2B, s0  }
0xbd: {  	[sflag:s0] =	ssyncadd.remote.s32 $0x1  }
0xbe: {  	_ =	sfence.sel $0xFFFF  }
0xbf: {  	[dreg:$0x0] =	wrdreg $0xFFFFFFFF;
	(pc) =	sbr.abs _section_cstart, $3  }
0xc0: {  	[dreg:$0x1] =	wrdreg $0xFFFFFFFF  }
0xc1: {  	_ =	task.clear_ibuf [dreg:s6], $0x2FFFF;
	_ =	strace $0x9FFFFFFF  }
0xc2: {  	(tm) =	ssettm $0x7FFFFFFF  }
0xc3: {  	_ =	shalt  }
tec
execute0_lowered:
.L_overlay_start_1:
0x0: {  	(tag) =	ssettag $0x1  }
0x1: {  	s0 =	rddreg [dreg:$0x0]  }
0x2: {  	s2 =	rddreg [dreg:$0x1];
	s3 =	simm.s32 $0x0;
	s1 =	srdreg.scid  }
0x3: {  	s13 =	stileid.u32;
	[smem:$0x7FF] =	sst s3;
	s1 =	sand.u32 $0x1, s1  }
0x4: {  	s7 =	smul.u32 $0x2800, s13;
	s4 =	sadd.s32 $0x2F400, s0;
	s5 =	sadd.s32 $0x1B400, s0  }
0x5: {  	s6 =	sadd.s32 $0x7400, s0;
	s11 =	smul.u32 $0x50000, s13;
	s21 =	sshll.u32 s13, $0x6  }
0x6: {  	_ =	strace $0x8000004D;
	s8 =	smul.u32 $0x28000, s1;
	s9 =	ssub.s32 $0x2, s1  }
0x7: {  	s1 =	sshll.u32 s1, $0x4;
	s10 =	sshrl.u32 s9, $0x1;
	s20 =	sshrl.u32 s11, $0x2  }
0x8: {  	s1 =	sor.u32 s13, s1;
	s8 =	sadd.s32 s7, s8;
	s7 =	sadd.s32 $0x56800, s0  }
0x9: {  	s12 =	ssub.s32 s9, s10;
	s9 =	sor.u32 $0x1C03, s21;
	s10 =	smul.u32 $0x5000, s1  }
0xa: {  	s0 =	sadd.s32 s8, s0;
	s8 =	sadd.s32 s20, s2;
	s22 =	smax.u32 s12, $0x1  }
0xb: {  	s0 =	sadd.s32 $0xA4C00, s0;
	[dreg:$0x4] =	wrdreg s22;
	s23 =	sadd.s32 $0x1000, s8  }
0xc: {  	s24 =	sadd.s32 $0x2000, s8;
	s25 =	sadd.s32 $0x3000, s8;
	s26 =	sadd.s32 $0x4000, s8  }
0xd: {  	s28 =	sadd.s32 $0x5000, s8;
	[dreg:$0x3] =	wrdreg s0;
	s0 =	sshrl.u32 s23, $0x3  }
0xe: {  	s14 =	sadd.s32 $0x6000, s8;
	s1 =	sshrl.u32 s24, $0x3;
	[dreg:$0x5] =	wrdreg s0  }
0xf: {  	s15 =	sadd.s32 $0x7000, s8;
	s11 =	sshrl.u32 s25, $0x3;
	[dreg:$0x6] =	wrdreg s1  }
0x10: {  	s16 =	sadd.s32 $0x8000, s8;
	s12 =	sshrl.u32 s26, $0x3;
	[dreg:$0x7] =	wrdreg s11  }
0x11: {  	s17 =	sadd.s32 $0x9000, s8;
	s13 =	sshrl.u32 s28, $0x3;
	[dreg:$0x8] =	wrdreg s12  }
0x12: {  	s18 =	sadd.s32 $0xA000, s8;
	s14 =	sshrl.u32 s14, $0x3;
	[dreg:$0x9] =	wrdreg s13  }
0x13: {  	s19 =	sadd.s32 $0xB000, s8;
	s15 =	sshrl.u32 s15, $0x3;
	[dreg:$0xa] =	wrdreg s14  }
0x14: {  	s20 =	sadd.s32 $0xC000, s8;
	s16 =	sshrl.u32 s16, $0x3;
	[dreg:$0xb] =	wrdreg s15  }
0x15: {  	s21 =	sadd.s32 $0xD000, s8;
	s17 =	sshrl.u32 s17, $0x3;
	[dreg:$0xc] =	wrdreg s16  }
0x16: {  	s22 =	sadd.s32 $0xE000, s8;
	s18 =	sshrl.u32 s18, $0x3;
	[dreg:$0xd] =	wrdreg s17  }
0x17: {  	s19 =	sshrl.u32 s19, $0x3;
	s20 =	sshrl.u32 s20, $0x3;
	[dreg:$0xe] =	wrdreg s18  }
0x18: {  	s21 =	sshrl.u32 s21, $0x3;
	s23 =	sadd.s32 $0xF000, s8;
	[dreg:$0xf] =	wrdreg s19  }
0x19: {  	s24 =	sadd.s32 $0x10000, s8;
	s25 =	sadd.s32 $0x11000, s8;
	[dreg:$0x10] =	wrdreg s20  }
0x1a: {  	s26 =	sadd.s32 $0x12000, s8;
	s28 =	sadd.s32 $0x13000, s8;
	[dreg:$0x11] =	wrdreg s21  }
0x1b: {  	s0 =	sshrl.u32 s22, $0x3;
	s29 =	sshrl.u32 s24, $0x3;
	s30 =	sshrl.u32 s25, $0x3  }
0x1c: {  	s31 =	sshrl.u32 s26, $0x3;
	s1 =	simm.s32 $0x3;
	s11 =	simm.s32 $0x14000  }
0x1d: {  	s12 =	simm.s32 $0x15000;
	s13 =	simm.s32 $0x50;
	s14 =	simm.s32 $0x16000  }
0x1e: {  	s15 =	simm.s32 $0x14080;
	s16 =	simm.s32 $0x18800;
	s17 =	simm.s32 $0x1  }
0x1f: {  	s18 =	simm.s32 $0x2;
	s19 =	simm.s32 $0x15B00;
	s20 =	simm.s32 $0x14C00  }
0x20: {  	s21 =	simm.s32 $0x15B80;
	[dreg:$0x12] =	wrdreg s0;
	s0 =	sshrl.u32 s23, $0x3  }
0x21: {  	s22 =	simm.s32 $0x15C00;
	[dreg:$0x13] =	wrdreg s0;
	s0 =	sshrl.u32 s28, $0x3  }
.LBB2_1:
0x22: {  	s23 =	sshrl.u32 s8, $0x3  }
0x23: {  	[spmem:s23], [sflag:s9] =	dma.local [hbm:s7], $0x200  }
0x24: {  	_ =	swait.ge [sflag:s1], $0x200  }
0x25: {  	[sflag:s1] =	ssyncset.done $0x0  }
0x26: {  	s24 =	rddreg [dreg:$0x5];
	[sflag:s1] =	ssyncadd.s32 $0xFFFFFE00  }
0x27: {  	[spmem:s24], [sflag:s9] =	dma.local [hbm:s7], $0x200  }
0x28: {  	_ =	swait.ge [sflag:s1], $0x200  }
0x29: {  	[sflag:s1] =	ssyncset.done $0x0  }
0x2a: {  	s26 =	rddreg [dreg:$0x6];
	[sflag:s1] =	ssyncadd.s32 $0xFFFFFE00  }
0x2b: {  	[spmem:s26], [sflag:s9] =	dma.local [hbm:s7], $0x200  }
0x2c: {  	_ =	swait.ge [sflag:s1], $0x200  }
0x2d: {  	[sflag:s1] =	ssyncset.done $0x0  }
0x2e: {  	s28 =	rddreg [dreg:$0x7];
	[sflag:s1] =	ssyncadd.s32 $0xFFFFFE00  }
0x2f: {  	[spmem:s28], [sflag:s9] =	dma.local [hbm:s7], $0x200  }
0x30: {  	_ =	swait.ge [sflag:s1], $0x200  }
0x31: {  	[sflag:s1] =	ssyncset.done $0x0  }
0x32: {  	s25 =	rddreg [dreg:$0x8];
	[sflag:s1] =	ssyncadd.s32 $0xFFFFFE00  }
0x33: {  	[spmem:s25], [sflag:s9] =	dma.local [hbm:s7], $0x200  }
0x34: {  	_ =	swait.ge [sflag:s1], $0x200  }
0x35: {  	[sflag:s1] =	ssyncset.done $0x0  }
0x36: {  	s26 =	rddreg [dreg:$0x9];
	[sflag:s1] =	ssyncadd.s32 $0xFFFFFE00  }
0x37: {  	[spmem:s26], [sflag:s9] =	dma.local [hbm:s7], $0x200  }
0x38: {  	_ =	swait.ge [sflag:s1], $0x200  }
0x39: {  	[sflag:s1] =	ssyncset.done $0x0  }
0x3a: {  	s28 =	rddreg [dreg:$0xa];
	[sflag:s1] =	ssyncadd.s32 $0xFFFFFE00  }
0x3b: {  	[spmem:s28], [sflag:s9] =	dma.local [hbm:s7], $0x200  }
0x3c: {  	_ =	swait.ge [sflag:s1], $0x200  }
0x3d: {  	[sflag:s1] =	ssyncset.done $0x0  }
0x3e: {  	s25 =	rddreg [dreg:$0xb];
	[sflag:s1] =	ssyncadd.s32 $0xFFFFFE00  }
0x3f: {  	[spmem:s25], [sflag:s9] =	dma.local [hbm:s7], $0x200  }
0x40: {  	_ =	swait.ge [sflag:s1], $0x200  }
0x41: {  	[sflag:s1] =	ssyncset.done $0x0  }
0x42: {  	s26 =	rddreg [dreg:$0xc];
	[sflag:s1] =	ssyncadd.s32 $0xFFFFFE00  }
0x43: {  	[spmem:s26], [sflag:s9] =	dma.local [hbm:s7], $0x200  }
0x44: {  	_ =	swait.ge [sflag:s1], $0x200  }
0x45: {  	[sflag:s1] =	ssyncset.done $0x0  }
0x46: {  	s28 =	rddreg [dreg:$0xd];
	[sflag:s1] =	ssyncadd.s32 $0xFFFFFE00  }
0x47: {  	[spmem:s28], [sflag:s9] =	dma.local [hbm:s7], $0x200  }
0x48: {  	_ =	swait.ge [sflag:s1], $0x200  }
0x49: {  	[sflag:s1] =	ssyncset.done $0x0  }
0x4a: {  	s25 =	rddreg [dreg:$0xe];
	[sflag:s1] =	ssyncadd.s32 $0xFFFFFE00  }
0x4b: {  	[spmem:s25], [sflag:s9] =	dma.local [hbm:s7], $0x200  }
0x4c: {  	_ =	swait.ge [sflag:s1], $0x200  }
0x4d: {  	[sflag:s1] =	ssyncset.done $0x0  }
0x4e: {  	s26 =	rddreg [dreg:$0xf];
	[sflag:s1] =	ssyncadd.s32 $0xFFFFFE00  }
0x4f: {  	[spmem:s26], [sflag:s9] =	dma.local [hbm:s7], $0x200  }
0x50: {  	_ =	swait.ge [sflag:s1], $0x200  }
0x51: {  	[sflag:s1] =	ssyncset.done $0x0  }
0x52: {  	s28 =	rddreg [dreg:$0x10];
	[sflag:s1] =	ssyncadd.s32 $0xFFFFFE00  }
0x53: {  	[spmem:s28], [sflag:s9] =	dma.local [hbm:s7], $0x200  }
0x54: {  	_ =	swait.ge [sflag:s1], $0x200  }
0x55: {  	[sflag:s1] =	ssyncset.done $0x0  }
0x56: {  	s25 =	rddreg [dreg:$0x11];
	[sflag:s1] =	ssyncadd.s32 $0xFFFFFE00  }
0x57: {  	[spmem:s25], [sflag:s9] =	dma.local [hbm:s7], $0x200  }
0x58: {  	_ =	swait.ge [sflag:s1], $0x200  }
0x59: {  	[sflag:s1] =	ssyncset.done $0x0  }
0x5a: {  	s26 =	rddreg [dreg:$0x12];
	[sflag:s1] =	ssyncadd.s32 $0xFFFFFE00  }
0x5b: {  	[spmem:s26], [sflag:s9] =	dma.local [hbm:s7], $0x200  }
0x5c: {  	_ =	swait.ge [sflag:s1], $0x200  }
0x5d: {  	[sflag:s1] =	ssyncset.done $0x0  }
0x5e: {  	s28 =	rddreg [dreg:$0x13];
	[sflag:s1] =	ssyncadd.s32 $0xFFFFFE00  }
0x5f: {  	[spmem:s28], [sflag:s9] =	dma.local [hbm:s7], $0x200  }
0x60: {  	_ =	swait.ge [sflag:s1], $0x200  }
0x61: {  	[sflag:s1] =	ssyncset.done $0x0  }
0x62: {  	[sflag:s1] =	ssyncadd.s32 $0xFFFFFE00  }
0x63: {  	[spmem:s29], [sflag:s9] =	dma.local [hbm:s7], $0x200  }
0x64: {  	_ =	swait.ge [sflag:s1], $0x200  }
0x65: {  	[sflag:s1] =	ssyncset.done $0x0  }
0x66: {  	[sflag:s1] =	ssyncadd.s32 $0xFFFFFE00  }
0x67: {  	[spmem:s30], [sflag:s9] =	dma.local [hbm:s7], $0x200  }
0x68: {  	_ =	swait.ge [sflag:s1], $0x200  }
0x69: {  	[sflag:s1] =	ssyncset.done $0x0  }
0x6a: {  	[sflag:s1] =	ssyncadd.s32 $0xFFFFFE00  }
0x6b: {  	[spmem:s31], [sflag:s9] =	dma.local [hbm:s7], $0x200  }
0x6c: {  	_ =	swait.ge [sflag:s1], $0x200  }
0x6d: {  	[sflag:s1] =	ssyncset.done $0x0  }
0x6e: {  	[sflag:s1] =	ssyncadd.s32 $0xFFFFFE00  }
0x6f: {  	[spmem:s0], [sflag:s9] =	dma.local [hbm:s7], $0x200  }
0x70: {  	_ =	swait.ge [sflag:s1], $0x200  }
0x71: {  	[sflag:s1] =	ssyncset.done $0x0  }
0x72: {  	[sflag:s1] =	ssyncadd.s32 $0xFFFFFE00  }
0x73: {  	s24 =	simm.s32 $0x0;
	[bflag:$0x0] =	sbarrier.arrive $0xFFFF  }
.LBB2_2:
0x74: {  	s25 =	sshll.u32 s24, $0xC  }
0x75: {  	s25 =	sadd.s32 s10, s25  }
0x76: {  	s25 =	sshrl.u32 s25, $0x3  }
0x77: {  	s28 =	simm.s32 $0x0;
	s26 =	sadd.s32 s5, s25  }
0x78: {  	[tilespmem:s11], [sflag:$0x3] =	stream.linear.gather [hbm4b:s26+s28], $0xC80, $0x38;
	[tilespmem:$0x1B000] =	vst v63  }
0x79: {  	_ =	swait.ge [sflag:s1], $0xC80  }
0x7a: {  	[sflag:s1] =	ssyncset.done $0x0  }
0x7b: {  	s25 =	sadd.s32 s6, s25;
	[sflag:s1] =	ssyncadd.s32 $0xFFFFF380  }
0x7c: {  	[tilespmem:s12], [sflag:$0x3] =	stream.linear.gather [hbm4b:s25+s28], $0xC80, $0x38;
	[tilespmem:$0x1B000] =	vst v63  }
0x7d: {  	_ =	swait.ge [sflag:s1], $0xC80  }
0x7e: {  	[sflag:s1] =	ssyncset.done $0x0  }
0x7f: {  	[sflag:s1] =	ssyncadd.s32 $0xFFFFF380  }
0x80: {  	[tilespmem:s14], [sflag:$0x1] =	stream.indirect.gather [hbm4b:s4+s13], $0x80, s11, s13, $0xb8;
	[tilespmem:$0x1B000] =	vst v63  }
0x81: {  	_ = 	snop  }
0x82: {  	[tilespmem:s16], [sflag:$0x2] =	stream.indirect.gather [hbm4b:s4+s13], $0x80, s15, s13, $0xb8;
	[tilespmem:$0x1B000] =	vst v63  }
0x83: {  	_ =	swait.ge [sflag:s17], $0x2800  }
0x84: {  	[sflag:s17] =	ssyncset.done $0x0  }
0x85: {  	s28 =	simm.s32 $0x15000;
	[sflag:s17] =	ssyncadd.s32 $0xFFFFD800  }
0x86: {  	[spmem:s2] =	stream.indirect.scatter.add.f32 [tilespmem:s14], [sflag:$0x3], $0x80, s28, s13, $0xb8;
	[tilespmem:$0x1B000] =	vst v63  }
0x87: {  	_ =	swait.ge [sflag:s1], $0x2800  }
0x88: {  	[sflag:s1] =	ssyncset.done $0x0  }
0x89: {  	s26 =	simm.s32 $0x14100;
	[sflag:s1] =	ssyncadd.s32 $0xFFFFD800  }
0x8a: {  	[tilespmem:s14], [sflag:$0x1] =	stream.indirect.gather [hbm4b:s4+s13], $0x80, s26, s13, $0xb8;
	[tilespmem:$0x1B000] =	vst v63  }
0x8b: {  	_ =	swait.ge [sflag:s18], $0x2800  }
0x8c: {  	[sflag:s18] =	ssyncset.done $0x0  }
0x8d: {  	s28 =	simm.s32 $0x15080;
	[sflag:s18] =	ssyncadd.s32 $0xFFFFD800  }
0x8e: {  	[spmem:s2] =	stream.indirect.scatter.add.f32 [tilespmem:s16], [sflag:$0x3], $0x80, s28, s13, $0xb8;
	[tilespmem:$0x1B000] =	vst v63  }
0x8f: {  	_ =	swait.ge [sflag:s1], $0x2800  }
0x90: {  	[sflag:s1] =	ssyncset.done $0x0  }
0x91: {  	s25 =	simm.s32 $0x400;
	s26 =	simm.s32 $0x14180;
	[sflag:s1] =	ssyncadd.s32 $0xFFFFD800  }
.LBB2_3:
0x92: {  	[tilespmem:s16], [sflag:$0x2] =	stream.indirect.gather [hbm4b:s4+s13], $0x80, s26, s13, $0xb8;
	[tilespmem:$0x1B000] =	vst v63  }
0x93: {  	s26 =	smov.u32 s25  }
0x94: {  	p0 =	sne.s32 s25, $0x2800;
	s25 =	sadd.s32 $0x400, s25;
	_ =	swait.ge [sflag:s17], $0x2800  }
0x95: {  	s26 =	sshra.s32 s26, $0x2;
	[sflag:s17] =	ssyncset.done $0x0  }
0x96: {  	s28 =	sadd.s32 $0x15000, s26;
	[sflag:s17] =	ssyncadd.s32 $0xFFFFD800  }
0x97: {  	[spmem:s2] =	stream.indirect.scatter.add.f32 [tilespmem:s14], [sflag:$0x3], $0x80, s28, s13, $0xb8;
	[tilespmem:$0x1B000] =	vst v63  }
0x98: {  	_ =	swait.ge [sflag:s1], $0x2800  }
0x99: {  	[sflag:s1] =	ssyncset.done $0x0  }
0x9a: {  	s28 =	sadd.s32 $0x14100, s26;
	[sflag:s1] =	ssyncadd.s32 $0xFFFFD800  }
0x9b: {  	[tilespmem:s14], [sflag:$0x1] =	stream.indirect.gather [hbm4b:s4+s13], $0x80, s28, s13, $0xb8;
	[tilespmem:$0x1B000] =	vst v63  }
0x9c: {  	_ =	swait.ge [sflag:s18], $0x2800  }
0x9d: {  	[sflag:s18] =	ssyncset.done $0x0  }
.Ltmp0:
0x9e: {  	s28 =	sadd.s32 $0x15080, s26;
	[sflag:s18] =	ssyncadd.s32 $0xFFFFD800;
	(pc) =	sbr.rel @p0 .LBB2_3-.Ltmp0, $4  }
0x9f: {  	[spmem:s2] =	stream.indirect.scatter.add.f32 [tilespmem:s16], [sflag:$0x3], $0x80, s28, s13, $0xb8;
	[tilespmem:$0x1B000] =	vst v63  }
0xa0: {  	_ =	swait.ge [sflag:s1], $0x2800  }
0xa1: {  	[sflag:s1] =	ssyncset.done $0x0  }
0xa2: {  	s26 =	sadd.s32 $0x14180, s26;
	[sflag:s1] =	ssyncadd.s32 $0xFFFFD800  }
0xa3: {  	[tilespmem:s16], [sflag:$0x2] =	stream.indirect.gather [hbm4b:s4+s13], $0x80, s26, s13, $0xb8;
	[tilespmem:$0x1B000] =	vst v63  }
0xa4: {  	_ =	swait.ge [sflag:s17], $0x2800  }
0xa5: {  	[sflag:s17] =	ssyncset.done $0x0  }
0xa6: {  	[sflag:s17] =	ssyncadd.s32 $0xFFFFD800  }
0xa7: {  	[spmem:s2] =	stream.indirect.scatter.add.f32 [tilespmem:s14], [sflag:$0x3], $0x80, s19, s13, $0xb8;
	[tilespmem:$0x1B000] =	vst v63  }
0xa8: {  	_ =	swait.ge [sflag:s1], $0x2800  }
0xa9: {  	[sflag:s1] =	ssyncset.done $0x0  }
0xaa: {  	[sflag:s1] =	ssyncadd.s32 $0xFFFFD800  }
0xab: {  	[tilespmem:s14], [sflag:$0x1] =	stream.indirect.gather [hbm4b:s4+s13], $0x80, s20, s13, $0xb8;
	[tilespmem:$0x1B000] =	vst v63  }
0xac: {  	_ =	swait.ge [sflag:s18], $0x2800  }
0xad: {  	[sflag:s18] =	ssyncset.done $0x0  }
0xae: {  	[sflag:s18] =	ssyncadd.s32 $0xFFFFD800  }
0xaf: {  	[spmem:s2] =	stream.indirect.scatter.add.f32 [tilespmem:s16], [sflag:$0x3], $0x80, s21, s13, $0xb8;
	[tilespmem:$0x1B000] =	vst v63  }
0xb0: {  	_ =	swait.ge [sflag:s1], $0x2800  }
0xb1: {  	[sflag:s1] =	ssyncset.done $0x0  }
0xb2: {  	[sflag:s1] =	ssyncadd.s32 $0xFFFFD800  }
0xb3: {  	s24 =	sadd.s32 $0x1, s24;
	_ =	swait.ge [sflag:s17], $0x2800  }
0xb4: {  	p0 =	sne.s32 s24, $0x5;
	[sflag:s17] =	ssyncset.done $0x0  }
.Ltmp1:
0xb5: {  	[sflag:s17] =	ssyncadd.s32 $0xFFFFD800;
	(pc) =	sbr.rel @p0 .LBB2_2-.Ltmp1, $4  }
0xb6: {  	[spmem:s2] =	stream.indirect.scatter.add.f32 [tilespmem:s14], [sflag:$0x3], $0x80, s22, s13, $0xb8;
	[tilespmem:$0x1B000] =	vst v63  }
0xb7: {  	_ =	swait.ge [sflag:s1], $0x2800  }
0xb8: {  	[sflag:s1] =	ssyncset.done $0x0  }
0xb9: {  	[sflag:s1] =	ssyncadd.s32 $0xFFFFD800  }
0xba: {  	[bflag:$0x0] =	sbarrier.arrive $0xFFFF  }
0xbb: {  	s24 =	rddreg [dreg:$0x3]  }
0xbc: {  	[hbm:s24], [sflag:s9] =	dma.local [spmem:s23], $0x2800  }
0xbd: {  	_ =	swait.ge [sflag:s1], $0x2800  }
0xbe: {  	s3 =	sadd.s32 $0x1, s3;
	s28 =	rddreg [dreg:$0x4]  }
0xbf: {  	p0 =	sne.s32 s3, s28  }
.Ltmp2:
0xc0: {  	_ = 	snop;
	(pc) =	sbr.rel @p0 .LBB2_1-.Ltmp2, $3  }
0xc1: {  	_ =	sdelay $0x1  }
0xc2: {  	[sflag:s1] =	ssyncset.done $0x0  }
0xc3: {  	[sflag:s1] =	ssyncadd.s32 $0xFFFFD800  }
0xc4: {  	_ =	sfence.sel $0x180000  }
0xc5: {  	[bflag:$0x0] =	sbarrier.arrive $0xFFFF  }
0xc6: {  	_ =	strace $0x9000004D  }
0xc7: {  	s0 =	stileid.u32;
	[bflag:$0x2] =	sbarrier.arrive $0xFFFF  }
0xc8: {  	p0 =	sne.s32 s0, $0x0;
	s0 =	rddreg [dreg:$0x2]  }
0xc9: {  	s0 =	sadd.s32 @!p0 $0x100000, s0  }
0xca: {  	[sflag:s0] =	ssyncadd.tile.s32 @!p0 $0x1;
	_ =	shalt  }
.Lfunc_end2:
_tile_overlayer_lowered:
.L_overlay_start_2:
0xcb: {  	(tag) =	ssettag $0x2  }
0xcc: {  	s0 =	rddreg [dreg:$0x0];
	s2 =	stileid.u32  }
0xcd: {  	s1 =	rddreg [dreg:$0x1];
	p0 =	sne.s32 s2, $0x0  }
0xce: {  	s3 =	rddreg [dreg:$0x2];
	[bflag:$0x3] =	sbarrier.arrive $0xFFFF;
	s2 =	simm.s32 @!p0 $0x1C03  }
0xcf: {  	[timem:s3], [sflag:s2] =	dma.local @!p0 [hbm:s0], s1  }
0xd0: {  	s0 =	simm.s32 @!p0 $0x3  }
0xd1: {  	_ =	swait.ge @!p0 [sflag:s0], s1  }
0xd2: {  	s1 =	ssub.s32 @!p0 $0x0, s1;
	[sflag:s0] =	ssyncset.done @!p0 $0x0  }
0xd3: {  	[sflag:s0] =	ssyncadd.s32 @!p0 s1  }
0xd4: {  	[bflag:$0x3] =	sbarrier.arrive $0xFFFF  }
0xd5: {  	_ =	shalt  }

// kernel: kernel.21.cloned.1.call-start
scs
__scs_entry_jumppad:
0x0: {  	(pc) =	sbr.rel $0x88, $3  }
0x1: {  	(tag) =	ssettag $0x0;
	lr =	simm.s32 $0x1  }
0x2: {  	[smem:$0x3F8D] =	sst lr;
	_ =	strace $0xD0000000  }
0x3: {  	_ = 	snop  }
0x4: {  	_ = 	snop  }
0x5: {  	_ = 	snop  }
0x6: {  	_ = 	snop  }
0x7: {  	_ = 	snop  }
__scs_overlays_trampoline_lowered:
0x8: {  	[smem:$0x3F9C] =	sst s0  }
0x9: {  	[smem:$0x3F9D] =	sst s1  }
0xa: {  	[smem:$0x3F9E] =	sst s2  }
0xb: {  	[smem:$0x3F9F] =	sst s3  }
0xc: {  	[smem:$0x3FA0] =	sst s4  }
0xd: {  	[smem:$0x3FA1] =	sst s5  }
0xe: {  	[smem:$0x3FA2] =	sst s6  }
0xf: {  	[smem:$0x3FA3] =	sst s7  }
0x10: {  	[smem:$0x3FA4] =	sst s8  }
0x11: {  	[smem:$0x3FA5] =	sst s9;
	s0 =	simm.s32 @!p0 $0x0  }
0x12: {  	s1 =	sld [smem:$0x3F8B];
	s0 =	simm.s32 @p0 $0x1  }
0x13: {  	[smem:$0x3FA6] =	sst s0;
	s0 =	simm.s32 @!p1 $0x0  }
0x14: {  	s2 =	sld [smem:$0x3F8A];
	s0 =	simm.s32 @p1 $0x1  }
0x15: {  	[smem:$0x3FA7] =	sst s0;
	s0 =	simm.s32 @!p2 $0x0  }
0x16: {  	s3 =	sld [smem:$0x3FDB];
	s0 =	simm.s32 @p2 $0x1  }
0x17: {  	s4 =	simm.s32 $0x1BF5;
	[smem:$0x3FA9] =	sst s0  }
0x18: {  	s0 =	sld [smem:$0x3F8C];
	_ =	swait.ge [sflag:s4], $0x0  }
0x19: {  	s7 =	sld [smem:$0x3F8D]  }
0x1a: {  	s8 =	sadd.s32 $0xFFFFE003, lr  }
0x1b: {  	s9 =	sadd.s32 $0xFFFFFEF7, lr;
	s5 =	simm.s32 $0xFFFFFFFF;
	p2 =	slt.u32 s8, $0xFFFFF086  }
0x1c: {  	p1 =	slt.u32 s9, $0xF7A;
	s5 =	simm.s32 @!p2 $0x0  }
0x1d: {  	s5 =	simm.s32 @p1 $0x1;
	p0 =	seq.s32 s7, s2  }
0x1e: {  	s7 =	smul.u32 @!p0 $0xF7A, s2;
	p2 =	seq.s32 @!p0 s5, $0x0  }
0x1f: {  	s9 =	smul.u32 $0xF7A, s1;
	s8 =	simm.s32 @!p0 $0x1BF5;
	p2 =	por !p2, p0  }
0x20: {  	[sflag:s8] =	ssyncset.s32 @!p0 $0xFFFFF086;
	s6 =	sadd.s32 @!p0 s3, s7;
	s7 =	simm.s32 @!p0 $0x108  }
0x21: {  	s3 =	sadd.s32 s3, s9;
	s6 =	sadd.s32 @!p0 $0x88, s6;
	s7 =	simm.s32 @p2 $0x1082  }
0x22: {  	[simem:s7], [sflag:s8] =	dma.local @!p0 [hbm:s6], $0xF7A  }
0x23: {  	s9 =	sor.u32 $0xD0000000, s2;
	s6 =	simm.s32 $0x108;
	_ =	swait.ge @!p0 [sflag:s8], $0x0  }
0x24: {  	s3 =	sadd.s32 $0x88, s3;
	s6 =	simm.s32 @!p1 $0x1082;
	[sflag:s4] =	ssyncset.s32 $0xFFFFF086  }
0x25: {  	[simem:s6], [sflag:s4] =	dma.local [hbm:s3], $0xF7A  }
0x26: {  	[smem:$0x3F8D] =	sst s1;
	(tag) =	ssettag s2;
	_ =	strace s9  }
0x27: {  	s1 =	sld [smem:$0x3F9D]  }
0x28: {  	s2 =	sld [smem:$0x3F9E]  }
0x29: {  	s4 =	sld [smem:$0x3FA0]  }
0x2a: {  	p0 =	seq.s32 s5, $0x0;
	s5 =	sld [smem:$0x3FA1]  }
0x2b: {  	s6 =	sld [smem:$0x3FA2]  }
0x2c: {  	s7 =	sld [smem:$0x3FA3]  }
0x2d: {  	s3 =	simm.s32 $0x108;
	s8 =	sld [smem:$0x3FA4]  }
0x2e: {  	s3 =	simm.s32 @!p0 $0x1082;
	s9 =	sld [smem:$0x3FA5]  }
0x2f: {  	lr =	sadd.s32 s0, s3;
	s0 =	sld [smem:$0x3F9C]  }
0x30: {  	s3 =	sld [smem:$0x3F9F]  }
0x31: {  	[smem:$0x3FA8] =	sst s10  }
0x32: {  	s10 =	sld [smem:$0x3FA6];
	_ =	sdelay $0x3  }
0x33: {  	p0 =	seq.s32 s10, $0x1;
	s10 =	sld [smem:$0x3FA8];
	_ =	sdelay $0x3  }
0x34: {  	[smem:$0x3FA8] =	sst s10  }
0x35: {  	s10 =	sld [smem:$0x3FA7];
	_ =	sdelay $0x3  }
0x36: {  	p1 =	seq.s32 s10, $0x1;
	s10 =	sld [smem:$0x3FA8];
	_ =	sdelay $0x3  }
0x37: {  	[smem:$0x3FA8] =	sst s10  }
0x38: {  	s10 =	sld [smem:$0x3FA9]  }
0x39: {  	_ = 	snop;
	(pc) =	sbr.ind lr, $3  }
0x3a: {  	_ = 	snop  }
0x3b: {  	_ = 	snop  }
0x3c: {  	p2 =	seq.s32 s10, $0x1;
	s10 =	sld [smem:$0x3FA8]  }
0x3d: {  	_ =	shalt  }
0x3e: {  	_ =	shalt  }
0x3f: {  	_ =	shalt  }
0x40: {  	_ =	shalt  }
0x41: {  	_ =	shalt  }
0x42: {  	_ =	shalt  }
0x43: {  	_ =	shalt  }
0x44: {  	_ =	shalt  }
0x45: {  	_ =	shalt  }
0x46: {  	_ =	shalt  }
0x47: {  	_ =	shalt  }
0x48: {  	_ =	shalt  }
0x49: {  	_ =	shalt  }
0x4a: {  	_ =	shalt  }
0x4b: {  	_ =	shalt  }
0x4c: {  	_ =	shalt  }
0x4d: {  	_ =	shalt  }
0x4e: {  	_ =	shalt  }
0x4f: {  	_ =	shalt  }
0x50: {  	_ =	shalt  }
0x51: {  	_ =	shalt  }
0x52: {  	_ =	shalt  }
0x53: {  	_ =	shalt  }
0x54: {  	_ =	shalt  }
0x55: {  	_ =	shalt  }
0x56: {  	_ =	shalt  }
0x57: {  	_ =	shalt  }
0x58: {  	_ =	shalt  }
0x59: {  	_ =	shalt  }
0x5a: {  	_ =	shalt  }
0x5b: {  	_ =	shalt  }
0x5c: {  	_ =	shalt  }
0x5d: {  	_ =	shalt  }
0x5e: {  	_ =	shalt  }
0x5f: {  	_ =	shalt  }
0x60: {  	_ =	shalt  }
0x61: {  	_ =	shalt  }
0x62: {  	_ =	shalt  }
0x63: {  	_ =	shalt  }
0x64: {  	_ =	shalt  }
0x65: {  	_ =	shalt  }
0x66: {  	_ =	shalt  }
0x67: {  	_ =	shalt  }
0x68: {  	_ =	shalt  }
0x69: {  	_ =	shalt  }
0x6a: {  	_ =	shalt  }
0x6b: {  	_ =	shalt  }
0x6c: {  	_ =	shalt  }
0x6d: {  	_ =	shalt  }
0x6e: {  	_ =	shalt  }
0x6f: {  	_ =	shalt  }
0x70: {  	_ =	shalt  }
0x71: {  	_ =	shalt  }
0x72: {  	_ =	shalt  }
0x73: {  	_ =	shalt  }
0x74: {  	_ =	shalt  }
0x75: {  	_ =	shalt  }
0x76: {  	_ =	shalt  }
0x77: {  	_ =	shalt  }
0x78: {  	_ =	shalt  }
0x79: {  	_ =	shalt  }
0x7a: {  	_ =	shalt  }
0x7b: {  	_ =	shalt  }
0x7c: {  	_ =	shalt  }
0x7d: {  	_ =	shalt  }
0x7e: {  	_ =	shalt  }
0x7f: {  	_ =	shalt  }
0x80: {  	_ =	shalt  }
0x81: {  	_ =	shalt  }
0x82: {  	_ =	shalt  }
0x83: {  	_ =	shalt  }
0x84: {  	_ =	shalt  }
0x85: {  	_ =	shalt  }
0x86: {  	_ =	shalt  }
0x87: {  	_ =	shalt  }
.Lfunc_end0:
.L_simem_size_0:
called_computation.3_lowered:
.L_overlay_start_0:
0x88: {  	s2 =	sld [smem:$0x3FD9]  }
0x89: {  	s3 =	sld [smem:$0x3FFE];
	_ =	sdelay $0x1  }
0x8a: {  	s1 =	srdreg.scid  }
0x8b: {  	s0 =	sand.u32 $0x1, s1  }
0x8c: {  	s16 =	sshll.u32 s0, $0xA;
	s2 =	sadd.s32 s3, s2  }
0x8d: {  	s2 =	sadd.s32 s2, s16  }
0x8e: {  	[smem:$0x3FB4] =	sst s2  }
0x8f: {  	_ = 	snop  }
0x90: {  	(tm) =	ssettm $0x1  }
0x91: {  	s17 =	sld [smem:$0x3FFB];
	_ =	sdelay $0x3  }
0x92: {  	_ =	strace s17  }
0x93: {  	s2 =	sld [smem:$0x3FFC];
	_ =	sdelay $0x3  }
0x94: {  	_ =	strace s2  }
0x95: {  	s2 =	sld [smem:$0x3FFD];
	_ =	sdelay $0x3  }
0x96: {  	_ =	strace s2  }
0x97: {  	_ =	strace $0x8FFFFFFF  }
0x98: {  	s18 =	sld [smem:$0x3FDB];
	_ =	sdelay $0x1  }
0x99: {  	s19 =	simm.s32 $_scs_section_size  }
0x9a: {  	s4 =	simm.s32 $_size__tile_overlayer_lowered;
	s5 =	simm.s32 $_tile_overlayer_lowered  }
0x9b: {  	s22 =	simm.s32 $0x1BFF;
	s21 =	sshll.u32 s5, $0x1;
	s2 =	sadd.s32 s19, s18  }
0x9c: {  	s6 =	simm.s32 $0x0;
	s20 =	sshll.u32 s4, $0x1;
	s4 =	sadd.s32 s21, s2  }
0x9d: {  	[timem:s6], [sflag:s22] =	dma.local [hbm:s4], s20  }
0x9e: {  	_ =	swait.ge [sflag:s22], s20  }
0x9f: {  	s3 =	ssub.s32 $0x0, s20;
	[sflag:s22] =	ssyncset.done $0x0  }
0xa0: {  	[sflag:s22] =	ssyncadd.s32 s3;
	_ =	sdelay $0x1  }
0xa1: {  	s23 =	simm.s32 $0x1B8B  }
0xa2: {  	_ =	swait.ge [sflag:s23], $0x1  }
0xa3: {  	[sflag:s23] =	ssyncset.done $0x0  }
0xa4: {  	s25 =	simm.s32 $0x1B8E;
	s24 =	sld [smem:$0x3FFE];
	[sflag:s23] =	ssyncadd.s32 $0xFFFFFFFF  }
0xa5: {  	s26 =	simm.s32 $execute0_lowered;
	[smem:$0x3FD2] =	sst s25  }
0xa6: {  	s4 =	sshll.u32 s26, $0x1;
	_ =	strace $0x8000004F;
	[dreg:$0x1] =	wrdreg $0xFFFFFFFF  }
0xa7: {  	s28 =	simm.s32 $_size_execute0_lowered;
	s2 =	sadd.s32 s2, s4;
	[dreg:$0x0] =	wrdreg $0x0  }
0xa8: {  	s4 =	sshll.u32 s28, $0x1;
	[dreg:$0x2] =	wrdreg s2  }
0xa9: {  	[dreg:$0x3] =	wrdreg s4  }
0xaa: {  	[dreg:$0x4] =	wrdreg $0xC0  }
0xab: {  	_ =	task [dreg:s6], $0x5FFFF  }
0xac: {  	[dreg:$0x1] =	wrdreg $0xFFFFFFFF  }
0xad: {  	[dreg:$0x0] =	wrdreg $0x60  }
0xae: {  	[dreg:$0x2] =	wrdreg s24  }
0xaf: {  	[dreg:$0x3] =	wrdreg $0x0  }
0xb0: {  	[dreg:$0x4] =	wrdreg $0x9  }
0xb1: {  	_ =	task.clear_ibuf [dreg:s6], $0x5FFFF;
	_ =	strace $0x9000004F  }
0xb2: {  	s29 =	simm.s32 $0x9;
	_ =	strace $0x80000051  }
0xb3: {  	_ =	swait.ge [sflag:s29], $0x1  }
0xb4: {  	[sflag:s29] =	ssyncadd.s32 $0xFFFFFFFF  }
0xb5: {  	_ =	strace $0x90000051  }
0xb6: {  	_ =	sfence  }
0xb7: {  	s30 =	sld [smem:$0x0];
	_ =	sdelay $0x2  }
0xb8: {  	s31 =	sshll.u32 s1, $0xD;
	s1 =	sshrl.u32 s1, $0x2  }
0xb9: {  	s3 =	sand.u32 $0x4000, s31;
	s1 =	sadd.s32 s1, s30  }
0xba: {  	s0 =	sor.u32 s3, s0;
	s1 =	sshll.u32 s1, $0x11  }
0xbb: {  	s0 =	sor.u32 s1, s0  }
0xbc: {  	s0 =	sadd.s32 $0x8F2B, s0  }
0xbd: {  	[sflag:s0] =	ssyncadd.remote.s32 $0x1  }
0xbe: {  	_ =	sfence.sel $0xFFFF  }
0xbf: {  	[dreg:$0x0] =	wrdreg $0xFFFFFFFF;
	(pc) =	sbr.abs _section_cstart, $3  }
0xc0: {  	[dreg:$0x1] =	wrdreg $0xFFFFFFFF  }
0xc1: {  	_ =	task.clear_ibuf [dreg:s6], $0x2FFFF;
	_ =	strace $0x9FFFFFFF  }
0xc2: {  	(tm) =	ssettm $0x7FFFFFFF  }
0xc3: {  	_ =	shalt  }
tec
execute0_lowered:
.L_overlay_start_1:
0x0: {  	(tag) =	ssettag $0x1  }
0x1: {  	s0 =	rddreg [dreg:$0x0]  }
0x2: {  	s2 =	rddreg [dreg:$0x1];
	s3 =	simm.s32 $0x0;
	s1 =	srdreg.scid  }
0x3: {  	s13 =	stileid.u32;
	[smem:$0x7FF] =	sst s3;
	s1 =	sand.u32 $0x1, s1  }
0x4: {  	s7 =	smul.u32 $0x2800, s13;
	s4 =	sadd.s32 $0x2F400, s0;
	s5 =	sadd.s32 $0x1B400, s0  }
0x5: {  	s6 =	sadd.s32 $0x7400, s0;
	s11 =	smul.u32 $0x50000, s13;
	s21 =	sshll.u32 s13, $0x6  }
0x6: {  	_ =	strace $0x80000050;
	s8 =	smul.u32 $0x28000, s1;
	s9 =	ssub.s32 $0x2, s1  }
0x7: {  	s1 =	sshll.u32 s1, $0x4;
	s10 =	sshrl.u32 s9, $0x1;
	s20 =	sshrl.u32 s11, $0x2  }
0x8: {  	s1 =	sor.u32 s13, s1;
	s8 =	sadd.s32 s7, s8;
	s7 =	sadd.s32 $0x56800, s0  }
0x9: {  	s12 =	ssub.s32 s9, s10;
	s9 =	sor.u32 $0x1C03, s21;
	s10 =	smul.u32 $0x5000, s1  }
0xa: {  	s0 =	sadd.s32 s8, s0;
	s8 =	sadd.s32 s20, s2;
	s22 =	smax.u32 s12, $0x1  }
0xb: {  	s0 =	sadd.s32 $0xA4C00, s0;
	[dreg:$0x4] =	wrdreg s22;
	s23 =	sadd.s32 $0x1000, s8  }
0xc: {  	s24 =	sadd.s32 $0x2000, s8;
	s25 =	sadd.s32 $0x3000, s8;
	s26 =	sadd.s32 $0x4000, s8  }
0xd: {  	s28 =	sadd.s32 $0x5000, s8;
	[dreg:$0x3] =	wrdreg s0;
	s0 =	sshrl.u32 s23, $0x3  }
0xe: {  	s14 =	sadd.s32 $0x6000, s8;
	s1 =	sshrl.u32 s24, $0x3;
	[dreg:$0x5] =	wrdreg s0  }
0xf: {  	s15 =	sadd.s32 $0x7000, s8;
	s11 =	sshrl.u32 s25, $0x3;
	[dreg:$0x6] =	wrdreg s1  }
0x10: {  	s16 =	sadd.s32 $0x8000, s8;
	s12 =	sshrl.u32 s26, $0x3;
	[dreg:$0x7] =	wrdreg s11  }
0x11: {  	s17 =	sadd.s32 $0x9000, s8;
	s13 =	sshrl.u32 s28, $0x3;
	[dreg:$0x8] =	wrdreg s12  }
0x12: {  	s18 =	sadd.s32 $0xA000, s8;
	s14 =	sshrl.u32 s14, $0x3;
	[dreg:$0x9] =	wrdreg s13  }
0x13: {  	s19 =	sadd.s32 $0xB000, s8;
	s15 =	sshrl.u32 s15, $0x3;
	[dreg:$0xa] =	wrdreg s14  }
0x14: {  	s20 =	sadd.s32 $0xC000, s8;
	s16 =	sshrl.u32 s16, $0x3;
	[dreg:$0xb] =	wrdreg s15  }
0x15: {  	s21 =	sadd.s32 $0xD000, s8;
	s17 =	sshrl.u32 s17, $0x3;
	[dreg:$0xc] =	wrdreg s16  }
0x16: {  	s22 =	sadd.s32 $0xE000, s8;
	s18 =	sshrl.u32 s18, $0x3;
	[dreg:$0xd] =	wrdreg s17  }
0x17: {  	s19 =	sshrl.u32 s19, $0x3;
	s20 =	sshrl.u32 s20, $0x3;
	[dreg:$0xe] =	wrdreg s18  }
0x18: {  	s21 =	sshrl.u32 s21, $0x3;
	s23 =	sadd.s32 $0xF000, s8;
	[dreg:$0xf] =	wrdreg s19  }
0x19: {  	s24 =	sadd.s32 $0x10000, s8;
	s25 =	sadd.s32 $0x11000, s8;
	[dreg:$0x10] =	wrdreg s20  }
0x1a: {  	s26 =	sadd.s32 $0x12000, s8;
	s28 =	sadd.s32 $0x13000, s8;
	[dreg:$0x11] =	wrdreg s21  }
0x1b: {  	s0 =	sshrl.u32 s22, $0x3;
	s29 =	sshrl.u32 s24, $0x3;
	s30 =	sshrl.u32 s25, $0x3  }
0x1c: {  	s31 =	sshrl.u32 s26, $0x3;
	s1 =	simm.s32 $0x3;
	s11 =	simm.s32 $0x14000  }
0x1d: {  	s12 =	simm.s32 $0x15000;
	s13 =	simm.s32 $0x50;
	s14 =	simm.s32 $0x16000  }
0x1e: {  	s15 =	simm.s32 $0x14080;
	s16 =	simm.s32 $0x18800;
	s17 =	simm.s32 $0x1  }
0x1f: {  	s18 =	simm.s32 $0x2;
	s19 =	simm.s32 $0x15B00;
	s20 =	simm.s32 $0x14C00  }
0x20: {  	s21 =	simm.s32 $0x15B80;
	[dreg:$0x12] =	wrdreg s0;
	s0 =	sshrl.u32 s23, $0x3  }
0x21: {  	s22 =	simm.s32 $0x15C00;
	[dreg:$0x13] =	wrdreg s0;
	s0 =	sshrl.u32 s28, $0x3  }
.LBB2_1:
0x22: {  	s23 =	sshrl.u32 s8, $0x3  }
0x23: {  	[spmem:s23], [sflag:s9] =	dma.local [hbm:s7], $0x200  }
0x24: {  	_ =	swait.ge [sflag:s1], $0x200  }
0x25: {  	[sflag:s1] =	ssyncset.done $0x0  }
0x26: {  	s24 =	rddreg [dreg:$0x5];
	[sflag:s1] =	ssyncadd.s32 $0xFFFFFE00  }
0x27: {  	[spmem:s24], [sflag:s9] =	dma.local [hbm:s7], $0x200  }
0x28: {  	_ =	swait.ge [sflag:s1], $0x200  }
0x29: {  	[sflag:s1] =	ssyncset.done $0x0  }
0x2a: {  	s26 =	rddreg [dreg:$0x6];
	[sflag:s1] =	ssyncadd.s32 $0xFFFFFE00  }
0x2b: {  	[spmem:s26], [sflag:s9] =	dma.local [hbm:s7], $0x200  }
0x2c: {  	_ =	swait.ge [sflag:s1], $0x200  }
0x2d: {  	[sflag:s1] =	ssyncset.done $0x0  }
0x2e: {  	s28 =	rddreg [dreg:$0x7];
	[sflag:s1] =	ssyncadd.s32 $0xFFFFFE00  }
0x2f: {  	[spmem:s28], [sflag:s9] =	dma.local [hbm:s7], $0x200  }
0x30: {  	_ =	swait.ge [sflag:s1], $0x200  }
0x31: {  	[sflag:s1] =	ssyncset.done $0x0  }
0x32: {  	s25 =	rddreg [dreg:$0x8];
	[sflag:s1] =	ssyncadd.s32 $0xFFFFFE00  }
0x33: {  	[spmem:s25], [sflag:s9] =	dma.local [hbm:s7], $0x200  }
0x34: {  	_ =	swait.ge [sflag:s1], $0x200  }
0x35: {  	[sflag:s1] =	ssyncset.done $0x0  }
0x36: {  	s26 =	rddreg [dreg:$0x9];
	[sflag:s1] =	ssyncadd.s32 $0xFFFFFE00  }
0x37: {  	[spmem:s26], [sflag:s9] =	dma.local [hbm:s7], $0x200  }
0x38: {  	_ =	swait.ge [sflag:s1], $0x200  }
0x39: {  	[sflag:s1] =	ssyncset.done $0x0  }
0x3a: {  	s28 =	rddreg [dreg:$0xa];
	[sflag:s1] =	ssyncadd.s32 $0xFFFFFE00  }
0x3b: {  	[spmem:s28], [sflag:s9] =	dma.local [hbm:s7], $0x200  }
0x3c: {  	_ =	swait.ge [sflag:s1], $0x200  }
0x3d: {  	[sflag:s1] =	ssyncset.done $0x0  }
0x3e: {  	s25 =	rddreg [dreg:$0xb];
	[sflag:s1] =	ssyncadd.s32 $0xFFFFFE00  }
0x3f: {  	[spmem:s25], [sflag:s9] =	dma.local [hbm:s7], $0x200  }
0x40: {  	_ =	swait.ge [sflag:s1], $0x200  }
0x41: {  	[sflag:s1] =	ssyncset.done $0x0  }
0x42: {  	s26 =	rddreg [dreg:$0xc];
	[sflag:s1] =	ssyncadd.s32 $0xFFFFFE00  }
0x43: {  	[spmem:s26], [sflag:s9] =	dma.local [hbm:s7], $0x200  }
0x44: {  	_ =	swait.ge [sflag:s1], $0x200  }
0x45: {  	[sflag:s1] =	ssyncset.done $0x0  }
0x46: {  	s28 =	rddreg [dreg:$0xd];
	[sflag:s1] =	ssyncadd.s32 $0xFFFFFE00  }
0x47: {  	[spmem:s28], [sflag:s9] =	dma.local [hbm:s7], $0x200  }
0x48: {  	_ =	swait.ge [sflag:s1], $0x200  }
0x49: {  	[sflag:s1] =	ssyncset.done $0x0  }
0x4a: {  	s25 =	rddreg [dreg:$0xe];
	[sflag:s1] =	ssyncadd.s32 $0xFFFFFE00  }
0x4b: {  	[spmem:s25], [sflag:s9] =	dma.local [hbm:s7], $0x200  }
0x4c: {  	_ =	swait.ge [sflag:s1], $0x200  }
0x4d: {  	[sflag:s1] =	ssyncset.done $0x0  }
0x4e: {  	s26 =	rddreg [dreg:$0xf];
	[sflag:s1] =	ssyncadd.s32 $0xFFFFFE00  }
0x4f: {  	[spmem:s26], [sflag:s9] =	dma.local [hbm:s7], $0x200  }
0x50: {  	_ =	swait.ge [sflag:s1], $0x200  }
0x51: {  	[sflag:s1] =	ssyncset.done $0x0  }
0x52: {  	s28 =	rddreg [dreg:$0x10];
	[sflag:s1] =	ssyncadd.s32 $0xFFFFFE00  }
0x53: {  	[spmem:s28], [sflag:s9] =	dma.local [hbm:s7], $0x200  }
0x54: {  	_ =	swait.ge [sflag:s1], $0x200  }
0x55: {  	[sflag:s1] =	ssyncset.done $0x0  }
0x56: {  	s25 =	rddreg [dreg:$0x11];
	[sflag:s1] =	ssyncadd.s32 $0xFFFFFE00  }
0x57: {  	[spmem:s25], [sflag:s9] =	dma.local [hbm:s7], $0x200  }
0x58: {  	_ =	swait.ge [sflag:s1], $0x200  }
0x59: {  	[sflag:s1] =	ssyncset.done $0x0  }
0x5a: {  	s26 =	rddreg [dreg:$0x12];
	[sflag:s1] =	ssyncadd.s32 $0xFFFFFE00  }
0x5b: {  	[spmem:s26], [sflag:s9] =	dma.local [hbm:s7], $0x200  }
0x5c: {  	_ =	swait.ge [sflag:s1], $0x200  }
0x5d: {  	[sflag:s1] =	ssyncset.done $0x0  }
0x5e: {  	s28 =	rddreg [dreg:$0x13];
	[sflag:s1] =	ssyncadd.s32 $0xFFFFFE00  }
0x5f: {  	[spmem:s28], [sflag:s9] =	dma.local [hbm:s7], $0x200  }
0x60: {  	_ =	swait.ge [sflag:s1], $0x200  }
0x61: {  	[sflag:s1] =	ssyncset.done $0x0  }
0x62: {  	[sflag:s1] =	ssyncadd.s32 $0xFFFFFE00  }
0x63: {  	[spmem:s29], [sflag:s9] =	dma.local [hbm:s7], $0x200  }
0x64: {  	_ =	swait.ge [sflag:s1], $0x200  }
0x65: {  	[sflag:s1] =	ssyncset.done $0x0  }
0x66: {  	[sflag:s1] =	ssyncadd.s32 $0xFFFFFE00  }
0x67: {  	[spmem:s30], [sflag:s9] =	dma.local [hbm:s7], $0x200  }
0x68: {  	_ =	swait.ge [sflag:s1], $0x200  }
0x69: {  	[sflag:s1] =	ssyncset.done $0x0  }
0x6a: {  	[sflag:s1] =	ssyncadd.s32 $0xFFFFFE00  }
0x6b: {  	[spmem:s31], [sflag:s9] =	dma.local [hbm:s7], $0x200  }
0x6c: {  	_ =	swait.ge [sflag:s1], $0x200  }
0x6d: {  	[sflag:s1] =	ssyncset.done $0x0  }
0x6e: {  	[sflag:s1] =	ssyncadd.s32 $0xFFFFFE00  }
0x6f: {  	[spmem:s0], [sflag:s9] =	dma.local [hbm:s7], $0x200  }
0x70: {  	_ =	swait.ge [sflag:s1], $0x200  }
0x71: {  	[sflag:s1] =	ssyncset.done $0x0  }
0x72: {  	[sflag:s1] =	ssyncadd.s32 $0xFFFFFE00  }
0x73: {  	s24 =	simm.s32 $0x0;
	[bflag:$0x0] =	sbarrier.arrive $0xFFFF  }
.LBB2_2:
0x74: {  	s25 =	sshll.u32 s24, $0xC  }
0x75: {  	s25 =	sadd.s32 s10, s25  }
0x76: {  	s25 =	sshrl.u32 s25, $0x3  }
0x77: {  	s28 =	simm.s32 $0x0;
	s26 =	sadd.s32 s5, s25  }
0x78: {  	[tilespmem:s11], [sflag:$0x3] =	stream.linear.gather [hbm4b:s26+s28], $0xC80, $0x38;
	[tilespmem:$0x1B000] =	vst v63  }
0x79: {  	_ =	swait.ge [sflag:s1], $0xC80  }
0x7a: {  	[sflag:s1] =	ssyncset.done $0x0  }
0x7b: {  	s25 =	sadd.s32 s6, s25;
	[sflag:s1] =	ssyncadd.s32 $0xFFFFF380  }
0x7c: {  	[tilespmem:s12], [sflag:$0x3] =	stream.linear.gather [hbm4b:s25+s28], $0xC80, $0x38;
	[tilespmem:$0x1B000] =	vst v63  }
0x7d: {  	_ =	swait.ge [sflag:s1], $0xC80  }
0x7e: {  	[sflag:s1] =	ssyncset.done $0x0  }
0x7f: {  	[sflag:s1] =	ssyncadd.s32 $0xFFFFF380  }
0x80: {  	[tilespmem:s14], [sflag:$0x1] =	stream.indirect.gather [hbm4b:s4+s13], $0x80, s11, s13, $0xb8;
	[tilespmem:$0x1B000] =	vst v63  }
0x81: {  	_ = 	snop  }
0x82: {  	[tilespmem:s16], [sflag:$0x2] =	stream.indirect.gather [hbm4b:s4+s13], $0x80, s15, s13, $0xb8;
	[tilespmem:$0x1B000] =	vst v63  }
0x83: {  	_ =	swait.ge [sflag:s17], $0x2800  }
0x84: {  	[sflag:s17] =	ssyncset.done $0x0  }
0x85: {  	s28 =	simm.s32 $0x15000;
	[sflag:s17] =	ssyncadd.s32 $0xFFFFD800  }
0x86: {  	[spmem:s2] =	stream.indirect.scatter.add.f32 [tilespmem:s14], [sflag:$0x3], $0x80, s28, s13, $0xb8;
	[tilespmem:$0x1B000] =	vst v63  }
0x87: {  	_ =	swait.ge [sflag:s1], $0x2800  }
0x88: {  	[sflag:s1] =	ssyncset.done $0x0  }
0x89: {  	s26 =	simm.s32 $0x14100;
	[sflag:s1] =	ssyncadd.s32 $0xFFFFD800  }
0x8a: {  	[tilespmem:s14], [sflag:$0x1] =	stream.indirect.gather [hbm4b:s4+s13], $0x80, s26, s13, $0xb8;
	[tilespmem:$0x1B000] =	vst v63  }
0x8b: {  	_ =	swait.ge [sflag:s18], $0x2800  }
0x8c: {  	[sflag:s18] =	ssyncset.done $0x0  }
0x8d: {  	s28 =	simm.s32 $0x15080;
	[sflag:s18] =	ssyncadd.s32 $0xFFFFD800  }
0x8e: {  	[spmem:s2] =	stream.indirect.scatter.add.f32 [tilespmem:s16], [sflag:$0x3], $0x80, s28, s13, $0xb8;
	[tilespmem:$0x1B000] =	vst v63  }
0x8f: {  	_ =	swait.ge [sflag:s1], $0x2800  }
0x90: {  	[sflag:s1] =	ssyncset.done $0x0  }
0x91: {  	s25 =	simm.s32 $0x400;
	s26 =	simm.s32 $0x14180;
	[sflag:s1] =	ssyncadd.s32 $0xFFFFD800  }
.LBB2_3:
0x92: {  	[tilespmem:s16], [sflag:$0x2] =	stream.indirect.gather [hbm4b:s4+s13], $0x80, s26, s13, $0xb8;
	[tilespmem:$0x1B000] =	vst v63  }
0x93: {  	s26 =	smov.u32 s25  }
0x94: {  	p0 =	sne.s32 s25, $0x2800;
	s25 =	sadd.s32 $0x400, s25;
	_ =	swait.ge [sflag:s17], $0x2800  }
0x95: {  	s26 =	sshra.s32 s26, $0x2;
	[sflag:s17] =	ssyncset.done $0x0  }
0x96: {  	s28 =	sadd.s32 $0x15000, s26;
	[sflag:s17] =	ssyncadd.s32 $0xFFFFD800  }
0x97: {  	[spmem:s2] =	stream.indirect.scatter.add.f32 [tilespmem:s14], [sflag:$0x3], $0x80, s28, s13, $0xb8;
	[tilespmem:$0x1B000] =	vst v63  }
0x98: {  	_ =	swait.ge [sflag:s1], $0x2800  }
0x99: {  	[sflag:s1] =	ssyncset.done $0x0  }
0x9a: {  	s28 =	sadd.s32 $0x14100, s26;
	[sflag:s1] =	ssyncadd.s32 $0xFFFFD800  }
0x9b: {  	[tilespmem:s14], [sflag:$0x1] =	stream.indirect.gather [hbm4b:s4+s13], $0x80, s28, s13, $0xb8;
	[tilespmem:$0x1B000] =	vst v63  }
0x9c: {  	_ =	swait.ge [sflag:s18], $0x2800  }
0x9d: {  	[sflag:s18] =	ssyncset.done $0x0  }
.Ltmp0:
0x9e: {  	s28 =	sadd.s32 $0x15080, s26;
	[sflag:s18] =	ssyncadd.s32 $0xFFFFD800;
	(pc) =	sbr.rel @p0 .LBB2_3-.Ltmp0, $4  }
0x9f: {  	[spmem:s2] =	stream.indirect.scatter.add.f32 [tilespmem:s16], [sflag:$0x3], $0x80, s28, s13, $0xb8;
	[tilespmem:$0x1B000] =	vst v63  }
0xa0: {  	_ =	swait.ge [sflag:s1], $0x2800  }
0xa1: {  	[sflag:s1] =	ssyncset.done $0x0  }
0xa2: {  	s26 =	sadd.s32 $0x14180, s26;
	[sflag:s1] =	ssyncadd.s32 $0xFFFFD800  }
0xa3: {  	[tilespmem:s16], [sflag:$0x2] =	stream.indirect.gather [hbm4b:s4+s13], $0x80, s26, s13, $0xb8;
	[tilespmem:$0x1B000] =	vst v63  }
0xa4: {  	_ =	swait.ge [sflag:s17], $0x2800  }
0xa5: {  	[sflag:s17] =	ssyncset.done $0x0  }
0xa6: {  	[sflag:s17] =	ssyncadd.s32 $0xFFFFD800  }
0xa7: {  	[spmem:s2] =	stream.indirect.scatter.add.f32 [tilespmem:s14], [sflag:$0x3], $0x80, s19, s13, $0xb8;
	[tilespmem:$0x1B000] =	vst v63  }
0xa8: {  	_ =	swait.ge [sflag:s1], $0x2800  }
0xa9: {  	[sflag:s1] =	ssyncset.done $0x0  }
0xaa: {  	[sflag:s1] =	ssyncadd.s32 $0xFFFFD800  }
0xab: {  	[tilespmem:s14], [sflag:$0x1] =	stream.indirect.gather [hbm4b:s4+s13], $0x80, s20, s13, $0xb8;
	[tilespmem:$0x1B000] =	vst v63  }
0xac: {  	_ =	swait.ge [sflag:s18], $0x2800  }
0xad: {  	[sflag:s18] =	ssyncset.done $0x0  }
0xae: {  	[sflag:s18] =	ssyncadd.s32 $0xFFFFD800  }
0xaf: {  	[spmem:s2] =	stream.indirect.scatter.add.f32 [tilespmem:s16], [sflag:$0x3], $0x80, s21, s13, $0xb8;
	[tilespmem:$0x1B000] =	vst v63  }
0xb0: {  	_ =	swait.ge [sflag:s1], $0x2800  }
0xb1: {  	[sflag:s1] =	ssyncset.done $0x0  }
0xb2: {  	[sflag:s1] =	ssyncadd.s32 $0xFFFFD800  }
0xb3: {  	s24 =	sadd.s32 $0x1, s24;
	_ =	swait.ge [sflag:s17], $0x2800  }
0xb4: {  	p0 =	sne.s32 s24, $0x5;
	[sflag:s17] =	ssyncset.done $0x0  }
.Ltmp1:
0xb5: {  	[sflag:s17] =	ssyncadd.s32 $0xFFFFD800;
	(pc) =	sbr.rel @p0 .LBB2_2-.Ltmp1, $4  }
0xb6: {  	[spmem:s2] =	stream.indirect.scatter.add.f32 [tilespmem:s14], [sflag:$0x3], $0x80, s22, s13, $0xb8;
	[tilespmem:$0x1B000] =	vst v63  }
0xb7: {  	_ =	swait.ge [sflag:s1], $0x2800  }
0xb8: {  	[sflag:s1] =	ssyncset.done $0x0  }
0xb9: {  	[sflag:s1] =	ssyncadd.s32 $0xFFFFD800  }
0xba: {  	[bflag:$0x0] =	sbarrier.arrive $0xFFFF  }
0xbb: {  	s24 =	rddreg [dreg:$0x3]  }
0xbc: {  	[hbm:s24], [sflag:s9] =	dma.local [spmem:s23], $0x2800  }
0xbd: {  	_ =	swait.ge [sflag:s1], $0x2800  }
0xbe: {  	s3 =	sadd.s32 $0x1, s3;
	s28 =	rddreg [dreg:$0x4]  }
0xbf: {  	p0 =	sne.s32 s3, s28  }
.Ltmp2:
0xc0: {  	_ = 	snop;
	(pc) =	sbr.rel @p0 .LBB2_1-.Ltmp2, $3  }
0xc1: {  	_ =	sdelay $0x1  }
0xc2: {  	[sflag:s1] =	ssyncset.done $0x0  }
0xc3: {  	[sflag:s1] =	ssyncadd.s32 $0xFFFFD800  }
0xc4: {  	_ =	sfence.sel $0x180000  }
0xc5: {  	[bflag:$0x0] =	sbarrier.arrive $0xFFFF  }
0xc6: {  	_ =	strace $0x90000050  }
0xc7: {  	s0 =	stileid.u32;
	[bflag:$0x2] =	sbarrier.arrive $0xFFFF  }
0xc8: {  	p0 =	sne.s32 s0, $0x0;
	s0 =	rddreg [dreg:$0x2]  }
0xc9: {  	s0 =	sadd.s32 @!p0 $0x100000, s0  }
0xca: {  	[sflag:s0] =	ssyncadd.tile.s32 @!p0 $0x1;
	_ =	shalt  }
.Lfunc_end2:
_tile_overlayer_lowered:
.L_overlay_start_2:
0xcb: {  	(tag) =	ssettag $0x2  }
0xcc: {  	s0 =	rddreg [dreg:$0x0];
	s2 =	stileid.u32  }
0xcd: {  	s1 =	rddreg [dreg:$0x1];
	p0 =	sne.s32 s2, $0x0  }
0xce: {  	s3 =	rddreg [dreg:$0x2];
	[bflag:$0x3] =	sbarrier.arrive $0xFFFF;
	s2 =	simm.s32 @!p0 $0x1C03  }
0xcf: {  	[timem:s3], [sflag:s2] =	dma.local @!p0 [hbm:s0], s1  }
0xd0: {  	s0 =	simm.s32 @!p0 $0x3  }
0xd1: {  	_ =	swait.ge @!p0 [sflag:s0], s1  }
0xd2: {  	s1 =	ssub.s32 @!p0 $0x0, s1;
	[sflag:s0] =	ssyncset.done @!p0 $0x0  }
0xd3: {  	[sflag:s0] =	ssyncadd.s32 @!p0 s1  }
0xd4: {  	[bflag:$0x3] =	sbarrier.arrive $0xFFFF  }
0xd5: {  	_ =	shalt  }

// kernel: kernel.24.cloned.1.call-start
scs
__scs_entry_jumppad:
0x0: {  	(pc) =	sbr.rel $0x88, $3  }
0x1: {  	(tag) =	ssettag $0x0;
	lr =	simm.s32 $0x1  }
0x2: {  	[smem:$0x3F8D] =	sst lr;
	_ =	strace $0xD0000000  }
0x3: {  	_ = 	snop  }
0x4: {  	_ = 	snop  }
0x5: {  	_ = 	snop  }
0x6: {  	_ = 	snop  }
0x7: {  	_ = 	snop  }
__scs_overlays_trampoline_lowered:
0x8: {  	[smem:$0x3F9C] =	sst s0  }
0x9: {  	[smem:$0x3F9D] =	sst s1  }
0xa: {  	[smem:$0x3F9E] =	sst s2  }
0xb: {  	[smem:$0x3F9F] =	sst s3  }
0xc: {  	[smem:$0x3FA0] =	sst s4  }
0xd: {  	[smem:$0x3FA1] =	sst s5  }
0xe: {  	[smem:$0x3FA2] =	sst s6  }
0xf: {  	[smem:$0x3FA3] =	sst s7  }
0x10: {  	[smem:$0x3FA4] =	sst s8  }
0x11: {  	[smem:$0x3FA5] =	sst s9;
	s0 =	simm.s32 @!p0 $0x0  }
0x12: {  	s1 =	sld [smem:$0x3F8B];
	s0 =	simm.s32 @p0 $0x1  }
0x13: {  	[smem:$0x3FA6] =	sst s0;
	s0 =	simm.s32 @!p1 $0x0  }
0x14: {  	s2 =	sld [smem:$0x3F8A];
	s0 =	simm.s32 @p1 $0x1  }
0x15: {  	[smem:$0x3FA7] =	sst s0;
	s0 =	simm.s32 @!p2 $0x0  }
0x16: {  	s3 =	sld [smem:$0x3FDB];
	s0 =	simm.s32 @p2 $0x1  }
0x17: {  	s4 =	simm.s32 $0x1BF5;
	[smem:$0x3FA9] =	sst s0  }
0x18: {  	s0 =	sld [smem:$0x3F8C];
	_ =	swait.ge [sflag:s4], $0x0  }
0x19: {  	s7 =	sld [smem:$0x3F8D]  }
0x1a: {  	s8 =	sadd.s32 $0xFFFFE003, lr  }
0x1b: {  	s9 =	sadd.s32 $0xFFFFFEF7, lr;
	s5 =	simm.s32 $0xFFFFFFFF;
	p2 =	slt.u32 s8, $0xFFFFF086  }
0x1c: {  	p1 =	slt.u32 s9, $0xF7A;
	s5 =	simm.s32 @!p2 $0x0  }
0x1d: {  	s5 =	simm.s32 @p1 $0x1;
	p0 =	seq.s32 s7, s2  }
0x1e: {  	s7 =	smul.u32 @!p0 $0xF7A, s2;
	p2 =	seq.s32 @!p0 s5, $0x0  }
0x1f: {  	s9 =	smul.u32 $0xF7A, s1;
	s8 =	simm.s32 @!p0 $0x1BF5;
	p2 =	por !p2, p0  }
0x20: {  	[sflag:s8] =	ssyncset.s32 @!p0 $0xFFFFF086;
	s6 =	sadd.s32 @!p0 s3, s7;
	s7 =	simm.s32 @!p0 $0x108  }
0x21: {  	s3 =	sadd.s32 s3, s9;
	s6 =	sadd.s32 @!p0 $0x88, s6;
	s7 =	simm.s32 @p2 $0x1082  }
0x22: {  	[simem:s7], [sflag:s8] =	dma.local @!p0 [hbm:s6], $0xF7A  }
0x23: {  	s9 =	sor.u32 $0xD0000000, s2;
	s6 =	simm.s32 $0x108;
	_ =	swait.ge @!p0 [sflag:s8], $0x0  }
0x24: {  	s3 =	sadd.s32 $0x88, s3;
	s6 =	simm.s32 @!p1 $0x1082;
	[sflag:s4] =	ssyncset.s32 $0xFFFFF086  }
0x25: {  	[simem:s6], [sflag:s4] =	dma.local [hbm:s3], $0xF7A  }
0x26: {  	[smem:$0x3F8D] =	sst s1;
	(tag) =	ssettag s2;
	_ =	strace s9  }
0x27: {  	s1 =	sld [smem:$0x3F9D]  }
0x28: {  	s2 =	sld [smem:$0x3F9E]  }
0x29: {  	s4 =	sld [smem:$0x3FA0]  }
0x2a: {  	p0 =	seq.s32 s5, $0x0;
	s5 =	sld [smem:$0x3FA1]  }
0x2b: {  	s6 =	sld [smem:$0x3FA2]  }
0x2c: {  	s7 =	sld [smem:$0x3FA3]  }
0x2d: {  	s3 =	simm.s32 $0x108;
	s8 =	sld [smem:$0x3FA4]  }
0x2e: {  	s3 =	simm.s32 @!p0 $0x1082;
	s9 =	sld [smem:$0x3FA5]  }
0x2f: {  	lr =	sadd.s32 s0, s3;
	s0 =	sld [smem:$0x3F9C]  }
0x30: {  	s3 =	sld [smem:$0x3F9F]  }
0x31: {  	[smem:$0x3FA8] =	sst s10  }
0x32: {  	s10 =	sld [smem:$0x3FA6];
	_ =	sdelay $0x3  }
0x33: {  	p0 =	seq.s32 s10, $0x1;
	s10 =	sld [smem:$0x3FA8];
	_ =	sdelay $0x3  }
0x34: {  	[smem:$0x3FA8] =	sst s10  }
0x35: {  	s10 =	sld [smem:$0x3FA7];
	_ =	sdelay $0x3  }
0x36: {  	p1 =	seq.s32 s10, $0x1;
	s10 =	sld [smem:$0x3FA8];
	_ =	sdelay $0x3  }
0x37: {  	[smem:$0x3FA8] =	sst s10  }
0x38: {  	s10 =	sld [smem:$0x3FA9]  }
0x39: {  	_ = 	snop;
	(pc) =	sbr.ind lr, $3  }
0x3a: {  	_ = 	snop  }
0x3b: {  	_ = 	snop  }
0x3c: {  	p2 =	seq.s32 s10, $0x1;
	s10 =	sld [smem:$0x3FA8]  }
0x3d: {  	_ =	shalt  }
0x3e: {  	_ =	shalt  }
0x3f: {  	_ =	shalt  }
0x40: {  	_ =	shalt  }
0x41: {  	_ =	shalt  }
0x42: {  	_ =	shalt  }
0x43: {  	_ =	shalt  }
0x44: {  	_ =	shalt  }
0x45: {  	_ =	shalt  }
0x46: {  	_ =	shalt  }
0x47: {  	_ =	shalt  }
0x48: {  	_ =	shalt  }
0x49: {  	_ =	shalt  }
0x4a: {  	_ =	shalt  }
0x4b: {  	_ =	shalt  }
0x4c: {  	_ =	shalt  }
0x4d: {  	_ =	shalt  }
0x4e: {  	_ =	shalt  }
0x4f: {  	_ =	shalt  }
0x50: {  	_ =	shalt  }
0x51: {  	_ =	shalt  }
0x52: {  	_ =	shalt  }
0x53: {  	_ =	shalt  }
0x54: {  	_ =	shalt  }
0x55: {  	_ =	shalt  }
0x56: {  	_ =	shalt  }
0x57: {  	_ =	shalt  }
0x58: {  	_ =	shalt  }
0x59: {  	_ =	shalt  }
0x5a: {  	_ =	shalt  }
0x5b: {  	_ =	shalt  }
0x5c: {  	_ =	shalt  }
0x5d: {  	_ =	shalt  }
0x5e: {  	_ =	shalt  }
0x5f: {  	_ =	shalt  }
0x60: {  	_ =	shalt  }
0x61: {  	_ =	shalt  }
0x62: {  	_ =	shalt  }
0x63: {  	_ =	shalt  }
0x64: {  	_ =	shalt  }
0x65: {  	_ =	shalt  }
0x66: {  	_ =	shalt  }
0x67: {  	_ =	shalt  }
0x68: {  	_ =	shalt  }
0x69: {  	_ =	shalt  }
0x6a: {  	_ =	shalt  }
0x6b: {  	_ =	shalt  }
0x6c: {  	_ =	shalt  }
0x6d: {  	_ =	shalt  }
0x6e: {  	_ =	shalt  }
0x6f: {  	_ =	shalt  }
0x70: {  	_ =	shalt  }
0x71: {  	_ =	shalt  }
0x72: {  	_ =	shalt  }
0x73: {  	_ =	shalt  }
0x74: {  	_ =	shalt  }
0x75: {  	_ =	shalt  }
0x76: {  	_ =	shalt  }
0x77: {  	_ =	shalt  }
0x78: {  	_ =	shalt  }
0x79: {  	_ =	shalt  }
0x7a: {  	_ =	shalt  }
0x7b: {  	_ =	shalt  }
0x7c: {  	_ =	shalt  }
0x7d: {  	_ =	shalt  }
0x7e: {  	_ =	shalt  }
0x7f: {  	_ =	shalt  }
0x80: {  	_ =	shalt  }
0x81: {  	_ =	shalt  }
0x82: {  	_ =	shalt  }
0x83: {  	_ =	shalt  }
0x84: {  	_ =	shalt  }
0x85: {  	_ =	shalt  }
0x86: {  	_ =	shalt  }
0x87: {  	_ =	shalt  }
.Lfunc_end0:
.L_simem_size_0:
called_computation.4_lowered:
.L_overlay_start_0:
0x88: {  	s2 =	sld [smem:$0x3FD9]  }
0x89: {  	s3 =	sld [smem:$0x3FFE];
	_ =	sdelay $0x1  }
0x8a: {  	s1 =	srdreg.scid  }
0x8b: {  	s0 =	sand.u32 $0x1, s1  }
0x8c: {  	s16 =	sshll.u32 s0, $0xA;
	s2 =	sadd.s32 s3, s2  }
0x8d: {  	s2 =	sadd.s32 s2, s16  }
0x8e: {  	[smem:$0x3FB4] =	sst s2  }
0x8f: {  	_ = 	snop  }
0x90: {  	(tm) =	ssettm $0x1  }
0x91: {  	s17 =	sld [smem:$0x3FFB];
	_ =	sdelay $0x3  }
0x92: {  	_ =	strace s17  }
0x93: {  	s2 =	sld [smem:$0x3FFC];
	_ =	sdelay $0x3  }
0x94: {  	_ =	strace s2  }
0x95: {  	s2 =	sld [smem:$0x3FFD];
	_ =	sdelay $0x3  }
0x96: {  	_ =	strace s2  }
0x97: {  	_ =	strace $0x8FFFFFFF  }
0x98: {  	s18 =	sld [smem:$0x3FDB];
	_ =	sdelay $0x1  }
0x99: {  	s19 =	simm.s32 $_scs_section_size  }
0x9a: {  	s4 =	simm.s32 $_size__tile_overlayer_lowered;
	s5 =	simm.s32 $_tile_overlayer_lowered  }
0x9b: {  	s22 =	simm.s32 $0x1BFF;
	s21 =	sshll.u32 s5, $0x1;
	s2 =	sadd.s32 s19, s18  }
0x9c: {  	s6 =	simm.s32 $0x0;
	s20 =	sshll.u32 s4, $0x1;
	s4 =	sadd.s32 s21, s2  }
0x9d: {  	[timem:s6], [sflag:s22] =	dma.local [hbm:s4], s20  }
0x9e: {  	_ =	swait.ge [sflag:s22], s20  }
0x9f: {  	s3 =	ssub.s32 $0x0, s20;
	[sflag:s22] =	ssyncset.done $0x0  }
0xa0: {  	[sflag:s22] =	ssyncadd.s32 s3;
	_ =	sdelay $0x1  }
0xa1: {  	s23 =	simm.s32 $0x1B8B  }
0xa2: {  	_ =	swait.ge [sflag:s23], $0x1  }
0xa3: {  	[sflag:s23] =	ssyncset.done $0x0  }
0xa4: {  	s25 =	simm.s32 $0x1B8E;
	s24 =	sld [smem:$0x3FFE];
	[sflag:s23] =	ssyncadd.s32 $0xFFFFFFFF  }
0xa5: {  	s26 =	simm.s32 $execute0_lowered;
	[smem:$0x3FD2] =	sst s25  }
0xa6: {  	s4 =	sshll.u32 s26, $0x1;
	_ =	strace $0x80000052;
	[dreg:$0x1] =	wrdreg $0xFFFFFFFF  }
0xa7: {  	s28 =	simm.s32 $_size_execute0_lowered;
	s2 =	sadd.s32 s2, s4;
	[dreg:$0x0] =	wrdreg $0x0  }
0xa8: {  	s4 =	sshll.u32 s28, $0x1;
	[dreg:$0x2] =	wrdreg s2  }
0xa9: {  	[dreg:$0x3] =	wrdreg s4  }
0xaa: {  	[dreg:$0x4] =	wrdreg $0xC0  }
0xab: {  	_ =	task [dreg:s6], $0x5FFFF  }
0xac: {  	[dreg:$0x1] =	wrdreg $0xFFFFFFFF  }
0xad: {  	[dreg:$0x0] =	wrdreg $0x60  }
0xae: {  	[dreg:$0x2] =	wrdreg s24  }
0xaf: {  	[dreg:$0x3] =	wrdreg $0x9  }
0xb0: {  	_ =	task.clear_ibuf [dreg:s6], $0x4FFFF;
	_ =	strace $0x90000052  }
0xb1: {  	s29 =	simm.s32 $0x9;
	_ =	strace $0x80000054  }
0xb2: {  	_ =	swait.ge [sflag:s29], $0x1  }
0xb3: {  	[sflag:s29] =	ssyncadd.s32 $0xFFFFFFFF  }
0xb4: {  	_ =	strace $0x90000054  }
0xb5: {  	_ =	sfence  }
0xb6: {  	s30 =	sld [smem:$0x0];
	_ =	sdelay $0x2  }
0xb7: {  	s31 =	sshll.u32 s1, $0xD;
	s1 =	sshrl.u32 s1, $0x2  }
0xb8: {  	s3 =	sand.u32 $0x4000, s31;
	s1 =	sadd.s32 s1, s30  }
0xb9: {  	s0 =	sor.u32 s3, s0;
	s1 =	sshll.u32 s1, $0x11  }
0xba: {  	s0 =	sor.u32 s1, s0  }
0xbb: {  	s0 =	sadd.s32 $0x8F2B, s0  }
0xbc: {  	[sflag:s0] =	ssyncadd.remote.s32 $0x1  }
0xbd: {  	_ =	sfence.sel $0xFFFF  }
0xbe: {  	[dreg:$0x0] =	wrdreg $0xFFFFFFFF;
	(pc) =	sbr.abs _section_cstart, $3  }
0xbf: {  	[dreg:$0x1] =	wrdreg $0xFFFFFFFF  }
0xc0: {  	_ =	task.clear_ibuf [dreg:s6], $0x2FFFF;
	_ =	strace $0x9FFFFFFF  }
0xc1: {  	(tm) =	ssettm $0x7FFFFFFF  }
tec
execute0_lowered:
.L_overlay_start_1:
0x0: {  	(tag) =	ssettag $0x1  }
0x1: {  	s0 =	rddreg [dreg:$0x0];
	s1 =	srdreg.scid;
	s2 =	simm.s32 $0x0  }
0x2: {  	s15 =	stileid.u32;
	s16 =	simm.s32 $0x5;
	s17 =	simm.s32 $0x4000  }
0x3: {  	s18 =	simm.s32 $0x50;
	s19 =	simm.s32 $0x8000;
	s20 =	simm.s32 $0xA800  }
0x4: {  	s22 =	simm.s32 $0xD000;
	s24 =	simm.s32 $0xF800;
	s25 =	simm.s32 $0x1  }
0x5: {  	s26 =	simm.s32 $0x2;
	s28 =	simm.s32 $0x3;
	s29 =	simm.s32 $0x4  }
0x6: {  	s1 =	sand.u32 $0x1, s1;
	[smem:$0x7FF] =	sst s2;
	s3 =	sadd.s32 $0x7400, s0  }
0x7: {  	s14 =	sadd.s32 $0x114C00, s0;
	s4 =	sshll.u32 s1, $0x4;
	_ =	strace $0x80000053  }
0x8: {  	s6 =	ssub.s32 $0x2, s1;
	s1 =	smul.u32 $0x271000, s1;
	s7 =	sor.u32 s15, s4  }
0x9: {  	s4 =	sadd.s32 $0x2E600, s0;
	s30 =	sshrl.u32 s6, $0x1;
	s15 =	smul.u32 $0x27100, s15  }
0xa: {  	s5 =	sshll.u32 s7, $0xB;
	s9 =	smul.u32 $0x138800, s7;
	s11 =	ssub.s32 s6, s30  }
0xb: {  	s12 =	smul.u32 $0x27100, s7;
	s8 =	sadd.s32 s5, s0;
	s0 =	sadd.s32 $0x5F6C00, s0  }
0xc: {  	s11 =	smax.u32 s11, $0x1;
	s5 =	sadd.s32 $0x104C00, s8;
	s31 =	sshrl.u32 s9, $0x3  }
0xd: {  	s6 =	sadd.s32 $0xF4C00, s8;
	s13 =	sadd.s32 $0x26200, s12;
	s9 =	sadd.s32 $0x26700, s31  }
0xe: {  	s10 =	sadd.s32 $0x26C00, s31;
	s12 =	sadd.s32 s14, s13;
	s13 =	sadd.s32 s0, s13  }
0xf: {  	s7 =	sadd.s32 s14, s9;
	s8 =	sadd.s32 s0, s9;
	s9 =	sadd.s32 s14, s10  }
0x10: {  	s10 =	sadd.s32 s0, s10;
	s14 =	sadd.s32 s1, s14;
	s0 =	sadd.s32 s1, s0  }
0x11: {  	s14 =	sadd.s32 s15, s14;
	s15 =	sadd.s32 s15, s0;
	s0 =	simm.s32 $0x0  }
.LBB2_1:
0x12: {  	[tilespmem:s2], [sflag:$0x5] =	stream.linear.gather [hbm4b:s5+s2], $0x3E80, $0x38;
	[tilespmem:$0x12000] =	vst v63  }
0x13: {  	_ =	swait.ge [sflag:s16], $0x3E80  }
0x14: {  	[sflag:s16] =	ssyncset.done $0x0  }
0x15: {  	[sflag:s16] =	ssyncadd.s32 $0xFFFFC180  }
0x16: {  	[tilespmem:s17], [sflag:$0x5] =	stream.linear.gather [hbm4b:s6+s2], $0x3E80, $0x38;
	[tilespmem:$0x12000] =	vst v63  }
0x17: {  	_ =	swait.ge [sflag:s16], $0x3E80  }
0x18: {  	[sflag:s16] =	ssyncset.done $0x0  }
0x19: {  	[sflag:s16] =	ssyncadd.s32 $0xFFFFC180  }
0x1a: {  	[tilespmem:s19], [sflag:$0x1] =	stream.indirect.gather [hbm4b:s3+s18], $0x80, s2, s18, $0xb8;
	[tilespmem:$0x12000] =	vst v63  }
0x1b: {  	_ = 	snop  }
0x1c: {  	[tilespmem:s20], [sflag:$0x2] =	stream.indirect.gather [hbm4b:s4+s18], $0x80, s17, s18, $0xb8;
	[tilespmem:$0x12000] =	vst v63  }
0x1d: {  	s1 =	simm.s32 $0x80  }
0x1e: {  	[tilespmem:s22], [sflag:$0x3] =	stream.indirect.gather [hbm4b:s3+s18], $0x80, s1, s18, $0xb8;
	[tilespmem:$0x12000] =	vst v63  }
0x1f: {  	s23 =	simm.s32 $0x4080  }
0x20: {  	[tilespmem:s24], [sflag:$0x4] =	stream.indirect.gather [hbm4b:s4+s18], $0x80, s23, s18, $0xb8;
	[tilespmem:$0x12000] =	vst v63  }
0x21: {  	_ =	swait.ge [sflag:s25], $0x2800  }
0x22: {  	[sflag:s25] =	ssyncset.done $0x0  }
0x23: {  	[sflag:s25] =	ssyncadd.s32 $0xFFFFD800  }
0x24: {  	_ =	swait.ge [sflag:s26], $0x2800  }
0x25: {  	[sflag:s26] =	ssyncset.done $0x0  }
0x26: {  	s1 =	sadd.s32 $0x0, s14;
	[sflag:s26] =	ssyncadd.s32 $0xFFFFD800  }
0x27: {  	[hbm4b:s1+s2] =	stream.linear.scatter [tilespmem:s19], [sflag:$0x5], $0x2800, $0x38;
	[tilespmem:$0x12000] =	vst v63  }
0x28: {  	_ =	swait.ge [sflag:s16], $0x2800  }
0x29: {  	[sflag:s16] =	ssyncset.done $0x0  }
0x2a: {  	s21 =	sadd.s32 $0x0, s15;
	[sflag:s16] =	ssyncadd.s32 $0xFFFFD800  }
0x2b: {  	[hbm4b:s21+s2] =	stream.linear.scatter [tilespmem:s20], [sflag:$0x5], $0x2800, $0x38;
	[tilespmem:$0x12000] =	vst v63  }
0x2c: {  	_ =	swait.ge [sflag:s16], $0x2800  }
0x2d: {  	[sflag:s16] =	ssyncset.done $0x0  }
0x2e: {  	s23 =	simm.s32 $0x100;
	[sflag:s16] =	ssyncadd.s32 $0xFFFFD800  }
0x2f: {  	[tilespmem:s19], [sflag:$0x1] =	stream.indirect.gather [hbm4b:s3+s18], $0x80, s23, s18, $0xb8;
	[tilespmem:$0x12000] =	vst v63  }
0x30: {  	s31 =	simm.s32 $0x4100  }
0x31: {  	[tilespmem:s20], [sflag:$0x2] =	stream.indirect.gather [hbm4b:s4+s18], $0x80, s31, s18, $0xb8;
	[tilespmem:$0x12000] =	vst v63  }
0x32: {  	_ =	swait.ge [sflag:s28], $0x2800  }
0x33: {  	[sflag:s28] =	ssyncset.done $0x0  }
0x34: {  	[sflag:s28] =	ssyncadd.s32 $0xFFFFD800  }
0x35: {  	_ =	swait.ge [sflag:s29], $0x2800  }
0x36: {  	[sflag:s29] =	ssyncset.done $0x0  }
0x37: {  	s1 =	sadd.s32 $0x500, s1;
	[sflag:s29] =	ssyncadd.s32 $0xFFFFD800  }
0x38: {  	[hbm4b:s1+s2] =	stream.linear.scatter [tilespmem:s22], [sflag:$0x5], $0x2800, $0x38;
	[tilespmem:$0x12000] =	vst v63  }
0x39: {  	_ =	swait.ge [sflag:s16], $0x2800  }
0x3a: {  	[sflag:s16] =	ssyncset.done $0x0  }
0x3b: {  	s23 =	sadd.s32 $0x500, s21;
	[sflag:s16] =	ssyncadd.s32 $0xFFFFD800  }
0x3c: {  	[hbm4b:s23+s2] =	stream.linear.scatter [tilespmem:s24], [sflag:$0x5], $0x2800, $0x38;
	[tilespmem:$0x12000] =	vst v63  }
0x3d: {  	s30 =	simm.s32 $0x4180;
	_ =	swait.ge [sflag:s16], $0x2800  }
0x3e: {  	s21 =	simm.s32 $0x4200;
	s31 =	simm.s32 $0x180;
	[sflag:s16] =	ssyncset.done $0x0  }
0x3f: {  	s1 =	simm.s32 $0xA00;
	s23 =	simm.s32 $0x200;
	[sflag:s16] =	ssyncadd.s32 $0xFFFFD800  }
0x40: {  	[tilespmem:s22], [sflag:$0x3] =	stream.indirect.gather [hbm4b:s3+s18], $0x80, s31, s18, $0xb8;
	[tilespmem:$0x12000] =	vst v63  }
.LBB2_2:
0x41: {  	[tilespmem:s24], [sflag:$0x4] =	stream.indirect.gather [hbm4b:s4+s18], $0x80, s30, s18, $0xb8;
	[tilespmem:$0x12000] =	vst v63  }
0x42: {  	s30 =	smov.u32 s1  }
0x43: {  	p0 =	sne.s32 s1, $0x25800;
	s1 =	sadd.s32 $0xA00, s1;
	_ =	swait.ge [sflag:s25], $0x2800  }
0x44: {  	[sflag:s25] =	ssyncset.done $0x0  }
0x45: {  	[sflag:s25] =	ssyncadd.s32 $0xFFFFD800  }
0x46: {  	_ =	swait.ge [sflag:s26], $0x2800  }
0x47: {  	[sflag:s26] =	ssyncset.done $0x0  }
0x48: {  	s31 =	sadd.s32 s30, s14;
	[sflag:s26] =	ssyncadd.s32 $0xFFFFD800  }
0x49: {  	[hbm4b:s31+s2] =	stream.linear.scatter [tilespmem:s19], [sflag:$0x5], $0x2800, $0x38;
	[tilespmem:$0x12000] =	vst v63  }
0x4a: {  	_ =	swait.ge [sflag:s16], $0x2800  }
0x4b: {  	[sflag:s16] =	ssyncset.done $0x0  }
0x4c: {  	s30 =	sadd.s32 s30, s15;
	[sflag:s16] =	ssyncadd.s32 $0xFFFFD800  }
0x4d: {  	[hbm4b:s30+s2] =	stream.linear.scatter [tilespmem:s20], [sflag:$0x5], $0x2800, $0x38;
	[tilespmem:$0x12000] =	vst v63  }
0x4e: {  	_ =	swait.ge [sflag:s16], $0x2800  }
0x4f: {  	[sflag:s16] =	ssyncset.done $0x0  }
0x50: {  	[sflag:s16] =	ssyncadd.s32 $0xFFFFD800  }
0x51: {  	[tilespmem:s19], [sflag:$0x1] =	stream.indirect.gather [hbm4b:s3+s18], $0x80, s23, s18, $0xb8;
	[tilespmem:$0x12000] =	vst v63  }
0x52: {  	_ = 	snop  }
0x53: {  	[tilespmem:s20], [sflag:$0x2] =	stream.indirect.gather [hbm4b:s4+s18], $0x80, s21, s18, $0xb8;
	[tilespmem:$0x12000] =	vst v63  }
0x54: {  	_ =	swait.ge [sflag:s28], $0x2800  }
0x55: {  	[sflag:s28] =	ssyncset.done $0x0  }
0x56: {  	[sflag:s28] =	ssyncadd.s32 $0xFFFFD800  }
0x57: {  	_ =	swait.ge [sflag:s29], $0x2800  }
0x58: {  	[sflag:s29] =	ssyncset.done $0x0  }
0x59: {  	s31 =	sadd.s32 $0x500, s31;
	[sflag:s29] =	ssyncadd.s32 $0xFFFFD800  }
0x5a: {  	[hbm4b:s31+s2] =	stream.linear.scatter [tilespmem:s22], [sflag:$0x5], $0x2800, $0x38;
	[tilespmem:$0x12000] =	vst v63  }
0x5b: {  	_ =	swait.ge [sflag:s16], $0x2800  }
0x5c: {  	[sflag:s16] =	ssyncset.done $0x0  }
0x5d: {  	s30 =	sadd.s32 $0x500, s30;
	[sflag:s16] =	ssyncadd.s32 $0xFFFFD800  }
0x5e: {  	[hbm4b:s30+s2] =	stream.linear.scatter [tilespmem:s24], [sflag:$0x5], $0x2800, $0x38;
	[tilespmem:$0x12000] =	vst v63  }
.Ltmp0:
0x5f: {  	_ =	swait.ge [sflag:s16], $0x2800;
	(pc) =	sbr.rel @p0 .LBB2_2-.Ltmp0, $4  }
0x60: {  	[sflag:s16] =	ssyncset.done $0x0  }
0x61: {  	s30 =	sadd.s32 $0x80, s23;
	[sflag:s16] =	ssyncadd.s32 $0xFFFFD800  }
0x62: {  	[tilespmem:s22], [sflag:$0x3] =	stream.indirect.gather [hbm4b:s3+s18], $0x80, s30, s18, $0xb8;
	[tilespmem:$0x12000] =	vst v63  }
0x63: {  	s23 =	sadd.s32 $0x100, s23;
	s30 =	sadd.s32 $0x80, s21;
	s21 =	sadd.s32 $0x100, s21  }
0x64: {  	[tilespmem:s24], [sflag:$0x4] =	stream.indirect.gather [hbm4b:s4+s18], $0x80, s30, s18, $0xb8;
	[tilespmem:$0x12000] =	vst v63  }
0x65: {  	_ =	swait.ge [sflag:s25], $0x2800  }
0x66: {  	[sflag:s25] =	ssyncset.done $0x0  }
0x67: {  	[sflag:s25] =	ssyncadd.s32 $0xFFFFD800  }
0x68: {  	_ =	swait.ge [sflag:s26], $0x2800  }
0x69: {  	[sflag:s26] =	ssyncset.done $0x0  }
0x6a: {  	[sflag:s26] =	ssyncadd.s32 $0xFFFFD800  }
0x6b: {  	[hbm4b:s12+s2] =	stream.linear.scatter [tilespmem:s19], [sflag:$0x5], $0x2800, $0x38;
	[tilespmem:$0x12000] =	vst v63  }
0x6c: {  	_ =	swait.ge [sflag:s16], $0x2800  }
0x6d: {  	[sflag:s16] =	ssyncset.done $0x0  }
0x6e: {  	[sflag:s16] =	ssyncadd.s32 $0xFFFFD800  }
0x6f: {  	[hbm4b:s13+s2] =	stream.linear.scatter [tilespmem:s20], [sflag:$0x5], $0x2800, $0x38;
	[tilespmem:$0x12000] =	vst v63  }
0x70: {  	_ =	swait.ge [sflag:s16], $0x2800  }
0x71: {  	[sflag:s16] =	ssyncset.done $0x0  }
0x72: {  	s1 =	simm.s32 $0x3E00;
	[sflag:s16] =	ssyncadd.s32 $0xFFFFD800  }
0x73: {  	[tilespmem:s19], [sflag:$0x1] =	stream.indirect.gather [hbm4b:s3+s18], $0x80, s1, s18, $0xb8;
	[tilespmem:$0x12000] =	vst v63  }
0x74: {  	s31 =	simm.s32 $0x7E00  }
0x75: {  	[tilespmem:s20], [sflag:$0x2] =	stream.indirect.gather [hbm4b:s4+s18], $0x80, s31, s18, $0xb8;
	[tilespmem:$0x12000] =	vst v63  }
0x76: {  	_ =	swait.ge [sflag:s28], $0x2800  }
0x77: {  	[sflag:s28] =	ssyncset.done $0x0  }
0x78: {  	[sflag:s28] =	ssyncadd.s32 $0xFFFFD800  }
0x79: {  	_ =	swait.ge [sflag:s29], $0x2800  }
0x7a: {  	[sflag:s29] =	ssyncset.done $0x0  }
0x7b: {  	[sflag:s29] =	ssyncadd.s32 $0xFFFFD800  }
0x7c: {  	[hbm4b:s7+s2] =	stream.linear.scatter [tilespmem:s22], [sflag:$0x5], $0x2800, $0x38;
	[tilespmem:$0x12000] =	vst v63  }
0x7d: {  	_ =	swait.ge [sflag:s16], $0x2800  }
0x7e: {  	[sflag:s16] =	ssyncset.done $0x0  }
0x7f: {  	[sflag:s16] =	ssyncadd.s32 $0xFFFFD800  }
0x80: {  	[hbm4b:s8+s2] =	stream.linear.scatter [tilespmem:s24], [sflag:$0x5], $0x2800, $0x38;
	[tilespmem:$0x12000] =	vst v63  }
0x81: {  	_ =	swait.ge [sflag:s16], $0x2800  }
0x82: {  	[sflag:s16] =	ssyncset.done $0x0  }
0x83: {  	[sflag:s16] =	ssyncadd.s32 $0xFFFFD800  }
0x84: {  	_ =	swait.ge [sflag:s25], $0x2800  }
0x85: {  	[sflag:s25] =	ssyncset.done $0x0  }
0x86: {  	[sflag:s25] =	ssyncadd.s32 $0xFFFFD800  }
0x87: {  	_ =	swait.ge [sflag:s26], $0x2800  }
0x88: {  	[sflag:s26] =	ssyncset.done $0x0  }
0x89: {  	[sflag:s26] =	ssyncadd.s32 $0xFFFFD800  }
0x8a: {  	[hbm4b:s9+s2] =	stream.linear.scatter [tilespmem:s19], [sflag:$0x5], $0x2800, $0x38;
	[tilespmem:$0x12000] =	vst v63  }
0x8b: {  	s0 =	sadd.s32 $0x1, s0;
	_ =	swait.ge [sflag:s16], $0x2800  }
0x8c: {  	p0 =	sne.s32 s0, s11;
	[sflag:s16] =	ssyncset.done $0x0  }
.Ltmp1:
0x8d: {  	[sflag:s16] =	ssyncadd.s32 $0xFFFFD800;
	(pc) =	sbr.rel @p0 .LBB2_1-.Ltmp1, $4  }
0x8e: {  	[hbm4b:s10+s2] =	stream.linear.scatter [tilespmem:s20], [sflag:$0x5], $0x2800, $0x38;
	[tilespmem:$0x12000] =	vst v63  }
0x8f: {  	_ =	swait.ge [sflag:s16], $0x2800  }
0x90: {  	[sflag:s16] =	ssyncset.done $0x0  }
0x91: {  	[sflag:s16] =	ssyncadd.s32 $0xFFFFD800  }
0x92: {  	_ =	sfence.sel $0x180000  }
0x93: {  	[bflag:$0x0] =	sbarrier.arrive $0xFFFF  }
0x94: {  	_ =	strace $0x90000053  }
0x95: {  	s0 =	stileid.u32;
	[bflag:$0x2] =	sbarrier.arrive $0xFFFF  }
0x96: {  	p0 =	sne.s32 s0, $0x0;
	s0 =	rddreg [dreg:$0x1]  }
0x97: {  	s0 =	sadd.s32 @!p0 $0x100000, s0  }
0x98: {  	[sflag:s0] =	ssyncadd.tile.s32 @!p0 $0x1;
	_ =	shalt  }
.Lfunc_end2:
_tile_overlayer_lowered:
.L_overlay_start_2:
0x99: {  	(tag) =	ssettag $0x2  }
0x9a: {  	s0 =	rddreg [dreg:$0x0];
	s2 =	stileid.u32  }
0x9b: {  	s1 =	rddreg [dreg:$0x1];
	p0 =	sne.s32 s2, $0x0  }
0x9c: {  	s3 =	rddreg [dreg:$0x2];
	[bflag:$0x3] =	sbarrier.arrive $0xFFFF;
	s2 =	simm.s32 @!p0 $0x1C05  }
0x9d: {  	[timem:s3], [sflag:s2] =	dma.local @!p0 [hbm:s0], s1  }
0x9e: {  	s0 =	simm.s32 @!p0 $0x5  }
0x9f: {  	_ =	swait.ge @!p0 [sflag:s0], s1  }
0xa0: {  	s1 =	ssub.s32 @!p0 $0x0, s1;
	[sflag:s0] =	ssyncset.done @!p0 $0x0  }
0xa1: {  	[sflag:s0] =	ssyncadd.s32 @!p0 s1  }
0xa2: {  	[bflag:$0x3] =	sbarrier.arrive $0xFFFF  }
0xa3: {  	_ =	shalt  }

</sc_bundles>
